<compile_context>
chip_gen: v7x
topology: tpu7x:2x2x1
jax: 0.10.2.dev20260603
libtpu: 0.0.44.dev20260713+nightly
codegen_flags: <defaults>
</compile_context>

<pallas_src>
import functools
import jax
import jax.numpy as jnp
from jax import lax
from jax.experimental import pallas as pl
from jax.experimental.pallas import tpu as pltpu
from jax.experimental.pallas import tpu_sc as plsc

N = 10000
E = 320000
D = 128
H = 128
C = 40
CP = 64

NC, NS = 2, 16
CH = 128
NCHT = 160
E_PAD = NS * NCHT * CH
N_ACC = 10112
ROWS_PT = N_ACC // NS
TROWS_PT = N // NS


@functools.lru_cache(maxsize=None)
def _seg_sum_kernel(FH, nbuf, QC):
  assert QC % nbuf == 0 and NCHT % QC == 0
  mesh = plsc.VectorSubcoreMesh(
      core_axis_name="c", subcore_axis_name="s", num_cores=NC, num_subcores=NS)

  @functools.partial(
      pl.kernel,
      out_type=jax.ShapeDtypeStruct((NC, N_ACC, FH), jnp.float32),
      mesh=mesh,
      scratch_types=(
          [
              pltpu.VMEM((QC, CH), jnp.int32),
              pltpu.VMEM((QC, CH), jnp.int32),
          ]
          + [pltpu.VMEM((CH, FH), jnp.float32) for _ in range(nbuf)]
          + [
              pltpu.VMEM_SHARED((N, FH), jnp.float32),
              pltpu.VMEM_SHARED((N_ACC, FH), jnp.float32),
          ]
          + [pltpu.SemaphoreType.DMA for _ in range(nbuf)]
      ),
      compiler_params=pltpu.CompilerParams(use_tc_tiling_on_sc=False),
  )
  def seg_sum(h2_hbm, src_hbm, dst_hbm, out_hbm, src_v, dst_v, *rest):
    bufs = rest[:nbuf]
    table = rest[nbuf]
    acc = rest[nbuf + 1]
    sems = rest[nbuf + 2:]
    c = lax.axis_index("c")
    s = lax.axis_index("s")

    zv = jnp.zeros((16,), jnp.float32)

    with jax.named_scope("stage"):
      def zrow(i, carry):
        for k in range(FH // 16):
          bufs[0][i, pl.ds(k * 16, 16)] = zv
        return carry

      lax.fori_loop(0, CH, zrow, 0)

      base = s * ROWS_PT
      for r in range(ROWS_PT // CH):
        pltpu.sync_copy(bufs[0], acc.at[pl.ds(base + r * CH, CH)])
      rem = ROWS_PT % CH
      if rem:
        pltpu.sync_copy(bufs[0].at[pl.ds(0, rem)],
                        acc.at[pl.ds(base + (ROWS_PT // CH) * CH, rem)])

      tbase = s * TROWS_PT
      pltpu.sync_copy(h2_hbm.at[pl.ds(tbase, TROWS_PT), pl.ds(c * FH, FH)],
                      table.at[pl.ds(tbase, TROWS_PT)])

      plsc.subcore_barrier()

    def wait_gather(k):
      pltpu.make_async_copy(table.at[pl.ds(0, CH)], bufs[k], sems[k]).wait()

    with jax.named_scope("edges"):
      for g in range(NCHT // QC):
        chunk0 = s * NCHT + g * QC
        pltpu.sync_copy(src_hbm.at[pl.ds(chunk0, QC)], src_v)
        pltpu.sync_copy(dst_hbm.at[pl.ds(chunk0, QC)], dst_v)

        for k in range(nbuf):
          pltpu.async_copy(table.at[src_v.at[k]], bufs[k], sems[k])

        def body(q, carry):
          j = q * nbuf
          for k in range(nbuf):
            wait_gather(k)
            pltpu.sync_copy(bufs[k], acc.at[dst_v.at[j + k]], add=True)
            pltpu.async_copy(table.at[src_v.at[j + k + nbuf]], bufs[k], sems[k])
          return carry

        lax.fori_loop(0, QC // nbuf - 1, body, 0)

        j = QC - nbuf
        for k in range(nbuf):
          wait_gather(k)
          pltpu.sync_copy(bufs[k], acc.at[dst_v.at[j + k]], add=True)

      plsc.subcore_barrier()

    with jax.named_scope("copyout"):
      pltpu.sync_copy(acc.at[pl.ds(base, ROWS_PT)],
                      out_hbm.at[c, pl.ds(base, ROWS_PT)])

  return seg_sum


def _mlp_body(x_ref, a0_ref, a1_ref, w1_ref, b1_ref, w2_ref, m_ref):
  agg = jnp.concatenate([a0_ref[0], a1_ref[0]], axis=1)
  t = x_ref[...] + agg
  h = jnp.dot(t, w1_ref[...], preferred_element_type=jnp.float32) + b1_ref[...]
  h = jnp.maximum(h, 0.0)
  m_ref[...] = jnp.dot(h, w2_ref[...], preferred_element_type=jnp.float32)


def _mlp(x, agg, w1, b1, w2p):
  blk = 1000
  grid = (N // blk,)
  hd = D // 2
  return pl.pallas_call(
      _mlp_body,
      grid=grid,
      in_specs=[
          pl.BlockSpec((blk, D), lambda i: (i, 0)),
          pl.BlockSpec((1, blk, hd), lambda i: (0, i, 0)),
          pl.BlockSpec((1, blk, hd), lambda i: (1, i, 0)),
          pl.BlockSpec((D, H), lambda i: (0, 0)),
          pl.BlockSpec((1, H), lambda i: (0, 0)),
          pl.BlockSpec((H, CP), lambda i: (0, 0)),
      ],
      out_specs=pl.BlockSpec((blk, CP), lambda i: (i, 0)),
      out_shape=jax.ShapeDtypeStruct((N, CP), jnp.float32),
  )(x, agg, agg, w1, b1, w2p)


def _final_body(m_ref, a0_ref, a1_ref, b2_ref, o_ref):
  agg = jnp.concatenate([a0_ref[0], a1_ref[0][:, :C - CP // 2]], axis=1)
  o_ref[...] = m_ref[...][:, :C] + agg + b2_ref[...]


def _final(m, agg, b2r):
  blk = 1000
  grid = (N // blk,)
  hc = CP // 2
  return pl.pallas_call(
      _final_body,
      grid=grid,
      in_specs=[
          pl.BlockSpec((blk, CP), lambda i: (i, 0)),
          pl.BlockSpec((1, blk, hc), lambda i: (0, i, 0)),
          pl.BlockSpec((1, blk, hc), lambda i: (1, i, 0)),
          pl.BlockSpec((1, C), lambda i: (0, 0)),
      ],
      out_specs=pl.BlockSpec((blk, C), lambda i: (i, 0)),
      out_shape=jax.ShapeDtypeStruct((N, C), jnp.float32),
  )(m, agg, agg, b2r)


def kernel(x, edge_index, W1, b1, W2, b2):
  src = edge_index[0].astype(jnp.int32)
  dst = edge_index[1].astype(jnp.int32)
  pad = E_PAD - E
  dump = N + jnp.arange(pad, dtype=jnp.int32) % (N_ACC - N)
  src_p = jnp.concatenate([src, jnp.zeros((pad,), jnp.int32)]).reshape(-1, CH)
  dst_p = jnp.concatenate([dst, dump]).reshape(-1, CH)

  w2p = jnp.pad(W2, ((0, 0), (0, CP - C)))
  b1r = b1.reshape(1, H)
  b2r = b2.reshape(1, C)

  agg_x = _seg_sum_kernel(D // 2, 2, 80)(x, src_p, dst_p)
  m = _mlp(x, agg_x, W1, b1r, w2p)
  agg_m = _seg_sum_kernel(CP // 2, 8, 80)(m, src_p, dst_p)
  return _final(m, agg_m, b2r)

# --- scband reference (transcript-rebuilt; emitter-appended) ---
"""Pipeline reference for scband-gin-2layer-79027398246922 (READ-ONLY COPY).

The authoritative reference and input builder live on the scoring server;
editing this copy changes nothing except your own understanding.
"""

import jax, jax.numpy as jnp
import numpy as np

N = 10000
E = 320000
D = 128
H = 128
C = 40


def setup_inputs(seed: int = 0) -> dict:
    key = jax.random.key(seed)
    ks = jax.random.split(key, 6)
    x = jax.random.normal(ks[0], (N, D), dtype=jnp.float32)
    edge_index = jax.random.randint(ks[1], (2, E), 0, N)
    W1 = jax.random.normal(ks[2], (D, H), dtype=jnp.float32) * 0.05
    b1 = jnp.zeros((H,), dtype=jnp.float32)
    W2 = jax.random.normal(ks[3], (H, C), dtype=jnp.float32) * 0.05
    b2 = jnp.zeros((C,), dtype=jnp.float32)
    return {"x": x, "edge_index": edge_index, "W1": W1, "b1": b1, "W2": W2, "b2": b2}


def reference(x, edge_index, W1, b1, W2, b2):
    # GINConv with default eps=0: out = MLP((1+eps)*x + sum_{j in N(i)} x_j)
    src = edge_index[0]
    dst = edge_index[1]

    def gin(h, W, b):
        msgs = h[src]  # gather source node features per edge
        agg = jax.ops.segment_sum(msgs, dst, num_segments=N)  # scatter-add to dst
        return (h + agg) @ W + b

    h = gin(x, W1, b1)
    h = jax.nn.relu(h)
    # dropout p=0.5 is identity in eval mode (training=False)
    out = gin(h, W2, b2)
    return out

if __name__ == "__main__":
    import jax
    _d = setup_inputs()
    print(jax.jit(kernel)(*tuple(_d.values())))

</pallas_src>

<mosaic_0001>
#map = affine_map<(d0, d1) -> (0, 0)>
#map1 = affine_map<(d0, d1) -> (0, 0, 0)>
module attributes {stable_mosaic.version = 14 : i64} {
  func.func @seg_sum(%arg0: i32, %arg1: i32, %arg2: memref<10000x64xf32, #tpu.memory_space<hbm>>, %arg3: memref<2560x128xi32, #tpu.memory_space<hbm>>, %arg4: memref<2560x128xi32, #tpu.memory_space<hbm>>, %arg5: memref<2x10112x32xf32, #tpu.memory_space<hbm>>, %arg6: memref<80x128xi32, #tpu.memory_space<vmem>>, %arg7: memref<80x128xi32, #tpu.memory_space<vmem>>, %arg8: memref<128x32xf32, #tpu.memory_space<vmem>>, %arg9: memref<128x32xf32, #tpu.memory_space<vmem>>, %arg10: memref<128x32xf32, #tpu.memory_space<vmem>>, %arg11: memref<128x32xf32, #tpu.memory_space<vmem>>, %arg12: memref<128x32xf32, #tpu.memory_space<vmem>>, %arg13: memref<128x32xf32, #tpu.memory_space<vmem>>, %arg14: memref<128x32xf32, #tpu.memory_space<vmem>>, %arg15: memref<128x32xf32, #tpu.memory_space<vmem>>, %arg16: memref<10000x32xf32, #tpu.memory_space<vmem_shared>>, %arg17: memref<10112x32xf32, #tpu.memory_space<vmem_shared>>, %arg18: memref<!tpu.dma_semaphore, #tpu.memory_space<semaphore_mem>>, %arg19: memref<!tpu.dma_semaphore, #tpu.memory_space<semaphore_mem>>, %arg20: memref<!tpu.dma_semaphore, #tpu.memory_space<semaphore_mem>>, %arg21: memref<!tpu.dma_semaphore, #tpu.memory_space<semaphore_mem>>, %arg22: memref<!tpu.dma_semaphore, #tpu.memory_space<semaphore_mem>>, %arg23: memref<!tpu.dma_semaphore, #tpu.memory_space<semaphore_mem>>, %arg24: memref<!tpu.dma_semaphore, #tpu.memory_space<semaphore_mem>>, %arg25: memref<!tpu.dma_semaphore, #tpu.memory_space<semaphore_mem>>) attributes {dimension_semantics = [#tpu.dimension_semantics<core_parallel>, #tpu.dimension_semantics<subcore_parallel>], iteration_bounds = array<i64: 2, 16>, scalar_prefetch = 0 : i64, scratch_operands = 20 : i64, tpu.core_type = #tpu.core_type<sc_vector_subcore>, window_params = [{transform_indices = #map}, {transform_indices = #map}, {transform_indices = #map}, {transform_indices = #map1}]} {
    %broadcast_in_dim3A = arith.constant 0.000000e+00 : f32
    %broadcast_in_dim3A_0 = vector.broadcast %broadcast_in_dim3A : f32 to vector<16xf32>
    "tpu.trace_start"() <{level = 10 : i32, message = "stage"}> : () -> ()
    %scan3A = arith.constant 0 : i32
    %scan3A_1 = arith.constant 0 : i32
    %scan3A_2 = arith.constant 128 : i32
    %scan3A_3 = arith.addi %scan3A_1, %scan3A_2 : i32
    %scan3A_4 = arith.constant 1 : i32
    scf.for %scan3A_262 = %scan3A_1 to %scan3A_3 step %scan3A_4  : i32 {
      %swap3A = arith.index_cast %scan3A_262 : i32 to index
      %swap3A_263 = arith.constant 0 : index
      %swap3A_264 = tpu.vector_load %arg8[%swap3A, %swap3A_263] {strides = array<i32>} : memref<128x32xf32, #tpu.memory_space<vmem>>, vector<1x16xf32>,
      %swap3A_265 = vector.shape_cast %swap3A_264 : vector<1x16xf32> to vector<16xf32>
      %swap3A_266 = vector.shape_cast %broadcast_in_dim3A_0 : vector<16xf32> to vector<1x16xf32>
      tpu.vector_store %arg8[%swap3A, %swap3A_263], %swap3A_266 {strides = array<i32>} : memref<128x32xf32, #tpu.memory_space<vmem>>, vector<1x16xf32>,
      %swap3A_267 = arith.index_cast %scan3A_262 : i32 to index
      %swap3A_268 = arith.constant 16 : index
      %swap3A_269 = tpu.vector_load %arg8[%swap3A_267, %swap3A_268] {strides = array<i32>} : memref<128x32xf32, #tpu.memory_space<vmem>>, vector<1x16xf32>,
      %swap3A_270 = vector.shape_cast %swap3A_269 : vector<1x16xf32> to vector<16xf32>
      %swap3A_271 = vector.shape_cast %broadcast_in_dim3A_0 : vector<16xf32> to vector<1x16xf32>
      tpu.vector_store %arg8[%swap3A_267, %swap3A_268], %swap3A_271 {strides = array<i32>} : memref<128x32xf32, #tpu.memory_space<vmem>>, vector<1x16xf32>,
    }
    %scan3A_5 = arith.constant 128 : i32
    %mul3A = arith.constant 632 : i32
    %mul3A_6 = arith.muli %arg1, %mul3A : i32
    %add3A = arith.constant 0 : i32
    %add3A_7 = arith.addi %mul3A_6, %add3A : i32
    "tpu.region"() ({
      %run_scoped3A_262 = tpu.sem_alloc : memref<!tpu.dma_semaphore, #tpu.memory_space<semaphore_mem>>
      %dma_start3A_263 = arith.constant 0 : i32
      %dma_start3A_264 = tpu.memref_slice %arg17[%add3A_7, %dma_start3A_263] : memref<10112x32xf32, #tpu.memory_space<vmem_shared>> -> memref<128x32xf32, #tpu.memory_space<vmem_shared>>
      %dma_start3A_265 = arith.constant 0 : i32
      %dma_start3A_266 = tpu.memref_slice %arg17[%add3A_7, %dma_start3A_265] : memref<10112x32xf32, #tpu.memory_space<vmem_shared>> -> memref<128x32xf32, #tpu.memory_space<vmem_shared>>
      tpu.enqueue_dma source(%arg8 : memref<128x32xf32, #tpu.memory_space<vmem>>) target(%dma_start3A_266 : memref<128x32xf32, #tpu.memory_space<vmem_shared>>) target_semaphore(%run_scoped3A_262 : memref<!tpu.dma_semaphore, #tpu.memory_space<semaphore_mem>>)
      %dma_wait3A_267 = arith.constant 0 : i32
      %dma_wait3A_268 = tpu.memref_slice %arg17[%add3A_7, %dma_wait3A_267] : memref<10112x32xf32, #tpu.memory_space<vmem_shared>> -> memref<128x32xf32, #tpu.memory_space<vmem_shared>>
      %dma_wait3A_269 = arith.constant 0 : i32
      %dma_wait3A_270 = tpu.memref_slice %arg17[%add3A_7, %dma_wait3A_269] : memref<10112x32xf32, #tpu.memory_space<vmem_shared>> -> memref<128x32xf32, #tpu.memory_space<vmem_shared>>
      tpu.wait_dma2 semaphore(%run_scoped3A_262 : memref<!tpu.dma_semaphore, #tpu.memory_space<semaphore_mem>>) src(%arg8 : memref<128x32xf32, #tpu.memory_space<vmem>>) dst(%dma_wait3A_270 : memref<128x32xf32, #tpu.memory_space<vmem_shared>>)
      tpu.yield
    }) : () -> ()
    %add3A_8 = arith.constant 128 : i32
    %add3A_9 = arith.addi %mul3A_6, %add3A_8 : i32
    "tpu.region"() ({
      %run_scoped3A_262 = tpu.sem_alloc : memref<!tpu.dma_semaphore, #tpu.memory_space<semaphore_mem>>
      %dma_start3A_263 = arith.constant 0 : i32
      %dma_start3A_264 = tpu.memref_slice %arg17[%add3A_9, %dma_start3A_263] : memref<10112x32xf32, #tpu.memory_space<vmem_shared>> -> memref<128x32xf32, #tpu.memory_space<vmem_shared>>
      %dma_start3A_265 = arith.constant 0 : i32
      %dma_start3A_266 = tpu.memref_slice %arg17[%add3A_9, %dma_start3A_265] : memref<10112x32xf32, #tpu.memory_space<vmem_shared>> -> memref<128x32xf32, #tpu.memory_space<vmem_shared>>
      tpu.enqueue_dma source(%arg8 : memref<128x32xf32, #tpu.memory_space<vmem>>) target(%dma_start3A_266 : memref<128x32xf32, #tpu.memory_space<vmem_shared>>) target_semaphore(%run_scoped3A_262 : memref<!tpu.dma_semaphore, #tpu.memory_space<semaphore_mem>>)
      %dma_wait3A_267 = arith.constant 0 : i32
      %dma_wait3A_268 = tpu.memref_slice %arg17[%add3A_9, %dma_wait3A_267] : memref<10112x32xf32, #tpu.memory_space<vmem_shared>> -> memref<128x32xf32, #tpu.memory_space<vmem_shared>>
      %dma_wait3A_269 = arith.constant 0 : i32
      %dma_wait3A_270 = tpu.memref_slice %arg17[%add3A_9, %dma_wait3A_269] : memref<10112x32xf32, #tpu.memory_space<vmem_shared>> -> memref<128x32xf32, #tpu.memory_space<vmem_shared>>
      tpu.wait_dma2 semaphore(%run_scoped3A_262 : memref<!tpu.dma_semaphore, #tpu.memory_space<semaphore_mem>>) src(%arg8 : memref<128x32xf32, #tpu.memory_space<vmem>>) dst(%dma_wait3A_270 : memref<128x32xf32, #tpu.memory_space<vmem_shared>>)
      tpu.yield
    }) : () -> ()
    %add3A_10 = arith.constant 256 : i32
    %add3A_11 = arith.addi %mul3A_6, %add3A_10 : i32
    "tpu.region"() ({
      %run_scoped3A_262 = tpu.sem_alloc : memref<!tpu.dma_semaphore, #tpu.memory_space<semaphore_mem>>
      %dma_start3A_263 = arith.constant 0 : i32
      %dma_start3A_264 = tpu.memref_slice %arg17[%add3A_11, %dma_start3A_263] : memref<10112x32xf32, #tpu.memory_space<vmem_shared>> -> memref<128x32xf32, #tpu.memory_space<vmem_shared>>
      %dma_start3A_265 = arith.constant 0 : i32
      %dma_start3A_266 = tpu.memref_slice %arg17[%add3A_11, %dma_start3A_265] : memref<10112x32xf32, #tpu.memory_space<vmem_shared>> -> memref<128x32xf32, #tpu.memory_space<vmem_shared>>
      tpu.enqueue_dma source(%arg8 : memref<128x32xf32, #tpu.memory_space<vmem>>) target(%dma_start3A_266 : memref<128x32xf32, #tpu.memory_space<vmem_shared>>) target_semaphore(%run_scoped3A_262 : memref<!tpu.dma_semaphore, #tpu.memory_space<semaphore_mem>>)
      %dma_wait3A_267 = arith.constant 0 : i32
      %dma_wait3A_268 = tpu.memref_slice %arg17[%add3A_11, %dma_wait3A_267] : memref<10112x32xf32, #tpu.memory_space<vmem_shared>> -> memref<128x32xf32, #tpu.memory_space<vmem_shared>>
      %dma_wait3A_269 = arith.constant 0 : i32
      %dma_wait3A_270 = tpu.memref_slice %arg17[%add3A_11, %dma_wait3A_269] : memref<10112x32xf32, #tpu.memory_space<vmem_shared>> -> memref<128x32xf32, #tpu.memory_space<vmem_shared>>
      tpu.wait_dma2 semaphore(%run_scoped3A_262 : memref<!tpu.dma_semaphore, #tpu.memory_space<semaphore_mem>>) src(%arg8 : memref<128x32xf32, #tpu.memory_space<vmem>>) dst(%dma_wait3A_270 : memref<128x32xf32, #tpu.memory_space<vmem_shared>>)
      tpu.yield
    }) : () -> ()
    %add3A_12 = arith.constant 384 : i32
    %add3A_13 = arith.addi %mul3A_6, %add3A_12 : i32
    "tpu.region"() ({
      %run_scoped3A_262 = tpu.sem_alloc : memref<!tpu.dma_semaphore, #tpu.memory_space<semaphore_mem>>
      %dma_start3A_263 = arith.constant 0 : i32
      %dma_start3A_264 = tpu.memref_slice %arg17[%add3A_13, %dma_start3A_263] : memref<10112x32xf32, #tpu.memory_space<vmem_shared>> -> memref<128x32xf32, #tpu.memory_space<vmem_shared>>
      %dma_start3A_265 = arith.constant 0 : i32
      %dma_start3A_266 = tpu.memref_slice %arg17[%add3A_13, %dma_start3A_265] : memref<10112x32xf32, #tpu.memory_space<vmem_shared>> -> memref<128x32xf32, #tpu.memory_space<vmem_shared>>
      tpu.enqueue_dma source(%arg8 : memref<128x32xf32, #tpu.memory_space<vmem>>) target(%dma_start3A_266 : memref<128x32xf32, #tpu.memory_space<vmem_shared>>) target_semaphore(%run_scoped3A_262 : memref<!tpu.dma_semaphore, #tpu.memory_space<semaphore_mem>>)
      %dma_wait3A_267 = arith.constant 0 : i32
      %dma_wait3A_268 = tpu.memref_slice %arg17[%add3A_13, %dma_wait3A_267] : memref<10112x32xf32, #tpu.memory_space<vmem_shared>> -> memref<128x32xf32, #tpu.memory_space<vmem_shared>>
      %dma_wait3A_269 = arith.constant 0 : i32
      %dma_wait3A_270 = tpu.memref_slice %arg17[%add3A_13, %dma_wait3A_269] : memref<10112x32xf32, #tpu.memory_space<vmem_shared>> -> memref<128x32xf32, #tpu.memory_space<vmem_shared>>
      tpu.wait_dma2 semaphore(%run_scoped3A_262 : memref<!tpu.dma_semaphore, #tpu.memory_space<semaphore_mem>>) src(%arg8 : memref<128x32xf32, #tpu.memory_space<vmem>>) dst(%dma_wait3A_270 : memref<128x32xf32, #tpu.memory_space<vmem_shared>>)
      tpu.yield
    }) : () -> ()
    %add3A_14 = arith.constant 512 : i32
    %add3A_15 = arith.addi %mul3A_6, %add3A_14 : i32
    "tpu.region"() ({
      %run_scoped3A_262 = tpu.sem_alloc : memref<!tpu.dma_semaphore, #tpu.memory_space<semaphore_mem>>
      %dma_start3A_263 = arith.constant 0 : i32
      %dma_start3A_264 = arith.constant 0 : i32
      %dma_start3A_265 = tpu.memref_slice %arg8[%dma_start3A_263, %dma_start3A_264] : memref<128x32xf32, #tpu.memory_space<vmem>> -> memref<120x32xf32, #tpu.memory_space<vmem>>
      %dma_start3A_266 = arith.constant 0 : i32
      %dma_start3A_267 = tpu.memref_slice %arg17[%add3A_15, %dma_start3A_266] : memref<10112x32xf32, #tpu.memory_space<vmem_shared>> -> memref<120x32xf32, #tpu.memory_space<vmem_shared>>
      %dma_start3A_268 = arith.constant 0 : i32
      %dma_start3A_269 = tpu.memref_slice %arg17[%add3A_15, %dma_start3A_268] : memref<10112x32xf32, #tpu.memory_space<vmem_shared>> -> memref<120x32xf32, #tpu.memory_space<vmem_shared>>
      %dma_start3A_270 = arith.constant 0 : i32
      %dma_start3A_271 = arith.constant 0 : i32
      %dma_start3A_272 = tpu.memref_slice %arg8[%dma_start3A_270, %dma_start3A_271] : memref<128x32xf32, #tpu.memory_space<vmem>> -> memref<120x32xf32, #tpu.memory_space<vmem>>
      tpu.enqueue_dma source(%dma_start3A_272 : memref<120x32xf32, #tpu.memory_space<vmem>>) target(%dma_start3A_269 : memref<120x32xf32, #tpu.memory_space<vmem_shared>>) target_semaphore(%run_scoped3A_262 : memref<!tpu.dma_semaphore, #tpu.memory_space<semaphore_mem>>)
      %dma_wait3A_273 = arith.constant 0 : i32
      %dma_wait3A_274 = arith.constant 0 : i32
      %dma_wait3A_275 = tpu.memref_slice %arg8[%dma_wait3A_273, %dma_wait3A_274] : memref<128x32xf32, #tpu.memory_space<vmem>> -> memref<120x32xf32, #tpu.memory_space<vmem>>
      %dma_wait3A_276 = arith.constant 0 : i32
      %dma_wait3A_277 = tpu.memref_slice %arg17[%add3A_15, %dma_wait3A_276] : memref<10112x32xf32, #tpu.memory_space<vmem_shared>> -> memref<120x32xf32, #tpu.memory_space<vmem_shared>>
      %dma_wait3A_278 = arith.constant 0 : i32
      %dma_wait3A_279 = tpu.memref_slice %arg17[%add3A_15, %dma_wait3A_278] : memref<10112x32xf32, #tpu.memory_space<vmem_shared>> -> memref<120x32xf32, #tpu.memory_space<vmem_shared>>
      %dma_wait3A_280 = arith.constant 0 : i32
      %dma_wait3A_281 = arith.constant 0 : i32
      %dma_wait3A_282 = tpu.memref_slice %arg8[%dma_wait3A_280, %dma_wait3A_281] : memref<128x32xf32, #tpu.memory_space<vmem>> -> memref<120x32xf32, #tpu.memory_space<vmem>>
      tpu.wait_dma2 semaphore(%run_scoped3A_262 : memref<!tpu.dma_semaphore, #tpu.memory_space<semaphore_mem>>) src(%dma_wait3A_282 : memref<120x32xf32, #tpu.memory_space<vmem>>) dst(%dma_wait3A_279 : memref<120x32xf32, #tpu.memory_space<vmem_shared>>)
      tpu.yield
    }) : () -> ()
    %mul3A_16 = arith.constant 625 : i32
    %mul3A_17 = arith.muli %arg1, %mul3A_16 : i32
    %mul3A_18 = arith.constant 32 : i32
    %mul3A_19 = arith.muli %arg0, %mul3A_18 : i32
    "tpu.region"() ({
      %run_scoped3A_262 = tpu.sem_alloc : memref<!tpu.dma_semaphore, #tpu.memory_space<semaphore_mem>>
      %dma_start3A_263 = arith.constant 0 : i32
      %dma_start3A_264 = tpu.memref_slice %arg16[%mul3A_17, %dma_start3A_263] : memref<10000x32xf32, #tpu.memory_space<vmem_shared>> -> memref<625x32xf32, #tpu.memory_space<vmem_shared>>
      %dma_start3A_265 = tpu.memref_slice %arg2[%mul3A_17, %mul3A_19] : memref<10000x64xf32, #tpu.memory_space<hbm>> -> memref<625x32xf32, #tpu.memory_space<hbm>>
      tpu.enqueue_dma source(%dma_start3A_265 : memref<625x32xf32, #tpu.memory_space<hbm>>) target(%dma_start3A_264 : memref<625x32xf32, #tpu.memory_space<vmem_shared>>) target_semaphore(%run_scoped3A_262 : memref<!tpu.dma_semaphore, #tpu.memory_space<semaphore_mem>>)
      %dma_wait3A_266 = arith.constant 0 : i32
      %dma_wait3A_267 = tpu.memref_slice %arg16[%mul3A_17, %dma_wait3A_266] : memref<10000x32xf32, #tpu.memory_space<vmem_shared>> -> memref<625x32xf32, #tpu.memory_space<vmem_shared>>
      %dma_wait3A_268 = tpu.memref_slice %arg2[%mul3A_17, %mul3A_19] : memref<10000x64xf32, #tpu.memory_space<hbm>> -> memref<625x32xf32, #tpu.memory_space<hbm>>
      tpu.wait_dma2 semaphore(%run_scoped3A_262 : memref<!tpu.dma_semaphore, #tpu.memory_space<semaphore_mem>>) src(%dma_wait3A_268 : memref<625x32xf32, #tpu.memory_space<hbm>>) dst(%dma_wait3A_267 : memref<625x32xf32, #tpu.memory_space<vmem_shared>>)
      tpu.yield
    }) : () -> ()
    %barrier3A = arith.constant 0 : index
    tpu.barrier barrier_id(%barrier3A)
    "tpu.trace_stop"() : () -> ()
    "tpu.trace_start"() <{level = 10 : i32, message = "edges"}> : () -> ()
    %mul3A_20 = arith.constant 160 : i32
    %mul3A_21 = arith.muli %arg1, %mul3A_20 : i32
    %add3A_22 = arith.constant 0 : i32
    %add3A_23 = arith.addi %mul3A_21, %add3A_22 : i32
    "tpu.region"() ({
      %run_scoped3A_262 = tpu.sem_alloc : memref<!tpu.dma_semaphore, #tpu.memory_space<semaphore_mem>>
      %dma_start3A_263 = arith.constant 0 : i32
      %dma_start3A_264 = tpu.memref_slice %arg3[%add3A_23, %dma_start3A_263] : memref<2560x128xi32, #tpu.memory_space<hbm>> -> memref<80x128xi32, #tpu.memory_space<hbm>>
      %dma_start3A_265 = arith.constant 0 : i32
      %dma_start3A_266 = tpu.memref_slice %arg3[%add3A_23, %dma_start3A_265] : memref<2560x128xi32, #tpu.memory_space<hbm>> -> memref<80x128xi32, #tpu.memory_space<hbm>>
      tpu.enqueue_dma source(%dma_start3A_266 : memref<80x128xi32, #tpu.memory_space<hbm>>) target(%arg6 : memref<80x128xi32, #tpu.memory_space<vmem>>) target_semaphore(%run_scoped3A_262 : memref<!tpu.dma_semaphore, #tpu.memory_space<semaphore_mem>>)
      %dma_wait3A_267 = arith.constant 0 : i32
      %dma_wait3A_268 = tpu.memref_slice %arg3[%add3A_23, %dma_wait3A_267] : memref<2560x128xi32, #tpu.memory_space<hbm>> -> memref<80x128xi32, #tpu.memory_space<hbm>>
      %dma_wait3A_269 = arith.constant 0 : i32
      %dma_wait3A_270 = tpu.memref_slice %arg3[%add3A_23, %dma_wait3A_269] : memref<2560x128xi32, #tpu.memory_space<hbm>> -> memref<80x128xi32, #tpu.memory_space<hbm>>
      tpu.wait_dma2 semaphore(%run_scoped3A_262 : memref<!tpu.dma_semaphore, #tpu.memory_space<semaphore_mem>>) src(%dma_wait3A_270 : memref<80x128xi32, #tpu.memory_space<hbm>>) dst(%arg6 : memref<80x128xi32, #tpu.memory_space<vmem>>)
      tpu.yield
    }) : () -> ()
    "tpu.region"() ({
      %run_scoped3A_262 = tpu.sem_alloc : memref<!tpu.dma_semaphore, #tpu.memory_space<semaphore_mem>>
      %dma_start3A_263 = arith.constant 0 : i32
      %dma_start3A_264 = tpu.memref_slice %arg4[%add3A_23, %dma_start3A_263] : memref<2560x128xi32, #tpu.memory_space<hbm>> -> memref<80x128xi32, #tpu.memory_space<hbm>>
      %dma_start3A_265 = arith.constant 0 : i32
      %dma_start3A_266 = tpu.memref_slice %arg4[%add3A_23, %dma_start3A_265] : memref<2560x128xi32, #tpu.memory_space<hbm>> -> memref<80x128xi32, #tpu.memory_space<hbm>>
      tpu.enqueue_dma source(%dma_start3A_266 : memref<80x128xi32, #tpu.memory_space<hbm>>) target(%arg7 : memref<80x128xi32, #tpu.memory_space<vmem>>) target_semaphore(%run_scoped3A_262 : memref<!tpu.dma_semaphore, #tpu.memory_space<semaphore_mem>>)
      %dma_wait3A_267 = arith.constant 0 : i32
      %dma_wait3A_268 = tpu.memref_slice %arg4[%add3A_23, %dma_wait3A_267] : memref<2560x128xi32, #tpu.memory_space<hbm>> -> memref<80x128xi32, #tpu.memory_space<hbm>>
      %dma_wait3A_269 = arith.constant 0 : i32
      %dma_wait3A_270 = tpu.memref_slice %arg4[%add3A_23, %dma_wait3A_269] : memref<2560x128xi32, #tpu.memory_space<hbm>> -> memref<80x128xi32, #tpu.memory_space<hbm>>
      tpu.wait_dma2 semaphore(%run_scoped3A_262 : memref<!tpu.dma_semaphore, #tpu.memory_space<semaphore_mem>>) src(%dma_wait3A_270 : memref<80x128xi32, #tpu.memory_space<hbm>>) dst(%arg7 : memref<80x128xi32, #tpu.memory_space<vmem>>)
      tpu.yield
    }) : () -> ()
    %dma_start3A = arith.constant 0 : i32
    %dma_start3A_24 = arith.constant 0 : i32
    %dma_start3A_25 = tpu.memref_slice %arg6[%dma_start3A, %dma_start3A_24] : memref<80x128xi32, #tpu.memory_space<vmem>> -> memref<1x128xi32, #tpu.memory_space<vmem>>
    %dma_start3A_26 = tpu.memref_squeeze %dma_start3A_25 : memref<1x128xi32, #tpu.memory_space<vmem>> -> memref<128xi32, #tpu.memory_space<vmem>>
    %dma_start3A_27 = arith.constant 0 : i32
    %dma_start3A_28 = arith.constant 0 : i32
    %dma_start3A_29 = tpu.memref_slice %arg16[%dma_start3A_27, %dma_start3A_28] : memref<10000x32xf32, #tpu.memory_space<vmem_shared>> -> memref<10000x32xf32, #tpu.memory_space<vmem_shared>>
    tpu.enqueue_indirect_dma source(%dma_start3A_29 : memref<10000x32xf32, #tpu.memory_space<vmem_shared>>) target(%arg8 : memref<128x32xf32, #tpu.memory_space<vmem>>) offsets(%dma_start3A_26 : memref<128xi32, #tpu.memory_space<vmem>>) semaphore(%arg18 : memref<!tpu.dma_semaphore, #tpu.memory_space<semaphore_mem>>)
    %dma_start3A_30 = arith.constant 1 : i32
    %dma_start3A_31 = arith.constant 0 : i32
    %dma_start3A_32 = tpu.memref_slice %arg6[%dma_start3A_30, %dma_start3A_31] : memref<80x128xi32, #tpu.memory_space<vmem>> -> memref<1x128xi32, #tpu.memory_space<vmem>>
    %dma_start3A_33 = tpu.memref_squeeze %dma_start3A_32 : memref<1x128xi32, #tpu.memory_space<vmem>> -> memref<128xi32, #tpu.memory_space<vmem>>
    %dma_start3A_34 = arith.constant 0 : i32
    %dma_start3A_35 = arith.constant 0 : i32
    %dma_start3A_36 = tpu.memref_slice %arg16[%dma_start3A_34, %dma_start3A_35] : memref<10000x32xf32, #tpu.memory_space<vmem_shared>> -> memref<10000x32xf32, #tpu.memory_space<vmem_shared>>
    tpu.enqueue_indirect_dma source(%dma_start3A_36 : memref<10000x32xf32, #tpu.memory_space<vmem_shared>>) target(%arg9 : memref<128x32xf32, #tpu.memory_space<vmem>>) offsets(%dma_start3A_33 : memref<128xi32, #tpu.memory_space<vmem>>) semaphore(%arg19 : memref<!tpu.dma_semaphore, #tpu.memory_space<semaphore_mem>>)
    %dma_start3A_37 = arith.constant 2 : i32
    %dma_start3A_38 = arith.constant 0 : i32
    %dma_start3A_39 = tpu.memref_slice %arg6[%dma_start3A_37, %dma_start3A_38] : memref<80x128xi32, #tpu.memory_space<vmem>> -> memref<1x128xi32, #tpu.memory_space<vmem>>
    %dma_start3A_40 = tpu.memref_squeeze %dma_start3A_39 : memref<1x128xi32, #tpu.memory_space<vmem>> -> memref<128xi32, #tpu.memory_space<vmem>>
    %dma_start3A_41 = arith.constant 0 : i32
    %dma_start3A_42 = arith.constant 0 : i32
    %dma_start3A_43 = tpu.memref_slice %arg16[%dma_start3A_41, %dma_start3A_42] : memref<10000x32xf32, #tpu.memory_space<vmem_shared>> -> memref<10000x32xf32, #tpu.memory_space<vmem_shared>>
    tpu.enqueue_indirect_dma source(%dma_start3A_43 : memref<10000x32xf32, #tpu.memory_space<vmem_shared>>) target(%arg10 : memref<128x32xf32, #tpu.memory_space<vmem>>) offsets(%dma_start3A_40 : memref<128xi32, #tpu.memory_space<vmem>>) semaphore(%arg20 : memref<!tpu.dma_semaphore, #tpu.memory_space<semaphore_mem>>)
    %dma_start3A_44 = arith.constant 3 : i32
    %dma_start3A_45 = arith.constant 0 : i32
    %dma_start3A_46 = tpu.memref_slice %arg6[%dma_start3A_44, %dma_start3A_45] : memref<80x128xi32, #tpu.memory_space<vmem>> -> memref<1x128xi32, #tpu.memory_space<vmem>>
    %dma_start3A_47 = tpu.memref_squeeze %dma_start3A_46 : memref<1x128xi32, #tpu.memory_space<vmem>> -> memref<128xi32, #tpu.memory_space<vmem>>
    %dma_start3A_48 = arith.constant 0 : i32
    %dma_start3A_49 = arith.constant 0 : i32
    %dma_start3A_50 = tpu.memref_slice %arg16[%dma_start3A_48, %dma_start3A_49] : memref<10000x32xf32, #tpu.memory_space<vmem_shared>> -> memref<10000x32xf32, #tpu.memory_space<vmem_shared>>
    tpu.enqueue_indirect_dma source(%dma_start3A_50 : memref<10000x32xf32, #tpu.memory_space<vmem_shared>>) target(%arg11 : memref<128x32xf32, #tpu.memory_space<vmem>>) offsets(%dma_start3A_47 : memref<128xi32, #tpu.memory_space<vmem>>) semaphore(%arg21 : memref<!tpu.dma_semaphore, #tpu.memory_space<semaphore_mem>>)
    %dma_start3A_51 = arith.constant 4 : i32
    %dma_start3A_52 = arith.constant 0 : i32
    %dma_start3A_53 = tpu.memref_slice %arg6[%dma_start3A_51, %dma_start3A_52] : memref<80x128xi32, #tpu.memory_space<vmem>> -> memref<1x128xi32, #tpu.memory_space<vmem>>
    %dma_start3A_54 = tpu.memref_squeeze %dma_start3A_53 : memref<1x128xi32, #tpu.memory_space<vmem>> -> memref<128xi32, #tpu.memory_space<vmem>>
    %dma_start3A_55 = arith.constant 0 : i32
    %dma_start3A_56 = arith.constant 0 : i32
    %dma_start3A_57 = tpu.memref_slice %arg16[%dma_start3A_55, %dma_start3A_56] : memref<10000x32xf32, #tpu.memory_space<vmem_shared>> -> memref<10000x32xf32, #tpu.memory_space<vmem_shared>>
    tpu.enqueue_indirect_dma source(%dma_start3A_57 : memref<10000x32xf32, #tpu.memory_space<vmem_shared>>) target(%arg12 : memref<128x32xf32, #tpu.memory_space<vmem>>) offsets(%dma_start3A_54 : memref<128xi32, #tpu.memory_space<vmem>>) semaphore(%arg22 : memref<!tpu.dma_semaphore, #tpu.memory_space<semaphore_mem>>)
    %dma_start3A_58 = arith.constant 5 : i32
    %dma_start3A_59 = arith.constant 0 : i32
    %dma_start3A_60 = tpu.memref_slice %arg6[%dma_start3A_58, %dma_start3A_59] : memref<80x128xi32, #tpu.memory_space<vmem>> -> memref<1x128xi32, #tpu.memory_space<vmem>>
    %dma_start3A_61 = tpu.memref_squeeze %dma_start3A_60 : memref<1x128xi32, #tpu.memory_space<vmem>> -> memref<128xi32, #tpu.memory_space<vmem>>
    %dma_start3A_62 = arith.constant 0 : i32
    %dma_start3A_63 = arith.constant 0 : i32
    %dma_start3A_64 = tpu.memref_slice %arg16[%dma_start3A_62, %dma_start3A_63] : memref<10000x32xf32, #tpu.memory_space<vmem_shared>> -> memref<10000x32xf32, #tpu.memory_space<vmem_shared>>
    tpu.enqueue_indirect_dma source(%dma_start3A_64 : memref<10000x32xf32, #tpu.memory_space<vmem_shared>>) target(%arg13 : memref<128x32xf32, #tpu.memory_space<vmem>>) offsets(%dma_start3A_61 : memref<128xi32, #tpu.memory_space<vmem>>) semaphore(%arg23 : memref<!tpu.dma_semaphore, #tpu.memory_space<semaphore_mem>>)
    %dma_start3A_65 = arith.constant 6 : i32
    %dma_start3A_66 = arith.constant 0 : i32
    %dma_start3A_67 = tpu.memref_slice %arg6[%dma_start3A_65, %dma_start3A_66] : memref<80x128xi32, #tpu.memory_space<vmem>> -> memref<1x128xi32, #tpu.memory_space<vmem>>
    %dma_start3A_68 = tpu.memref_squeeze %dma_start3A_67 : memref<1x128xi32, #tpu.memory_space<vmem>> -> memref<128xi32, #tpu.memory_space<vmem>>
    %dma_start3A_69 = arith.constant 0 : i32
    %dma_start3A_70 = arith.constant 0 : i32
    %dma_start3A_71 = tpu.memref_slice %arg16[%dma_start3A_69, %dma_start3A_70] : memref<10000x32xf32, #tpu.memory_space<vmem_shared>> -> memref<10000x32xf32, #tpu.memory_space<vmem_shared>>
    tpu.enqueue_indirect_dma source(%dma_start3A_71 : memref<10000x32xf32, #tpu.memory_space<vmem_shared>>) target(%arg14 : memref<128x32xf32, #tpu.memory_space<vmem>>) offsets(%dma_start3A_68 : memref<128xi32, #tpu.memory_space<vmem>>) semaphore(%arg24 : memref<!tpu.dma_semaphore, #tpu.memory_space<semaphore_mem>>)
    %dma_start3A_72 = arith.constant 7 : i32
    %dma_start3A_73 = arith.constant 0 : i32
    %dma_start3A_74 = tpu.memref_slice %arg6[%dma_start3A_72, %dma_start3A_73] : memref<80x128xi32, #tpu.memory_space<vmem>> -> memref<1x128xi32, #tpu.memory_space<vmem>>
    %dma_start3A_75 = tpu.memref_squeeze %dma_start3A_74 : memref<1x128xi32, #tpu.memory_space<vmem>> -> memref<128xi32, #tpu.memory_space<vmem>>
    %dma_start3A_76 = arith.constant 0 : i32
    %dma_start3A_77 = arith.constant 0 : i32
    %dma_start3A_78 = tpu.memref_slice %arg16[%dma_start3A_76, %dma_start3A_77] : memref<10000x32xf32, #tpu.memory_space<vmem_shared>> -> memref<10000x32xf32, #tpu.memory_space<vmem_shared>>
    tpu.enqueue_indirect_dma source(%dma_start3A_78 : memref<10000x32xf32, #tpu.memory_space<vmem_shared>>) target(%arg15 : memref<128x32xf32, #tpu.memory_space<vmem>>) offsets(%dma_start3A_75 : memref<128xi32, #tpu.memory_space<vmem>>) semaphore(%arg25 : memref<!tpu.dma_semaphore, #tpu.memory_space<semaphore_mem>>)
    %scan3A_79 = arith.constant 0 : i32
    %scan3A_80 = arith.constant 0 : i32
    %scan3A_81 = arith.constant 9 : i32
    %scan3A_82 = arith.addi %scan3A_80, %scan3A_81 : i32
    %scan3A_83 = arith.constant 1 : i32
    scf.for %scan3A_262 = %scan3A_80 to %scan3A_82 step %scan3A_83  : i32 {
      %mul3A_263 = arith.constant 8 : i32
      %mul3A_264 = arith.muli %scan3A_262, %mul3A_263 : i32
      %dma_wait3A_265 = arith.constant 0 : i32
      %dma_wait3A_266 = arith.constant 0 : i32
      %dma_wait3A_267 = tpu.memref_slice %arg16[%dma_wait3A_265, %dma_wait3A_266] : memref<10000x32xf32, #tpu.memory_space<vmem_shared>> -> memref<128x32xf32, #tpu.memory_space<vmem_shared>>
      %dma_wait3A_268 = arith.constant 0 : i32
      %dma_wait3A_269 = arith.constant 0 : i32
      %dma_wait3A_270 = tpu.memref_slice %arg16[%dma_wait3A_268, %dma_wait3A_269] : memref<10000x32xf32, #tpu.memory_space<vmem_shared>> -> memref<128x32xf32, #tpu.memory_space<vmem_shared>>
      tpu.wait_dma2 semaphore(%arg18 : memref<!tpu.dma_semaphore, #tpu.memory_space<semaphore_mem>>) src(%dma_wait3A_270 : memref<128x32xf32, #tpu.memory_space<vmem_shared>>) dst(%arg8 : memref<128x32xf32, #tpu.memory_space<vmem>>)
      %add3A_271 = arith.constant 0 : i32
      %add3A_272 = arith.addi %mul3A_264, %add3A_271 : i32
      "tpu.region"() ({
        %run_scoped3A_409 = tpu.sem_alloc : memref<!tpu.dma_semaphore, #tpu.memory_space<semaphore_mem>>
        %dma_start3A_410 = arith.constant 0 : i32
        %dma_start3A_411 = tpu.memref_slice %arg7[%add3A_272, %dma_start3A_410] : memref<80x128xi32, #tpu.memory_space<vmem>> -> memref<1x128xi32, #tpu.memory_space<vmem>>
        %dma_start3A_412 = tpu.memref_squeeze %dma_start3A_411 : memref<1x128xi32, #tpu.memory_space<vmem>> -> memref<128xi32, #tpu.memory_space<vmem>>
        %dma_start3A_413 = arith.constant 0 : i32
        %dma_start3A_414 = arith.constant 0 : i32
        %dma_start3A_415 = tpu.memref_slice %arg17[%dma_start3A_413, %dma_start3A_414] : memref<10112x32xf32, #tpu.memory_space<vmem_shared>> -> memref<10112x32xf32, #tpu.memory_space<vmem_shared>>
        tpu.enqueue_indirect_dma source(%arg8 : memref<128x32xf32, #tpu.memory_space<vmem>>) target(%dma_start3A_415 : memref<10112x32xf32, #tpu.memory_space<vmem_shared>>) offsets(%dma_start3A_412 : memref<128xi32, #tpu.memory_space<vmem>>) semaphore(%run_scoped3A_409 : memref<!tpu.dma_semaphore, #tpu.memory_space<semaphore_mem>>) {add = true}
        %dma_wait3A_416 = arith.constant 0 : i32
        %dma_wait3A_417 = tpu.memref_slice %arg7[%add3A_272, %dma_wait3A_416] : memref<80x128xi32, #tpu.memory_space<vmem>> -> memref<1x128xi32, #tpu.memory_space<vmem>>
        %dma_wait3A_418 = tpu.memref_squeeze %dma_wait3A_417 : memref<1x128xi32, #tpu.memory_space<vmem>> -> memref<128xi32, #tpu.memory_space<vmem>>
        %dma_wait3A_419 = arith.constant 0 : i32
        %dma_wait3A_420 = arith.constant 0 : i32
        %dma_wait3A_421 = tpu.memref_slice %arg17[%dma_wait3A_419, %dma_wait3A_420] : memref<10112x32xf32, #tpu.memory_space<vmem_shared>> -> memref<10112x32xf32, #tpu.memory_space<vmem_shared>>
        tpu.wait_indirect_dma semaphore(%run_scoped3A_409 : memref<!tpu.dma_semaphore, #tpu.memory_space<semaphore_mem>>) src(%arg8 : memref<128x32xf32, #tpu.memory_space<vmem>>) dst(%dma_wait3A_421 : memref<10112x32xf32, #tpu.memory_space<vmem_shared>>)
        tpu.yield
      }) : () -> ()
      %add3A_273 = arith.constant 0 : i32
      %add3A_274 = arith.addi %mul3A_264, %add3A_273 : i32
      %add3A_275 = arith.constant 8 : i32
      %add3A_276 = arith.addi %add3A_274, %add3A_275 : i32
      %dma_start3A_277 = arith.constant 0 : i32
      %dma_start3A_278 = tpu.memref_slice %arg6[%add3A_276, %dma_start3A_277] : memref<80x128xi32, #tpu.memory_space<vmem>> -> memref<1x128xi32, #tpu.memory_space<vmem>>
      %dma_start3A_279 = tpu.memref_squeeze %dma_start3A_278 : memref<1x128xi32, #tpu.memory_space<vmem>> -> memref<128xi32, #tpu.memory_space<vmem>>
      %dma_start3A_280 = arith.constant 0 : i32
      %dma_start3A_281 = arith.constant 0 : i32
      %dma_start3A_282 = tpu.memref_slice %arg16[%dma_start3A_280, %dma_start3A_281] : memref<10000x32xf32, #tpu.memory_space<vmem_shared>> -> memref<10000x32xf32, #tpu.memory_space<vmem_shared>>
      tpu.enqueue_indirect_dma source(%dma_start3A_282 : memref<10000x32xf32, #tpu.memory_space<vmem_shared>>) target(%arg8 : memref<128x32xf32, #tpu.memory_space<vmem>>) offsets(%dma_start3A_279 : memref<128xi32, #tpu.memory_space<vmem>>) semaphore(%arg18 : memref<!tpu.dma_semaphore, #tpu.memory_space<semaphore_mem>>)
      %dma_wait3A_283 = arith.constant 0 : i32
      %dma_wait3A_284 = arith.constant 0 : i32
      %dma_wait3A_285 = tpu.memref_slice %arg16[%dma_wait3A_283, %dma_wait3A_284] : memref<10000x32xf32, #tpu.memory_space<vmem_shared>> -> memref<128x32xf32, #tpu.memory_space<vmem_shared>>
      %dma_wait3A_286 = arith.constant 0 : i32
      %dma_wait3A_287 = arith.constant 0 : i32
      %dma_wait3A_288 = tpu.memref_slice %arg16[%dma_wait3A_286, %dma_wait3A_287] : memref<10000x32xf32, #tpu.memory_space<vmem_shared>> -> memref<128x32xf32, #tpu.memory_space<vmem_shared>>
      tpu.wait_dma2 semaphore(%arg19 : memref<!tpu.dma_semaphore, #tpu.memory_space<semaphore_mem>>) src(%dma_wait3A_288 : memref<128x32xf32, #tpu.memory_space<vmem_shared>>) dst(%arg9 : memref<128x32xf32, #tpu.memory_space<vmem>>)
      %add3A_289 = arith.constant 1 : i32
      %add3A_290 = arith.addi %mul3A_264, %add3A_289 : i32
      "tpu.region"() ({
        %run_scoped3A_409 = tpu.sem_alloc : memref<!tpu.dma_semaphore, #tpu.memory_space<semaphore_mem>>
        %dma_start3A_410 = arith.constant 0 : i32
        %dma_start3A_411 = tpu.memref_slice %arg7[%add3A_290, %dma_start3A_410] : memref<80x128xi32, #tpu.memory_space<vmem>> -> memref<1x128xi32, #tpu.memory_space<vmem>>
        %dma_start3A_412 = tpu.memref_squeeze %dma_start3A_411 : memref<1x128xi32, #tpu.memory_space<vmem>> -> memref<128xi32, #tpu.memory_space<vmem>>
        %dma_start3A_413 = arith.constant 0 : i32
        %dma_start3A_414 = arith.constant 0 : i32
        %dma_start3A_415 = tpu.memref_slice %arg17[%dma_start3A_413, %dma_start3A_414] : memref<10112x32xf32, #tpu.memory_space<vmem_shared>> -> memref<10112x32xf32, #tpu.memory_space<vmem_shared>>
        tpu.enqueue_indirect_dma source(%arg9 : memref<128x32xf32, #tpu.memory_space<vmem>>) target(%dma_start3A_415 : memref<10112x32xf32, #tpu.memory_space<vmem_shared>>) offsets(%dma_start3A_412 : memref<128xi32, #tpu.memory_space<vmem>>) semaphore(%run_scoped3A_409 : memref<!tpu.dma_semaphore, #tpu.memory_space<semaphore_mem>>) {add = true}
        %dma_wait3A_416 = arith.constant 0 : i32
        %dma_wait3A_417 = tpu.memref_slice %arg7[%add3A_290, %dma_wait3A_416] : memref<80x128xi32, #tpu.memory_space<vmem>> -> memref<1x128xi32, #tpu.memory_space<vmem>>
        %dma_wait3A_418 = tpu.memref_squeeze %dma_wait3A_417 : memref<1x128xi32, #tpu.memory_space<vmem>> -> memref<128xi32, #tpu.memory_space<vmem>>
        %dma_wait3A_419 = arith.constant 0 : i32
        %dma_wait3A_420 = arith.constant 0 : i32
        %dma_wait3A_421 = tpu.memref_slice %arg17[%dma_wait3A_419, %dma_wait3A_420] : memref<10112x32xf32, #tpu.memory_space<vmem_shared>> -> memref<10112x32xf32, #tpu.memory_space<vmem_shared>>
        tpu.wait_indirect_dma semaphore(%run_scoped3A_409 : memref<!tpu.dma_semaphore, #tpu.memory_space<semaphore_mem>>) src(%arg9 : memref<128x32xf32, #tpu.memory_space<vmem>>) dst(%dma_wait3A_421 : memref<10112x32xf32, #tpu.memory_space<vmem_shared>>)
        tpu.yield
      }) : () -> ()
      %add3A_291 = arith.constant 1 : i32
      %add3A_292 = arith.addi %mul3A_264, %add3A_291 : i32
      %add3A_293 = arith.constant 8 : i32
      %add3A_294 = arith.addi %add3A_292, %add3A_293 : i32
      %dma_start3A_295 = arith.constant 0 : i32
      %dma_start3A_296 = tpu.memref_slice %arg6[%add3A_294, %dma_start3A_295] : memref<80x128xi32, #tpu.memory_space<vmem>> -> memref<1x128xi32, #tpu.memory_space<vmem>>
      %dma_start3A_297 = tpu.memref_squeeze %dma_start3A_296 : memref<1x128xi32, #tpu.memory_space<vmem>> -> memref<128xi32, #tpu.memory_space<vmem>>
      %dma_start3A_298 = arith.constant 0 : i32
      %dma_start3A_299 = arith.constant 0 : i32
      %dma_start3A_300 = tpu.memref_slice %arg16[%dma_start3A_298, %dma_start3A_299] : memref<10000x32xf32, #tpu.memory_space<vmem_shared>> -> memref<10000x32xf32, #tpu.memory_space<vmem_shared>>
      tpu.enqueue_indirect_dma source(%dma_start3A_300 : memref<10000x32xf32, #tpu.memory_space<vmem_shared>>) target(%arg9 : memref<128x32xf32, #tpu.memory_space<vmem>>) offsets(%dma_start3A_297 : memref<128xi32, #tpu.memory_space<vmem>>) semaphore(%arg19 : memref<!tpu.dma_semaphore, #tpu.memory_space<semaphore_mem>>)
      %dma_wait3A_301 = arith.constant 0 : i32
      %dma_wait3A_302 = arith.constant 0 : i32
      %dma_wait3A_303 = tpu.memref_slice %arg16[%dma_wait3A_301, %dma_wait3A_302] : memref<10000x32xf32, #tpu.memory_space<vmem_shared>> -> memref<128x32xf32, #tpu.memory_space<vmem_shared>>
      %dma_wait3A_304 = arith.constant 0 : i32
      %dma_wait3A_305 = arith.constant 0 : i32
      %dma_wait3A_306 = tpu.memref_slice %arg16[%dma_wait3A_304, %dma_wait3A_305] : memref<10000x32xf32, #tpu.memory_space<vmem_shared>> -> memref<128x32xf32, #tpu.memory_space<vmem_shared>>
      tpu.wait_dma2 semaphore(%arg20 : memref<!tpu.dma_semaphore, #tpu.memory_space<semaphore_mem>>) src(%dma_wait3A_306 : memref<128x32xf32, #tpu.memory_space<vmem_shared>>) dst(%arg10 : memref<128x32xf32, #tpu.memory_space<vmem>>)
      %add3A_307 = arith.constant 2 : i32
      %add3A_308 = arith.addi %mul3A_264, %add3A_307 : i32
      "tpu.region"() ({
        %run_scoped3A_409 = tpu.sem_alloc : memref<!tpu.dma_semaphore, #tpu.memory_space<semaphore_mem>>
        %dma_start3A_410 = arith.constant 0 : i32
        %dma_start3A_411 = tpu.memref_slice %arg7[%add3A_308, %dma_start3A_410] : memref<80x128xi32, #tpu.memory_space<vmem>> -> memref<1x128xi32, #tpu.memory_space<vmem>>
        %dma_start3A_412 = tpu.memref_squeeze %dma_start3A_411 : memref<1x128xi32, #tpu.memory_space<vmem>> -> memref<128xi32, #tpu.memory_space<vmem>>
        %dma_start3A_413 = arith.constant 0 : i32
        %dma_start3A_414 = arith.constant 0 : i32
        %dma_start3A_415 = tpu.memref_slice %arg17[%dma_start3A_413, %dma_start3A_414] : memref<10112x32xf32, #tpu.memory_space<vmem_shared>> -> memref<10112x32xf32, #tpu.memory_space<vmem_shared>>
        tpu.enqueue_indirect_dma source(%arg10 : memref<128x32xf32, #tpu.memory_space<vmem>>) target(%dma_start3A_415 : memref<10112x32xf32, #tpu.memory_space<vmem_shared>>) offsets(%dma_start3A_412 : memref<128xi32, #tpu.memory_space<vmem>>) semaphore(%run_scoped3A_409 : memref<!tpu.dma_semaphore, #tpu.memory_space<semaphore_mem>>) {add = true}
        %dma_wait3A_416 = arith.constant 0 : i32
        %dma_wait3A_417 = tpu.memref_slice %arg7[%add3A_308, %dma_wait3A_416] : memref<80x128xi32, #tpu.memory_space<vmem>> -> memref<1x128xi32, #tpu.memory_space<vmem>>
        %dma_wait3A_418 = tpu.memref_squeeze %dma_wait3A_417 : memref<1x128xi32, #tpu.memory_space<vmem>> -> memref<128xi32, #tpu.memory_space<vmem>>
        %dma_wait3A_419 = arith.constant 0 : i32
        %dma_wait3A_420 = arith.constant 0 : i32
        %dma_wait3A_421 = tpu.memref_slice %arg17[%dma_wait3A_419, %dma_wait3A_420] : memref<10112x32xf32, #tpu.memory_space<vmem_shared>> -> memref<10112x32xf32, #tpu.memory_space<vmem_shared>>
        tpu.wait_indirect_dma semaphore(%run_scoped3A_409 : memref<!tpu.dma_semaphore, #tpu.memory_space<semaphore_mem>>) src(%arg10 : memref<128x32xf32, #tpu.memory_space<vmem>>) dst(%dma_wait3A_421 : memref<10112x32xf32, #tpu.memory_space<vmem_shared>>)
        tpu.yield
      }) : () -> ()
      %add3A_309 = arith.constant 2 : i32
      %add3A_310 = arith.addi %mul3A_264, %add3A_309 : i32
      %add3A_311 = arith.constant 8 : i32
      %add3A_312 = arith.addi %add3A_310, %add3A_311 : i32
      %dma_start3A_313 = arith.constant 0 : i32
      %dma_start3A_314 = tpu.memref_slice %arg6[%add3A_312, %dma_start3A_313] : memref<80x128xi32, #tpu.memory_space<vmem>> -> memref<1x128xi32, #tpu.memory_space<vmem>>
      %dma_start3A_315 = tpu.memref_squeeze %dma_start3A_314 : memref<1x128xi32, #tpu.memory_space<vmem>> -> memref<128xi32, #tpu.memory_space<vmem>>
      %dma_start3A_316 = arith.constant 0 : i32
      %dma_start3A_317 = arith.constant 0 : i32
      %dma_start3A_318 = tpu.memref_slice %arg16[%dma_start3A_316, %dma_start3A_317] : memref<10000x32xf32, #tpu.memory_space<vmem_shared>> -> memref<10000x32xf32, #tpu.memory_space<vmem_shared>>
      tpu.enqueue_indirect_dma source(%dma_start3A_318 : memref<10000x32xf32, #tpu.memory_space<vmem_shared>>) target(%arg10 : memref<128x32xf32, #tpu.memory_space<vmem>>) offsets(%dma_start3A_315 : memref<128xi32, #tpu.memory_space<vmem>>) semaphore(%arg20 : memref<!tpu.dma_semaphore, #tpu.memory_space<semaphore_mem>>)
      %dma_wait3A_319 = arith.constant 0 : i32
      %dma_wait3A_320 = arith.constant 0 : i32
      %dma_wait3A_321 = tpu.memref_slice %arg16[%dma_wait3A_319, %dma_wait3A_320] : memref<10000x32xf32, #tpu.memory_space<vmem_shared>> -> memref<128x32xf32, #tpu.memory_space<vmem_shared>>
      %dma_wait3A_322 = arith.constant 0 : i32
      %dma_wait3A_323 = arith.constant 0 : i32
      %dma_wait3A_324 = tpu.memref_slice %arg16[%dma_wait3A_322, %dma_wait3A_323] : memref<10000x32xf32, #tpu.memory_space<vmem_shared>> -> memref<128x32xf32, #tpu.memory_space<vmem_shared>>
      tpu.wait_dma2 semaphore(%arg21 : memref<!tpu.dma_semaphore, #tpu.memory_space<semaphore_mem>>) src(%dma_wait3A_324 : memref<128x32xf32, #tpu.memory_space<vmem_shared>>) dst(%arg11 : memref<128x32xf32, #tpu.memory_space<vmem>>)
      %add3A_325 = arith.constant 3 : i32
      %add3A_326 = arith.addi %mul3A_264, %add3A_325 : i32
      "tpu.region"() ({
        %run_scoped3A_409 = tpu.sem_alloc : memref<!tpu.dma_semaphore, #tpu.memory_space<semaphore_mem>>
        %dma_start3A_410 = arith.constant 0 : i32
        %dma_start3A_411 = tpu.memref_slice %arg7[%add3A_326, %dma_start3A_410] : memref<80x128xi32, #tpu.memory_space<vmem>> -> memref<1x128xi32, #tpu.memory_space<vmem>>
        %dma_start3A_412 = tpu.memref_squeeze %dma_start3A_411 : memref<1x128xi32, #tpu.memory_space<vmem>> -> memref<128xi32, #tpu.memory_space<vmem>>
        %dma_start3A_413 = arith.constant 0 : i32
        %dma_start3A_414 = arith.constant 0 : i32
        %dma_start3A_415 = tpu.memref_slice %arg17[%dma_start3A_413, %dma_start3A_414] : memref<10112x32xf32, #tpu.memory_space<vmem_shared>> -> memref<10112x32xf32, #tpu.memory_space<vmem_shared>>
        tpu.enqueue_indirect_dma source(%arg11 : memref<128x32xf32, #tpu.memory_space<vmem>>) target(%dma_start3A_415 : memref<10112x32xf32, #tpu.memory_space<vmem_shared>>) offsets(%dma_start3A_412 : memref<128xi32, #tpu.memory_space<vmem>>) semaphore(%run_scoped3A_409 : memref<!tpu.dma_semaphore, #tpu.memory_space<semaphore_mem>>) {add = true}
        %dma_wait3A_416 = arith.constant 0 : i32
        %dma_wait3A_417 = tpu.memref_slice %arg7[%add3A_326, %dma_wait3A_416] : memref<80x128xi32, #tpu.memory_space<vmem>> -> memref<1x128xi32, #tpu.memory_space<vmem>>
        %dma_wait3A_418 = tpu.memref_squeeze %dma_wait3A_417 : memref<1x128xi32, #tpu.memory_space<vmem>> -> memref<128xi32, #tpu.memory_space<vmem>>
        %dma_wait3A_419 = arith.constant 0 : i32
        %dma_wait3A_420 = arith.constant 0 : i32
        %dma_wait3A_421 = tpu.memref_slice %arg17[%dma_wait3A_419, %dma_wait3A_420] : memref<10112x32xf32, #tpu.memory_space<vmem_shared>> -> memref<10112x32xf32, #tpu.memory_space<vmem_shared>>
        tpu.wait_indirect_dma semaphore(%run_scoped3A_409 : memref<!tpu.dma_semaphore, #tpu.memory_space<semaphore_mem>>) src(%arg11 : memref<128x32xf32, #tpu.memory_space<vmem>>) dst(%dma_wait3A_421 : memref<10112x32xf32, #tpu.memory_space<vmem_shared>>)
        tpu.yield
      }) : () -> ()
      %add3A_327 = arith.constant 3 : i32
      %add3A_328 = arith.addi %mul3A_264, %add3A_327 : i32
      %add3A_329 = arith.constant 8 : i32
      %add3A_330 = arith.addi %add3A_328, %add3A_329 : i32
      %dma_start3A_331 = arith.constant 0 : i32
      %dma_start3A_332 = tpu.memref_slice %arg6[%add3A_330, %dma_start3A_331] : memref<80x128xi32, #tpu.memory_space<vmem>> -> memref<1x128xi32, #tpu.memory_space<vmem>>
      %dma_start3A_333 = tpu.memref_squeeze %dma_start3A_332 : memref<1x128xi32, #tpu.memory_space<vmem>> -> memref<128xi32, #tpu.memory_space<vmem>>
      %dma_start3A_334 = arith.constant 0 : i32
      %dma_start3A_335 = arith.constant 0 : i32
      %dma_start3A_336 = tpu.memref_slice %arg16[%dma_start3A_334, %dma_start3A_335] : memref<10000x32xf32, #tpu.memory_space<vmem_shared>> -> memref<10000x32xf32, #tpu.memory_space<vmem_shared>>
      tpu.enqueue_indirect_dma source(%dma_start3A_336 : memref<10000x32xf32, #tpu.memory_space<vmem_shared>>) target(%arg11 : memref<128x32xf32, #tpu.memory_space<vmem>>) offsets(%dma_start3A_333 : memref<128xi32, #tpu.memory_space<vmem>>) semaphore(%arg21 : memref<!tpu.dma_semaphore, #tpu.memory_space<semaphore_mem>>)
      %dma_wait3A_337 = arith.constant 0 : i32
      %dma_wait3A_338 = arith.constant 0 : i32
      %dma_wait3A_339 = tpu.memref_slice %arg16[%dma_wait3A_337, %dma_wait3A_338] : memref<10000x32xf32, #tpu.memory_space<vmem_shared>> -> memref<128x32xf32, #tpu.memory_space<vmem_shared>>
      %dma_wait3A_340 = arith.constant 0 : i32
      %dma_wait3A_341 = arith.constant 0 : i32
      %dma_wait3A_342 = tpu.memref_slice %arg16[%dma_wait3A_340, %dma_wait3A_341] : memref<10000x32xf32, #tpu.memory_space<vmem_shared>> -> memref<128x32xf32, #tpu.memory_space<vmem_shared>>
      tpu.wait_dma2 semaphore(%arg22 : memref<!tpu.dma_semaphore, #tpu.memory_space<semaphore_mem>>) src(%dma_wait3A_342 : memref<128x32xf32, #tpu.memory_space<vmem_shared>>) dst(%arg12 : memref<128x32xf32, #tpu.memory_space<vmem>>)
      %add3A_343 = arith.constant 4 : i32
      %add3A_344 = arith.addi %mul3A_264, %add3A_343 : i32
      "tpu.region"() ({
        %run_scoped3A_409 = tpu.sem_alloc : memref<!tpu.dma_semaphore, #tpu.memory_space<semaphore_mem>>
        %dma_start3A_410 = arith.constant 0 : i32
        %dma_start3A_411 = tpu.memref_slice %arg7[%add3A_344, %dma_start3A_410] : memref<80x128xi32, #tpu.memory_space<vmem>> -> memref<1x128xi32, #tpu.memory_space<vmem>>
        %dma_start3A_412 = tpu.memref_squeeze %dma_start3A_411 : memref<1x128xi32, #tpu.memory_space<vmem>> -> memref<128xi32, #tpu.memory_space<vmem>>
        %dma_start3A_413 = arith.constant 0 : i32
        %dma_start3A_414 = arith.constant 0 : i32
        %dma_start3A_415 = tpu.memref_slice %arg17[%dma_start3A_413, %dma_start3A_414] : memref<10112x32xf32, #tpu.memory_space<vmem_shared>> -> memref<10112x32xf32, #tpu.memory_space<vmem_shared>>
        tpu.enqueue_indirect_dma source(%arg12 : memref<128x32xf32, #tpu.memory_space<vmem>>) target(%dma_start3A_415 : memref<10112x32xf32, #tpu.memory_space<vmem_shared>>) offsets(%dma_start3A_412 : memref<128xi32, #tpu.memory_space<vmem>>) semaphore(%run_scoped3A_409 : memref<!tpu.dma_semaphore, #tpu.memory_space<semaphore_mem>>) {add = true}
        %dma_wait3A_416 = arith.constant 0 : i32
        %dma_wait3A_417 = tpu.memref_slice %arg7[%add3A_344, %dma_wait3A_416] : memref<80x128xi32, #tpu.memory_space<vmem>> -> memref<1x128xi32, #tpu.memory_space<vmem>>
        %dma_wait3A_418 = tpu.memref_squeeze %dma_wait3A_417 : memref<1x128xi32, #tpu.memory_space<vmem>> -> memref<128xi32, #tpu.memory_space<vmem>>
        %dma_wait3A_419 = arith.constant 0 : i32
        %dma_wait3A_420 = arith.constant 0 : i32
        %dma_wait3A_421 = tpu.memref_slice %arg17[%dma_wait3A_419, %dma_wait3A_420] : memref<10112x32xf32, #tpu.memory_space<vmem_shared>> -> memref<10112x32xf32, #tpu.memory_space<vmem_shared>>
        tpu.wait_indirect_dma semaphore(%run_scoped3A_409 : memref<!tpu.dma_semaphore, #tpu.memory_space<semaphore_mem>>) src(%arg12 : memref<128x32xf32, #tpu.memory_space<vmem>>) dst(%dma_wait3A_421 : memref<10112x32xf32, #tpu.memory_space<vmem_shared>>)
        tpu.yield
      }) : () -> ()
      %add3A_345 = arith.constant 4 : i32
      %add3A_346 = arith.addi %mul3A_264, %add3A_345 : i32
      %add3A_347 = arith.constant 8 : i32
      %add3A_348 = arith.addi %add3A_346, %add3A_347 : i32
      %dma_start3A_349 = arith.constant 0 : i32
      %dma_start3A_350 = tpu.memref_slice %arg6[%add3A_348, %dma_start3A_349] : memref<80x128xi32, #tpu.memory_space<vmem>> -> memref<1x128xi32, #tpu.memory_space<vmem>>
      %dma_start3A_351 = tpu.memref_squeeze %dma_start3A_350 : memref<1x128xi32, #tpu.memory_space<vmem>> -> memref<128xi32, #tpu.memory_space<vmem>>
      %dma_start3A_352 = arith.constant 0 : i32
      %dma_start3A_353 = arith.constant 0 : i32
      %dma_start3A_354 = tpu.memref_slice %arg16[%dma_start3A_352, %dma_start3A_353] : memref<10000x32xf32, #tpu.memory_space<vmem_shared>> -> memref<10000x32xf32, #tpu.memory_space<vmem_shared>>
      tpu.enqueue_indirect_dma source(%dma_start3A_354 : memref<10000x32xf32, #tpu.memory_space<vmem_shared>>) target(%arg12 : memref<128x32xf32, #tpu.memory_space<vmem>>) offsets(%dma_start3A_351 : memref<128xi32, #tpu.memory_space<vmem>>) semaphore(%arg22 : memref<!tpu.dma_semaphore, #tpu.memory_space<semaphore_mem>>)
      %dma_wait3A_355 = arith.constant 0 : i32
      %dma_wait3A_356 = arith.constant 0 : i32
      %dma_wait3A_357 = tpu.memref_slice %arg16[%dma_wait3A_355, %dma_wait3A_356] : memref<10000x32xf32, #tpu.memory_space<vmem_shared>> -> memref<128x32xf32, #tpu.memory_space<vmem_shared>>
      %dma_wait3A_358 = arith.constant 0 : i32
      %dma_wait3A_359 = arith.constant 0 : i32
      %dma_wait3A_360 = tpu.memref_slice %arg16[%dma_wait3A_358, %dma_wait3A_359] : memref<10000x32xf32, #tpu.memory_space<vmem_shared>> -> memref<128x32xf32, #tpu.memory_space<vmem_shared>>
      tpu.wait_dma2 semaphore(%arg23 : memref<!tpu.dma_semaphore, #tpu.memory_space<semaphore_mem>>) src(%dma_wait3A_360 : memref<128x32xf32, #tpu.memory_space<vmem_shared>>) dst(%arg13 : memref<128x32xf32, #tpu.memory_space<vmem>>)
      %add3A_361 = arith.constant 5 : i32
      %add3A_362 = arith.addi %mul3A_264, %add3A_361 : i32
      "tpu.region"() ({
        %run_scoped3A_409 = tpu.sem_alloc : memref<!tpu.dma_semaphore, #tpu.memory_space<semaphore_mem>>
        %dma_start3A_410 = arith.constant 0 : i32
        %dma_start3A_411 = tpu.memref_slice %arg7[%add3A_362, %dma_start3A_410] : memref<80x128xi32, #tpu.memory_space<vmem>> -> memref<1x128xi32, #tpu.memory_space<vmem>>
        %dma_start3A_412 = tpu.memref_squeeze %dma_start3A_411 : memref<1x128xi32, #tpu.memory_space<vmem>> -> memref<128xi32, #tpu.memory_space<vmem>>
        %dma_start3A_413 = arith.constant 0 : i32
        %dma_start3A_414 = arith.constant 0 : i32
        %dma_start3A_415 = tpu.memref_slice %arg17[%dma_start3A_413, %dma_start3A_414] : memref<10112x32xf32, #tpu.memory_space<vmem_shared>> -> memref<10112x32xf32, #tpu.memory_space<vmem_shared>>
        tpu.enqueue_indirect_dma source(%arg13 : memref<128x32xf32, #tpu.memory_space<vmem>>) target(%dma_start3A_415 : memref<10112x32xf32, #tpu.memory_space<vmem_shared>>) offsets(%dma_start3A_412 : memref<128xi32, #tpu.memory_space<vmem>>) semaphore(%run_scoped3A_409 : memref<!tpu.dma_semaphore, #tpu.memory_space<semaphore_mem>>) {add = true}
        %dma_wait3A_416 = arith.constant 0 : i32
        %dma_wait3A_417 = tpu.memref_slice %arg7[%add3A_362, %dma_wait3A_416] : memref<80x128xi32, #tpu.memory_space<vmem>> -> memref<1x128xi32, #tpu.memory_space<vmem>>
        %dma_wait3A_418 = tpu.memref_squeeze %dma_wait3A_417 : memref<1x128xi32, #tpu.memory_space<vmem>> -> memref<128xi32, #tpu.memory_space<vmem>>
        %dma_wait3A_419 = arith.constant 0 : i32
        %dma_wait3A_420 = arith.constant 0 : i32
        %dma_wait3A_421 = tpu.memref_slice %arg17[%dma_wait3A_419, %dma_wait3A_420] : memref<10112x32xf32, #tpu.memory_space<vmem_shared>> -> memref<10112x32xf32, #tpu.memory_space<vmem_shared>>
        tpu.wait_indirect_dma semaphore(%run_scoped3A_409 : memref<!tpu.dma_semaphore, #tpu.memory_space<semaphore_mem>>) src(%arg13 : memref<128x32xf32, #tpu.memory_space<vmem>>) dst(%dma_wait3A_421 : memref<10112x32xf32, #tpu.memory_space<vmem_shared>>)
        tpu.yield
      }) : () -> ()
      %add3A_363 = arith.constant 5 : i32
      %add3A_364 = arith.addi %mul3A_264, %add3A_363 : i32
      %add3A_365 = arith.constant 8 : i32
      %add3A_366 = arith.addi %add3A_364, %add3A_365 : i32
      %dma_start3A_367 = arith.constant 0 : i32
      %dma_start3A_368 = tpu.memref_slice %arg6[%add3A_366, %dma_start3A_367] : memref<80x128xi32, #tpu.memory_space<vmem>> -> memref<1x128xi32, #tpu.memory_space<vmem>>
      %dma_start3A_369 = tpu.memref_squeeze %dma_start3A_368 : memref<1x128xi32, #tpu.memory_space<vmem>> -> memref<128xi32, #tpu.memory_space<vmem>>
      %dma_start3A_370 = arith.constant 0 : i32
      %dma_start3A_371 = arith.constant 0 : i32
      %dma_start3A_372 = tpu.memref_slice %arg16[%dma_start3A_370, %dma_start3A_371] : memref<10000x32xf32, #tpu.memory_space<vmem_shared>> -> memref<10000x32xf32, #tpu.memory_space<vmem_shared>>
      tpu.enqueue_indirect_dma source(%dma_start3A_372 : memref<10000x32xf32, #tpu.memory_space<vmem_shared>>) target(%arg13 : memref<128x32xf32, #tpu.memory_space<vmem>>) offsets(%dma_start3A_369 : memref<128xi32, #tpu.memory_space<vmem>>) semaphore(%arg23 : memref<!tpu.dma_semaphore, #tpu.memory_space<semaphore_mem>>)
      %dma_wait3A_373 = arith.constant 0 : i32
      %dma_wait3A_374 = arith.constant 0 : i32
      %dma_wait3A_375 = tpu.memref_slice %arg16[%dma_wait3A_373, %dma_wait3A_374] : memref<10000x32xf32, #tpu.memory_space<vmem_shared>> -> memref<128x32xf32, #tpu.memory_space<vmem_shared>>
      %dma_wait3A_376 = arith.constant 0 : i32
      %dma_wait3A_377 = arith.constant 0 : i32
      %dma_wait3A_378 = tpu.memref_slice %arg16[%dma_wait3A_376, %dma_wait3A_377] : memref<10000x32xf32, #tpu.memory_space<vmem_shared>> -> memref<128x32xf32, #tpu.memory_space<vmem_shared>>
      tpu.wait_dma2 semaphore(%arg24 : memref<!tpu.dma_semaphore, #tpu.memory_space<semaphore_mem>>) src(%dma_wait3A_378 : memref<128x32xf32, #tpu.memory_space<vmem_shared>>) dst(%arg14 : memref<128x32xf32, #tpu.memory_space<vmem>>)
      %add3A_379 = arith.constant 6 : i32
      %add3A_380 = arith.addi %mul3A_264, %add3A_379 : i32
      "tpu.region"() ({
        %run_scoped3A_409 = tpu.sem_alloc : memref<!tpu.dma_semaphore, #tpu.memory_space<semaphore_mem>>
        %dma_start3A_410 = arith.constant 0 : i32
        %dma_start3A_411 = tpu.memref_slice %arg7[%add3A_380, %dma_start3A_410] : memref<80x128xi32, #tpu.memory_space<vmem>> -> memref<1x128xi32, #tpu.memory_space<vmem>>
        %dma_start3A_412 = tpu.memref_squeeze %dma_start3A_411 : memref<1x128xi32, #tpu.memory_space<vmem>> -> memref<128xi32, #tpu.memory_space<vmem>>
        %dma_start3A_413 = arith.constant 0 : i32
        %dma_start3A_414 = arith.constant 0 : i32
        %dma_start3A_415 = tpu.memref_slice %arg17[%dma_start3A_413, %dma_start3A_414] : memref<10112x32xf32, #tpu.memory_space<vmem_shared>> -> memref<10112x32xf32, #tpu.memory_space<vmem_shared>>
        tpu.enqueue_indirect_dma source(%arg14 : memref<128x32xf32, #tpu.memory_space<vmem>>) target(%dma_start3A_415 : memref<10112x32xf32, #tpu.memory_space<vmem_shared>>) offsets(%dma_start3A_412 : memref<128xi32, #tpu.memory_space<vmem>>) semaphore(%run_scoped3A_409 : memref<!tpu.dma_semaphore, #tpu.memory_space<semaphore_mem>>) {add = true}
        %dma_wait3A_416 = arith.constant 0 : i32
        %dma_wait3A_417 = tpu.memref_slice %arg7[%add3A_380, %dma_wait3A_416] : memref<80x128xi32, #tpu.memory_space<vmem>> -> memref<1x128xi32, #tpu.memory_space<vmem>>
        %dma_wait3A_418 = tpu.memref_squeeze %dma_wait3A_417 : memref<1x128xi32, #tpu.memory_space<vmem>> -> memref<128xi32, #tpu.memory_space<vmem>>
        %dma_wait3A_419 = arith.constant 0 : i32
        %dma_wait3A_420 = arith.constant 0 : i32
        %dma_wait3A_421 = tpu.memref_slice %arg17[%dma_wait3A_419, %dma_wait3A_420] : memref<10112x32xf32, #tpu.memory_space<vmem_shared>> -> memref<10112x32xf32, #tpu.memory_space<vmem_shared>>
        tpu.wait_indirect_dma semaphore(%run_scoped3A_409 : memref<!tpu.dma_semaphore, #tpu.memory_space<semaphore_mem>>) src(%arg14 : memref<128x32xf32, #tpu.memory_space<vmem>>) dst(%dma_wait3A_421 : memref<10112x32xf32, #tpu.memory_space<vmem_shared>>)
        tpu.yield
      }) : () -> ()
      %add3A_381 = arith.constant 6 : i32
      %add3A_382 = arith.addi %mul3A_264, %add3A_381 : i32
      %add3A_383 = arith.constant 8 : i32
      %add3A_384 = arith.addi %add3A_382, %add3A_383 : i32
      %dma_start3A_385 = arith.constant 0 : i32
      %dma_start3A_386 = tpu.memref_slice %arg6[%add3A_384, %dma_start3A_385] : memref<80x128xi32, #tpu.memory_space<vmem>> -> memref<1x128xi32, #tpu.memory_space<vmem>>
      %dma_start3A_387 = tpu.memref_squeeze %dma_start3A_386 : memref<1x128xi32, #tpu.memory_space<vmem>> -> memref<128xi32, #tpu.memory_space<vmem>>
      %dma_start3A_388 = arith.constant 0 : i32
      %dma_start3A_389 = arith.constant 0 : i32
      %dma_start3A_390 = tpu.memref_slice %arg16[%dma_start3A_388, %dma_start3A_389] : memref<10000x32xf32, #tpu.memory_space<vmem_shared>> -> memref<10000x32xf32, #tpu.memory_space<vmem_shared>>
      tpu.enqueue_indirect_dma source(%dma_start3A_390 : memref<10000x32xf32, #tpu.memory_space<vmem_shared>>) target(%arg14 : memref<128x32xf32, #tpu.memory_space<vmem>>) offsets(%dma_start3A_387 : memref<128xi32, #tpu.memory_space<vmem>>) semaphore(%arg24 : memref<!tpu.dma_semaphore, #tpu.memory_space<semaphore_mem>>)
      %dma_wait3A_391 = arith.constant 0 : i32
      %dma_wait3A_392 = arith.constant 0 : i32
      %dma_wait3A_393 = tpu.memref_slice %arg16[%dma_wait3A_391, %dma_wait3A_392] : memref<10000x32xf32, #tpu.memory_space<vmem_shared>> -> memref<128x32xf32, #tpu.memory_space<vmem_shared>>
      %dma_wait3A_394 = arith.constant 0 : i32
      %dma_wait3A_395 = arith.constant 0 : i32
      %dma_wait3A_396 = tpu.memref_slice %arg16[%dma_wait3A_394, %dma_wait3A_395] : memref<10000x32xf32, #tpu.memory_space<vmem_shared>> -> memref<128x32xf32, #tpu.memory_space<vmem_shared>>
      tpu.wait_dma2 semaphore(%arg25 : memref<!tpu.dma_semaphore, #tpu.memory_space<semaphore_mem>>) src(%dma_wait3A_396 : memref<128x32xf32, #tpu.memory_space<vmem_shared>>) dst(%arg15 : memref<128x32xf32, #tpu.memory_space<vmem>>)
      %add3A_397 = arith.constant 7 : i32
      %add3A_398 = arith.addi %mul3A_264, %add3A_397 : i32
      "tpu.region"() ({
        %run_scoped3A_409 = tpu.sem_alloc : memref<!tpu.dma_semaphore, #tpu.memory_space<semaphore_mem>>
        %dma_start3A_410 = arith.constant 0 : i32
        %dma_start3A_411 = tpu.memref_slice %arg7[%add3A_398, %dma_start3A_410] : memref<80x128xi32, #tpu.memory_space<vmem>> -> memref<1x128xi32, #tpu.memory_space<vmem>>
        %dma_start3A_412 = tpu.memref_squeeze %dma_start3A_411 : memref<1x128xi32, #tpu.memory_space<vmem>> -> memref<128xi32, #tpu.memory_space<vmem>>
        %dma_start3A_413 = arith.constant 0 : i32
        %dma_start3A_414 = arith.constant 0 : i32
        %dma_start3A_415 = tpu.memref_slice %arg17[%dma_start3A_413, %dma_start3A_414] : memref<10112x32xf32, #tpu.memory_space<vmem_shared>> -> memref<10112x32xf32, #tpu.memory_space<vmem_shared>>
        tpu.enqueue_indirect_dma source(%arg15 : memref<128x32xf32, #tpu.memory_space<vmem>>) target(%dma_start3A_415 : memref<10112x32xf32, #tpu.memory_space<vmem_shared>>) offsets(%dma_start3A_412 : memref<128xi32, #tpu.memory_space<vmem>>) semaphore(%run_scoped3A_409 : memref<!tpu.dma_semaphore, #tpu.memory_space<semaphore_mem>>) {add = true}
        %dma_wait3A_416 = arith.constant 0 : i32
        %dma_wait3A_417 = tpu.memref_slice %arg7[%add3A_398, %dma_wait3A_416] : memref<80x128xi32, #tpu.memory_space<vmem>> -> memref<1x128xi32, #tpu.memory_space<vmem>>
        %dma_wait3A_418 = tpu.memref_squeeze %dma_wait3A_417 : memref<1x128xi32, #tpu.memory_space<vmem>> -> memref<128xi32, #tpu.memory_space<vmem>>
        %dma_wait3A_419 = arith.constant 0 : i32
        %dma_wait3A_420 = arith.constant 0 : i32
        %dma_wait3A_421 = tpu.memref_slice %arg17[%dma_wait3A_419, %dma_wait3A_420] : memref<10112x32xf32, #tpu.memory_space<vmem_shared>> -> memref<10112x32xf32, #tpu.memory_space<vmem_shared>>
        tpu.wait_indirect_dma semaphore(%run_scoped3A_409 : memref<!tpu.dma_semaphore, #tpu.memory_space<semaphore_mem>>) src(%arg15 : memref<128x32xf32, #tpu.memory_space<vmem>>) dst(%dma_wait3A_421 : memref<10112x32xf32, #tpu.memory_space<vmem_shared>>)
        tpu.yield
      }) : () -> ()
      %add3A_399 = arith.constant 7 : i32
      %add3A_400 = arith.addi %mul3A_264, %add3A_399 : i32
      %add3A_401 = arith.constant 8 : i32
      %add3A_402 = arith.addi %add3A_400, %add3A_401 : i32
      %dma_start3A_403 = arith.constant 0 : i32
      %dma_start3A_404 = tpu.memref_slice %arg6[%add3A_402, %dma_start3A_403] : memref<80x128xi32, #tpu.memory_space<vmem>> -> memref<1x128xi32, #tpu.memory_space<vmem>>
      %dma_start3A_405 = tpu.memref_squeeze %dma_start3A_404 : memref<1x128xi32, #tpu.memory_space<vmem>> -> memref<128xi32, #tpu.memory_space<vmem>>
      %dma_start3A_406 = arith.constant 0 : i32
      %dma_start3A_407 = arith.constant 0 : i32
      %dma_start3A_408 = tpu.memref_slice %arg16[%dma_start3A_406, %dma_start3A_407] : memref<10000x32xf32, #tpu.memory_space<vmem_shared>> -> memref<10000x32xf32, #tpu.memory_space<vmem_shared>>
      tpu.enqueue_indirect_dma source(%dma_start3A_408 : memref<10000x32xf32, #tpu.memory_space<vmem_shared>>) target(%arg15 : memref<128x32xf32, #tpu.memory_space<vmem>>) offsets(%dma_start3A_405 : memref<128xi32, #tpu.memory_space<vmem>>) semaphore(%arg25 : memref<!tpu.dma_semaphore, #tpu.memory_space<semaphore_mem>>)
    }
    %scan3A_84 = arith.constant 9 : i32
    %dma_wait3A = arith.constant 0 : i32
    %dma_wait3A_85 = arith.constant 0 : i32
    %dma_wait3A_86 = tpu.memref_slice %arg16[%dma_wait3A, %dma_wait3A_85] : memref<10000x32xf32, #tpu.memory_space<vmem_shared>> -> memref<128x32xf32, #tpu.memory_space<vmem_shared>>
    %dma_wait3A_87 = arith.constant 0 : i32
    %dma_wait3A_88 = arith.constant 0 : i32
    %dma_wait3A_89 = tpu.memref_slice %arg16[%dma_wait3A_87, %dma_wait3A_88] : memref<10000x32xf32, #tpu.memory_space<vmem_shared>> -> memref<128x32xf32, #tpu.memory_space<vmem_shared>>
    tpu.wait_dma2 semaphore(%arg18 : memref<!tpu.dma_semaphore, #tpu.memory_space<semaphore_mem>>) src(%dma_wait3A_89 : memref<128x32xf32, #tpu.memory_space<vmem_shared>>) dst(%arg8 : memref<128x32xf32, #tpu.memory_space<vmem>>)
    %run_scoped3A = arith.constant 72 : i32
    "tpu.region"() ({
      %run_scoped3A_262 = tpu.sem_alloc : memref<!tpu.dma_semaphore, #tpu.memory_space<semaphore_mem>>
      %dma_start3A_263 = arith.constant 0 : i32
      %dma_start3A_264 = tpu.memref_slice %arg7[%run_scoped3A, %dma_start3A_263] : memref<80x128xi32, #tpu.memory_space<vmem>> -> memref<1x128xi32, #tpu.memory_space<vmem>>
      %dma_start3A_265 = tpu.memref_squeeze %dma_start3A_264 : memref<1x128xi32, #tpu.memory_space<vmem>> -> memref<128xi32, #tpu.memory_space<vmem>>
      %dma_start3A_266 = arith.constant 0 : i32
      %dma_start3A_267 = arith.constant 0 : i32
      %dma_start3A_268 = tpu.memref_slice %arg17[%dma_start3A_266, %dma_start3A_267] : memref<10112x32xf32, #tpu.memory_space<vmem_shared>> -> memref<10112x32xf32, #tpu.memory_space<vmem_shared>>
      tpu.enqueue_indirect_dma source(%arg8 : memref<128x32xf32, #tpu.memory_space<vmem>>) target(%dma_start3A_268 : memref<10112x32xf32, #tpu.memory_space<vmem_shared>>) offsets(%dma_start3A_265 : memref<128xi32, #tpu.memory_space<vmem>>) semaphore(%run_scoped3A_262 : memref<!tpu.dma_semaphore, #tpu.memory_space<semaphore_mem>>) {add = true}
      %dma_wait3A_269 = arith.constant 0 : i32
      %dma_wait3A_270 = tpu.memref_slice %arg7[%run_scoped3A, %dma_wait3A_269] : memref<80x128xi32, #tpu.memory_space<vmem>> -> memref<1x128xi32, #tpu.memory_space<vmem>>
      %dma_wait3A_271 = tpu.memref_squeeze %dma_wait3A_270 : memref<1x128xi32, #tpu.memory_space<vmem>> -> memref<128xi32, #tpu.memory_space<vmem>>
      %dma_wait3A_272 = arith.constant 0 : i32
      %dma_wait3A_273 = arith.constant 0 : i32
      %dma_wait3A_274 = tpu.memref_slice %arg17[%dma_wait3A_272, %dma_wait3A_273] : memref<10112x32xf32, #tpu.memory_space<vmem_shared>> -> memref<10112x32xf32, #tpu.memory_space<vmem_shared>>
      tpu.wait_indirect_dma semaphore(%run_scoped3A_262 : memref<!tpu.dma_semaphore, #tpu.memory_space<semaphore_mem>>) src(%arg8 : memref<128x32xf32, #tpu.memory_space<vmem>>) dst(%dma_wait3A_274 : memref<10112x32xf32, #tpu.memory_space<vmem_shared>>)
      tpu.yield
    }) : () -> ()
    %dma_wait3A_90 = arith.constant 0 : i32
    %dma_wait3A_91 = arith.constant 0 : i32
    %dma_wait3A_92 = tpu.memref_slice %arg16[%dma_wait3A_90, %dma_wait3A_91] : memref<10000x32xf32, #tpu.memory_space<vmem_shared>> -> memref<128x32xf32, #tpu.memory_space<vmem_shared>>
    %dma_wait3A_93 = arith.constant 0 : i32
    %dma_wait3A_94 = arith.constant 0 : i32
    %dma_wait3A_95 = tpu.memref_slice %arg16[%dma_wait3A_93, %dma_wait3A_94] : memref<10000x32xf32, #tpu.memory_space<vmem_shared>> -> memref<128x32xf32, #tpu.memory_space<vmem_shared>>
    tpu.wait_dma2 semaphore(%arg19 : memref<!tpu.dma_semaphore, #tpu.memory_space<semaphore_mem>>) src(%dma_wait3A_95 : memref<128x32xf32, #tpu.memory_space<vmem_shared>>) dst(%arg9 : memref<128x32xf32, #tpu.memory_space<vmem>>)
    %run_scoped3A_96 = arith.constant 73 : i32
    "tpu.region"() ({
      %run_scoped3A_262 = tpu.sem_alloc : memref<!tpu.dma_semaphore, #tpu.memory_space<semaphore_mem>>
      %dma_start3A_263 = arith.constant 0 : i32
      %dma_start3A_264 = tpu.memref_slice %arg7[%run_scoped3A_96, %dma_start3A_263] : memref<80x128xi32, #tpu.memory_space<vmem>> -> memref<1x128xi32, #tpu.memory_space<vmem>>
      %dma_start3A_265 = tpu.memref_squeeze %dma_start3A_264 : memref<1x128xi32, #tpu.memory_space<vmem>> -> memref<128xi32, #tpu.memory_space<vmem>>
      %dma_start3A_266 = arith.constant 0 : i32
      %dma_start3A_267 = arith.constant 0 : i32
      %dma_start3A_268 = tpu.memref_slice %arg17[%dma_start3A_266, %dma_start3A_267] : memref<10112x32xf32, #tpu.memory_space<vmem_shared>> -> memref<10112x32xf32, #tpu.memory_space<vmem_shared>>
      tpu.enqueue_indirect_dma source(%arg9 : memref<128x32xf32, #tpu.memory_space<vmem>>) target(%dma_start3A_268 : memref<10112x32xf32, #tpu.memory_space<vmem_shared>>) offsets(%dma_start3A_265 : memref<128xi32, #tpu.memory_space<vmem>>) semaphore(%run_scoped3A_262 : memref<!tpu.dma_semaphore, #tpu.memory_space<semaphore_mem>>) {add = true}
      %dma_wait3A_269 = arith.constant 0 : i32
      %dma_wait3A_270 = tpu.memref_slice %arg7[%run_scoped3A_96, %dma_wait3A_269] : memref<80x128xi32, #tpu.memory_space<vmem>> -> memref<1x128xi32, #tpu.memory_space<vmem>>
      %dma_wait3A_271 = tpu.memref_squeeze %dma_wait3A_270 : memref<1x128xi32, #tpu.memory_space<vmem>> -> memref<128xi32, #tpu.memory_space<vmem>>
      %dma_wait3A_272 = arith.constant 0 : i32
      %dma_wait3A_273 = arith.constant 0 : i32
      %dma_wait3A_274 = tpu.memref_slice %arg17[%dma_wait3A_272, %dma_wait3A_273] : memref<10112x32xf32, #tpu.memory_space<vmem_shared>> -> memref<10112x32xf32, #tpu.memory_space<vmem_shared>>
      tpu.wait_indirect_dma semaphore(%run_scoped3A_262 : memref<!tpu.dma_semaphore, #tpu.memory_space<semaphore_mem>>) src(%arg9 : memref<128x32xf32, #tpu.memory_space<vmem>>) dst(%dma_wait3A_274 : memref<10112x32xf32, #tpu.memory_space<vmem_shared>>)
      tpu.yield
    }) : () -> ()
    %dma_wait3A_97 = arith.constant 0 : i32
    %dma_wait3A_98 = arith.constant 0 : i32
    %dma_wait3A_99 = tpu.memref_slice %arg16[%dma_wait3A_97, %dma_wait3A_98] : memref<10000x32xf32, #tpu.memory_space<vmem_shared>> -> memref<128x32xf32, #tpu.memory_space<vmem_shared>>
    %dma_wait3A_100 = arith.constant 0 : i32
    %dma_wait3A_101 = arith.constant 0 : i32
    %dma_wait3A_102 = tpu.memref_slice %arg16[%dma_wait3A_100, %dma_wait3A_101] : memref<10000x32xf32, #tpu.memory_space<vmem_shared>> -> memref<128x32xf32, #tpu.memory_space<vmem_shared>>
    tpu.wait_dma2 semaphore(%arg20 : memref<!tpu.dma_semaphore, #tpu.memory_space<semaphore_mem>>) src(%dma_wait3A_102 : memref<128x32xf32, #tpu.memory_space<vmem_shared>>) dst(%arg10 : memref<128x32xf32, #tpu.memory_space<vmem>>)
    %run_scoped3A_103 = arith.constant 74 : i32
    "tpu.region"() ({
      %run_scoped3A_262 = tpu.sem_alloc : memref<!tpu.dma_semaphore, #tpu.memory_space<semaphore_mem>>
      %dma_start3A_263 = arith.constant 0 : i32
      %dma_start3A_264 = tpu.memref_slice %arg7[%run_scoped3A_103, %dma_start3A_263] : memref<80x128xi32, #tpu.memory_space<vmem>> -> memref<1x128xi32, #tpu.memory_space<vmem>>
      %dma_start3A_265 = tpu.memref_squeeze %dma_start3A_264 : memref<1x128xi32, #tpu.memory_space<vmem>> -> memref<128xi32, #tpu.memory_space<vmem>>
      %dma_start3A_266 = arith.constant 0 : i32
      %dma_start3A_267 = arith.constant 0 : i32
      %dma_start3A_268 = tpu.memref_slice %arg17[%dma_start3A_266, %dma_start3A_267] : memref<10112x32xf32, #tpu.memory_space<vmem_shared>> -> memref<10112x32xf32, #tpu.memory_space<vmem_shared>>
      tpu.enqueue_indirect_dma source(%arg10 : memref<128x32xf32, #tpu.memory_space<vmem>>) target(%dma_start3A_268 : memref<10112x32xf32, #tpu.memory_space<vmem_shared>>) offsets(%dma_start3A_265 : memref<128xi32, #tpu.memory_space<vmem>>) semaphore(%run_scoped3A_262 : memref<!tpu.dma_semaphore, #tpu.memory_space<semaphore_mem>>) {add = true}
      %dma_wait3A_269 = arith.constant 0 : i32
      %dma_wait3A_270 = tpu.memref_slice %arg7[%run_scoped3A_103, %dma_wait3A_269] : memref<80x128xi32, #tpu.memory_space<vmem>> -> memref<1x128xi32, #tpu.memory_space<vmem>>
      %dma_wait3A_271 = tpu.memref_squeeze %dma_wait3A_270 : memref<1x128xi32, #tpu.memory_space<vmem>> -> memref<128xi32, #tpu.memory_space<vmem>>
      %dma_wait3A_272 = arith.constant 0 : i32
      %dma_wait3A_273 = arith.constant 0 : i32
      %dma_wait3A_274 = tpu.memref_slice %arg17[%dma_wait3A_272, %dma_wait3A_273] : memref<10112x32xf32, #tpu.memory_space<vmem_shared>> -> memref<10112x32xf32, #tpu.memory_space<vmem_shared>>
      tpu.wait_indirect_dma semaphore(%run_scoped3A_262 : memref<!tpu.dma_semaphore, #tpu.memory_space<semaphore_mem>>) src(%arg10 : memref<128x32xf32, #tpu.memory_space<vmem>>) dst(%dma_wait3A_274 : memref<10112x32xf32, #tpu.memory_space<vmem_shared>>)
      tpu.yield
    }) : () -> ()
    %dma_wait3A_104 = arith.constant 0 : i32
    %dma_wait3A_105 = arith.constant 0 : i32
    %dma_wait3A_106 = tpu.memref_slice %arg16[%dma_wait3A_104, %dma_wait3A_105] : memref<10000x32xf32, #tpu.memory_space<vmem_shared>> -> memref<128x32xf32, #tpu.memory_space<vmem_shared>>
    %dma_wait3A_107 = arith.constant 0 : i32
    %dma_wait3A_108 = arith.constant 0 : i32
    %dma_wait3A_109 = tpu.memref_slice %arg16[%dma_wait3A_107, %dma_wait3A_108] : memref<10000x32xf32, #tpu.memory_space<vmem_shared>> -> memref<128x32xf32, #tpu.memory_space<vmem_shared>>
    tpu.wait_dma2 semaphore(%arg21 : memref<!tpu.dma_semaphore, #tpu.memory_space<semaphore_mem>>) src(%dma_wait3A_109 : memref<128x32xf32, #tpu.memory_space<vmem_shared>>) dst(%arg11 : memref<128x32xf32, #tpu.memory_space<vmem>>)
    %run_scoped3A_110 = arith.constant 75 : i32
    "tpu.region"() ({
      %run_scoped3A_262 = tpu.sem_alloc : memref<!tpu.dma_semaphore, #tpu.memory_space<semaphore_mem>>
      %dma_start3A_263 = arith.constant 0 : i32
      %dma_start3A_264 = tpu.memref_slice %arg7[%run_scoped3A_110, %dma_start3A_263] : memref<80x128xi32, #tpu.memory_space<vmem>> -> memref<1x128xi32, #tpu.memory_space<vmem>>
      %dma_start3A_265 = tpu.memref_squeeze %dma_start3A_264 : memref<1x128xi32, #tpu.memory_space<vmem>> -> memref<128xi32, #tpu.memory_space<vmem>>
      %dma_start3A_266 = arith.constant 0 : i32
      %dma_start3A_267 = arith.constant 0 : i32
      %dma_start3A_268 = tpu.memref_slice %arg17[%dma_start3A_266, %dma_start3A_267] : memref<10112x32xf32, #tpu.memory_space<vmem_shared>> -> memref<10112x32xf32, #tpu.memory_space<vmem_shared>>
      tpu.enqueue_indirect_dma source(%arg11 : memref<128x32xf32, #tpu.memory_space<vmem>>) target(%dma_start3A_268 : memref<10112x32xf32, #tpu.memory_space<vmem_shared>>) offsets(%dma_start3A_265 : memref<128xi32, #tpu.memory_space<vmem>>) semaphore(%run_scoped3A_262 : memref<!tpu.dma_semaphore, #tpu.memory_space<semaphore_mem>>) {add = true}
      %dma_wait3A_269 = arith.constant 0 : i32
      %dma_wait3A_270 = tpu.memref_slice %arg7[%run_scoped3A_110, %dma_wait3A_269] : memref<80x128xi32, #tpu.memory_space<vmem>> -> memref<1x128xi32, #tpu.memory_space<vmem>>
      %dma_wait3A_271 = tpu.memref_squeeze %dma_wait3A_270 : memref<1x128xi32, #tpu.memory_space<vmem>> -> memref<128xi32, #tpu.memory_space<vmem>>
      %dma_wait3A_272 = arith.constant 0 : i32
      %dma_wait3A_273 = arith.constant 0 : i32
      %dma_wait3A_274 = tpu.memref_slice %arg17[%dma_wait3A_272, %dma_wait3A_273] : memref<10112x32xf32, #tpu.memory_space<vmem_shared>> -> memref<10112x32xf32, #tpu.memory_space<vmem_shared>>
      tpu.wait_indirect_dma semaphore(%run_scoped3A_262 : memref<!tpu.dma_semaphore, #tpu.memory_space<semaphore_mem>>) src(%arg11 : memref<128x32xf32, #tpu.memory_space<vmem>>) dst(%dma_wait3A_274 : memref<10112x32xf32, #tpu.memory_space<vmem_shared>>)
      tpu.yield
    }) : () -> ()
    %dma_wait3A_111 = arith.constant 0 : i32
    %dma_wait3A_112 = arith.constant 0 : i32
    %dma_wait3A_113 = tpu.memref_slice %arg16[%dma_wait3A_111, %dma_wait3A_112] : memref<10000x32xf32, #tpu.memory_space<vmem_shared>> -> memref<128x32xf32, #tpu.memory_space<vmem_shared>>
    %dma_wait3A_114 = arith.constant 0 : i32
    %dma_wait3A_115 = arith.constant 0 : i32
    %dma_wait3A_116 = tpu.memref_slice %arg16[%dma_wait3A_114, %dma_wait3A_115] : memref<10000x32xf32, #tpu.memory_space<vmem_shared>> -> memref<128x32xf32, #tpu.memory_space<vmem_shared>>
    tpu.wait_dma2 semaphore(%arg22 : memref<!tpu.dma_semaphore, #tpu.memory_space<semaphore_mem>>) src(%dma_wait3A_116 : memref<128x32xf32, #tpu.memory_space<vmem_shared>>) dst(%arg12 : memref<128x32xf32, #tpu.memory_space<vmem>>)
    %run_scoped3A_117 = arith.constant 76 : i32
    "tpu.region"() ({
      %run_scoped3A_262 = tpu.sem_alloc : memref<!tpu.dma_semaphore, #tpu.memory_space<semaphore_mem>>
      %dma_start3A_263 = arith.constant 0 : i32
      %dma_start3A_264 = tpu.memref_slice %arg7[%run_scoped3A_117, %dma_start3A_263] : memref<80x128xi32, #tpu.memory_space<vmem>> -> memref<1x128xi32, #tpu.memory_space<vmem>>
      %dma_start3A_265 = tpu.memref_squeeze %dma_start3A_264 : memref<1x128xi32, #tpu.memory_space<vmem>> -> memref<128xi32, #tpu.memory_space<vmem>>
      %dma_start3A_266 = arith.constant 0 : i32
      %dma_start3A_267 = arith.constant 0 : i32
      %dma_start3A_268 = tpu.memref_slice %arg17[%dma_start3A_266, %dma_start3A_267] : memref<10112x32xf32, #tpu.memory_space<vmem_shared>> -> memref<10112x32xf32, #tpu.memory_space<vmem_shared>>
      tpu.enqueue_indirect_dma source(%arg12 : memref<128x32xf32, #tpu.memory_space<vmem>>) target(%dma_start3A_268 : memref<10112x32xf32, #tpu.memory_space<vmem_shared>>) offsets(%dma_start3A_265 : memref<128xi32, #tpu.memory_space<vmem>>) semaphore(%run_scoped3A_262 : memref<!tpu.dma_semaphore, #tpu.memory_space<semaphore_mem>>) {add = true}
      %dma_wait3A_269 = arith.constant 0 : i32
      %dma_wait3A_270 = tpu.memref_slice %arg7[%run_scoped3A_117, %dma_wait3A_269] : memref<80x128xi32, #tpu.memory_space<vmem>> -> memref<1x128xi32, #tpu.memory_space<vmem>>
      %dma_wait3A_271 = tpu.memref_squeeze %dma_wait3A_270 : memref<1x128xi32, #tpu.memory_space<vmem>> -> memref<128xi32, #tpu.memory_space<vmem>>
      %dma_wait3A_272 = arith.constant 0 : i32
      %dma_wait3A_273 = arith.constant 0 : i32
      %dma_wait3A_274 = tpu.memref_slice %arg17[%dma_wait3A_272, %dma_wait3A_273] : memref<10112x32xf32, #tpu.memory_space<vmem_shared>> -> memref<10112x32xf32, #tpu.memory_space<vmem_shared>>
      tpu.wait_indirect_dma semaphore(%run_scoped3A_262 : memref<!tpu.dma_semaphore, #tpu.memory_space<semaphore_mem>>) src(%arg12 : memref<128x32xf32, #tpu.memory_space<vmem>>) dst(%dma_wait3A_274 : memref<10112x32xf32, #tpu.memory_space<vmem_shared>>)
      tpu.yield
    }) : () -> ()
    %dma_wait3A_118 = arith.constant 0 : i32
    %dma_wait3A_119 = arith.constant 0 : i32
    %dma_wait3A_120 = tpu.memref_slice %arg16[%dma_wait3A_118, %dma_wait3A_119] : memref<10000x32xf32, #tpu.memory_space<vmem_shared>> -> memref<128x32xf32, #tpu.memory_space<vmem_shared>>
    %dma_wait3A_121 = arith.constant 0 : i32
    %dma_wait3A_122 = arith.constant 0 : i32
    %dma_wait3A_123 = tpu.memref_slice %arg16[%dma_wait3A_121, %dma_wait3A_122] : memref<10000x32xf32, #tpu.memory_space<vmem_shared>> -> memref<128x32xf32, #tpu.memory_space<vmem_shared>>
    tpu.wait_dma2 semaphore(%arg23 : memref<!tpu.dma_semaphore, #tpu.memory_space<semaphore_mem>>) src(%dma_wait3A_123 : memref<128x32xf32, #tpu.memory_space<vmem_shared>>) dst(%arg13 : memref<128x32xf32, #tpu.memory_space<vmem>>)
    %run_scoped3A_124 = arith.constant 77 : i32
    "tpu.region"() ({
      %run_scoped3A_262 = tpu.sem_alloc : memref<!tpu.dma_semaphore, #tpu.memory_space<semaphore_mem>>
      %dma_start3A_263 = arith.constant 0 : i32
      %dma_start3A_264 = tpu.memref_slice %arg7[%run_scoped3A_124, %dma_start3A_263] : memref<80x128xi32, #tpu.memory_space<vmem>> -> memref<1x128xi32, #tpu.memory_space<vmem>>
      %dma_start3A_265 = tpu.memref_squeeze %dma_start3A_264 : memref<1x128xi32, #tpu.memory_space<vmem>> -> memref<128xi32, #tpu.memory_space<vmem>>
      %dma_start3A_266 = arith.constant 0 : i32
      %dma_start3A_267 = arith.constant 0 : i32
      %dma_start3A_268 = tpu.memref_slice %arg17[%dma_start3A_266, %dma_start3A_267] : memref<10112x32xf32, #tpu.memory_space<vmem_shared>> -> memref<10112x32xf32, #tpu.memory_space<vmem_shared>>
      tpu.enqueue_indirect_dma source(%arg13 : memref<128x32xf32, #tpu.memory_space<vmem>>) target(%dma_start3A_268 : memref<10112x32xf32, #tpu.memory_space<vmem_shared>>) offsets(%dma_start3A_265 : memref<128xi32, #tpu.memory_space<vmem>>) semaphore(%run_scoped3A_262 : memref<!tpu.dma_semaphore, #tpu.memory_space<semaphore_mem>>) {add = true}
      %dma_wait3A_269 = arith.constant 0 : i32
      %dma_wait3A_270 = tpu.memref_slice %arg7[%run_scoped3A_124, %dma_wait3A_269] : memref<80x128xi32, #tpu.memory_space<vmem>> -> memref<1x128xi32, #tpu.memory_space<vmem>>
      %dma_wait3A_271 = tpu.memref_squeeze %dma_wait3A_270 : memref<1x128xi32, #tpu.memory_space<vmem>> -> memref<128xi32, #tpu.memory_space<vmem>>
      %dma_wait3A_272 = arith.constant 0 : i32
      %dma_wait3A_273 = arith.constant 0 : i32
      %dma_wait3A_274 = tpu.memref_slice %arg17[%dma_wait3A_272, %dma_wait3A_273] : memref<10112x32xf32, #tpu.memory_space<vmem_shared>> -> memref<10112x32xf32, #tpu.memory_space<vmem_shared>>
      tpu.wait_indirect_dma semaphore(%run_scoped3A_262 : memref<!tpu.dma_semaphore, #tpu.memory_space<semaphore_mem>>) src(%arg13 : memref<128x32xf32, #tpu.memory_space<vmem>>) dst(%dma_wait3A_274 : memref<10112x32xf32, #tpu.memory_space<vmem_shared>>)
      tpu.yield
    }) : () -> ()
    %dma_wait3A_125 = arith.constant 0 : i32
    %dma_wait3A_126 = arith.constant 0 : i32
    %dma_wait3A_127 = tpu.memref_slice %arg16[%dma_wait3A_125, %dma_wait3A_126] : memref<10000x32xf32, #tpu.memory_space<vmem_shared>> -> memref<128x32xf32, #tpu.memory_space<vmem_shared>>
    %dma_wait3A_128 = arith.constant 0 : i32
    %dma_wait3A_129 = arith.constant 0 : i32
    %dma_wait3A_130 = tpu.memref_slice %arg16[%dma_wait3A_128, %dma_wait3A_129] : memref<10000x32xf32, #tpu.memory_space<vmem_shared>> -> memref<128x32xf32, #tpu.memory_space<vmem_shared>>
    tpu.wait_dma2 semaphore(%arg24 : memref<!tpu.dma_semaphore, #tpu.memory_space<semaphore_mem>>) src(%dma_wait3A_130 : memref<128x32xf32, #tpu.memory_space<vmem_shared>>) dst(%arg14 : memref<128x32xf32, #tpu.memory_space<vmem>>)
    %run_scoped3A_131 = arith.constant 78 : i32
    "tpu.region"() ({
      %run_scoped3A_262 = tpu.sem_alloc : memref<!tpu.dma_semaphore, #tpu.memory_space<semaphore_mem>>
      %dma_start3A_263 = arith.constant 0 : i32
      %dma_start3A_264 = tpu.memref_slice %arg7[%run_scoped3A_131, %dma_start3A_263] : memref<80x128xi32, #tpu.memory_space<vmem>> -> memref<1x128xi32, #tpu.memory_space<vmem>>
      %dma_start3A_265 = tpu.memref_squeeze %dma_start3A_264 : memref<1x128xi32, #tpu.memory_space<vmem>> -> memref<128xi32, #tpu.memory_space<vmem>>
      %dma_start3A_266 = arith.constant 0 : i32
      %dma_start3A_267 = arith.constant 0 : i32
      %dma_start3A_268 = tpu.memref_slice %arg17[%dma_start3A_266, %dma_start3A_267] : memref<10112x32xf32, #tpu.memory_space<vmem_shared>> -> memref<10112x32xf32, #tpu.memory_space<vmem_shared>>
      tpu.enqueue_indirect_dma source(%arg14 : memref<128x32xf32, #tpu.memory_space<vmem>>) target(%dma_start3A_268 : memref<10112x32xf32, #tpu.memory_space<vmem_shared>>) offsets(%dma_start3A_265 : memref<128xi32, #tpu.memory_space<vmem>>) semaphore(%run_scoped3A_262 : memref<!tpu.dma_semaphore, #tpu.memory_space<semaphore_mem>>) {add = true}
      %dma_wait3A_269 = arith.constant 0 : i32
      %dma_wait3A_270 = tpu.memref_slice %arg7[%run_scoped3A_131, %dma_wait3A_269] : memref<80x128xi32, #tpu.memory_space<vmem>> -> memref<1x128xi32, #tpu.memory_space<vmem>>
      %dma_wait3A_271 = tpu.memref_squeeze %dma_wait3A_270 : memref<1x128xi32, #tpu.memory_space<vmem>> -> memref<128xi32, #tpu.memory_space<vmem>>
      %dma_wait3A_272 = arith.constant 0 : i32
      %dma_wait3A_273 = arith.constant 0 : i32
      %dma_wait3A_274 = tpu.memref_slice %arg17[%dma_wait3A_272, %dma_wait3A_273] : memref<10112x32xf32, #tpu.memory_space<vmem_shared>> -> memref<10112x32xf32, #tpu.memory_space<vmem_shared>>
      tpu.wait_indirect_dma semaphore(%run_scoped3A_262 : memref<!tpu.dma_semaphore, #tpu.memory_space<semaphore_mem>>) src(%arg14 : memref<128x32xf32, #tpu.memory_space<vmem>>) dst(%dma_wait3A_274 : memref<10112x32xf32, #tpu.memory_space<vmem_shared>>)
      tpu.yield
    }) : () -> ()
    %dma_wait3A_132 = arith.constant 0 : i32
    %dma_wait3A_133 = arith.constant 0 : i32
    %dma_wait3A_134 = tpu.memref_slice %arg16[%dma_wait3A_132, %dma_wait3A_133] : memref<10000x32xf32, #tpu.memory_space<vmem_shared>> -> memref<128x32xf32, #tpu.memory_space<vmem_shared>>
    %dma_wait3A_135 = arith.constant 0 : i32
    %dma_wait3A_136 = arith.constant 0 : i32
    %dma_wait3A_137 = tpu.memref_slice %arg16[%dma_wait3A_135, %dma_wait3A_136] : memref<10000x32xf32, #tpu.memory_space<vmem_shared>> -> memref<128x32xf32, #tpu.memory_space<vmem_shared>>
    tpu.wait_dma2 semaphore(%arg25 : memref<!tpu.dma_semaphore, #tpu.memory_space<semaphore_mem>>) src(%dma_wait3A_137 : memref<128x32xf32, #tpu.memory_space<vmem_shared>>) dst(%arg15 : memref<128x32xf32, #tpu.memory_space<vmem>>)
    %run_scoped3A_138 = arith.constant 79 : i32
    "tpu.region"() ({
      %run_scoped3A_262 = tpu.sem_alloc : memref<!tpu.dma_semaphore, #tpu.memory_space<semaphore_mem>>
      %dma_start3A_263 = arith.constant 0 : i32
      %dma_start3A_264 = tpu.memref_slice %arg7[%run_scoped3A_138, %dma_start3A_263] : memref<80x128xi32, #tpu.memory_space<vmem>> -> memref<1x128xi32, #tpu.memory_space<vmem>>
      %dma_start3A_265 = tpu.memref_squeeze %dma_start3A_264 : memref<1x128xi32, #tpu.memory_space<vmem>> -> memref<128xi32, #tpu.memory_space<vmem>>
      %dma_start3A_266 = arith.constant 0 : i32
      %dma_start3A_267 = arith.constant 0 : i32
      %dma_start3A_268 = tpu.memref_slice %arg17[%dma_start3A_266, %dma_start3A_267] : memref<10112x32xf32, #tpu.memory_space<vmem_shared>> -> memref<10112x32xf32, #tpu.memory_space<vmem_shared>>
      tpu.enqueue_indirect_dma source(%arg15 : memref<128x32xf32, #tpu.memory_space<vmem>>) target(%dma_start3A_268 : memref<10112x32xf32, #tpu.memory_space<vmem_shared>>) offsets(%dma_start3A_265 : memref<128xi32, #tpu.memory_space<vmem>>) semaphore(%run_scoped3A_262 : memref<!tpu.dma_semaphore, #tpu.memory_space<semaphore_mem>>) {add = true}
      %dma_wait3A_269 = arith.constant 0 : i32
      %dma_wait3A_270 = tpu.memref_slice %arg7[%run_scoped3A_138, %dma_wait3A_269] : memref<80x128xi32, #tpu.memory_space<vmem>> -> memref<1x128xi32, #tpu.memory_space<vmem>>
      %dma_wait3A_271 = tpu.memref_squeeze %dma_wait3A_270 : memref<1x128xi32, #tpu.memory_space<vmem>> -> memref<128xi32, #tpu.memory_space<vmem>>
      %dma_wait3A_272 = arith.constant 0 : i32
      %dma_wait3A_273 = arith.constant 0 : i32
      %dma_wait3A_274 = tpu.memref_slice %arg17[%dma_wait3A_272, %dma_wait3A_273] : memref<10112x32xf32, #tpu.memory_space<vmem_shared>> -> memref<10112x32xf32, #tpu.memory_space<vmem_shared>>
      tpu.wait_indirect_dma semaphore(%run_scoped3A_262 : memref<!tpu.dma_semaphore, #tpu.memory_space<semaphore_mem>>) src(%arg15 : memref<128x32xf32, #tpu.memory_space<vmem>>) dst(%dma_wait3A_274 : memref<10112x32xf32, #tpu.memory_space<vmem_shared>>)
      tpu.yield
    }) : () -> ()
    %mul3A_139 = arith.constant 160 : i32
    %mul3A_140 = arith.muli %arg1, %mul3A_139 : i32
    %add3A_141 = arith.constant 80 : i32
    %add3A_142 = arith.addi %mul3A_140, %add3A_141 : i32
    "tpu.region"() ({
      %run_scoped3A_262 = tpu.sem_alloc : memref<!tpu.dma_semaphore, #tpu.memory_space<semaphore_mem>>
      %dma_start3A_263 = arith.constant 0 : i32
      %dma_start3A_264 = tpu.memref_slice %arg3[%add3A_142, %dma_start3A_263] : memref<2560x128xi32, #tpu.memory_space<hbm>> -> memref<80x128xi32, #tpu.memory_space<hbm>>
      %dma_start3A_265 = arith.constant 0 : i32
      %dma_start3A_266 = tpu.memref_slice %arg3[%add3A_142, %dma_start3A_265] : memref<2560x128xi32, #tpu.memory_space<hbm>> -> memref<80x128xi32, #tpu.memory_space<hbm>>
      tpu.enqueue_dma source(%dma_start3A_266 : memref<80x128xi32, #tpu.memory_space<hbm>>) target(%arg6 : memref<80x128xi32, #tpu.memory_space<vmem>>) target_semaphore(%run_scoped3A_262 : memref<!tpu.dma_semaphore, #tpu.memory_space<semaphore_mem>>)
      %dma_wait3A_267 = arith.constant 0 : i32
      %dma_wait3A_268 = tpu.memref_slice %arg3[%add3A_142, %dma_wait3A_267] : memref<2560x128xi32, #tpu.memory_space<hbm>> -> memref<80x128xi32, #tpu.memory_space<hbm>>
      %dma_wait3A_269 = arith.constant 0 : i32
      %dma_wait3A_270 = tpu.memref_slice %arg3[%add3A_142, %dma_wait3A_269] : memref<2560x128xi32, #tpu.memory_space<hbm>> -> memref<80x128xi32, #tpu.memory_space<hbm>>
      tpu.wait_dma2 semaphore(%run_scoped3A_262 : memref<!tpu.dma_semaphore, #tpu.memory_space<semaphore_mem>>) src(%dma_wait3A_270 : memref<80x128xi32, #tpu.memory_space<hbm>>) dst(%arg6 : memref<80x128xi32, #tpu.memory_space<vmem>>)
      tpu.yield
    }) : () -> ()
    "tpu.region"() ({
      %run_scoped3A_262 = tpu.sem_alloc : memref<!tpu.dma_semaphore, #tpu.memory_space<semaphore_mem>>
      %dma_start3A_263 = arith.constant 0 : i32
      %dma_start3A_264 = tpu.memref_slice %arg4[%add3A_142, %dma_start3A_263] : memref<2560x128xi32, #tpu.memory_space<hbm>> -> memref<80x128xi32, #tpu.memory_space<hbm>>
      %dma_start3A_265 = arith.constant 0 : i32
      %dma_start3A_266 = tpu.memref_slice %arg4[%add3A_142, %dma_start3A_265] : memref<2560x128xi32, #tpu.memory_space<hbm>> -> memref<80x128xi32, #tpu.memory_space<hbm>>
      tpu.enqueue_dma source(%dma_start3A_266 : memref<80x128xi32, #tpu.memory_space<hbm>>) target(%arg7 : memref<80x128xi32, #tpu.memory_space<vmem>>) target_semaphore(%run_scoped3A_262 : memref<!tpu.dma_semaphore, #tpu.memory_space<semaphore_mem>>)
      %dma_wait3A_267 = arith.constant 0 : i32
      %dma_wait3A_268 = tpu.memref_slice %arg4[%add3A_142, %dma_wait3A_267] : memref<2560x128xi32, #tpu.memory_space<hbm>> -> memref<80x128xi32, #tpu.memory_space<hbm>>
      %dma_wait3A_269 = arith.constant 0 : i32
      %dma_wait3A_270 = tpu.memref_slice %arg4[%add3A_142, %dma_wait3A_269] : memref<2560x128xi32, #tpu.memory_space<hbm>> -> memref<80x128xi32, #tpu.memory_space<hbm>>
      tpu.wait_dma2 semaphore(%run_scoped3A_262 : memref<!tpu.dma_semaphore, #tpu.memory_space<semaphore_mem>>) src(%dma_wait3A_270 : memref<80x128xi32, #tpu.memory_space<hbm>>) dst(%arg7 : memref<80x128xi32, #tpu.memory_space<vmem>>)
      tpu.yield
    }) : () -> ()
    %dma_start3A_143 = arith.constant 0 : i32
    %dma_start3A_144 = arith.constant 0 : i32
    %dma_start3A_145 = tpu.memref_slice %arg6[%dma_start3A_143, %dma_start3A_144] : memref<80x128xi32, #tpu.memory_space<vmem>> -> memref<1x128xi32, #tpu.memory_space<vmem>>
    %dma_start3A_146 = tpu.memref_squeeze %dma_start3A_145 : memref<1x128xi32, #tpu.memory_space<vmem>> -> memref<128xi32, #tpu.memory_space<vmem>>
    %dma_start3A_147 = arith.constant 0 : i32
    %dma_start3A_148 = arith.constant 0 : i32
    %dma_start3A_149 = tpu.memref_slice %arg16[%dma_start3A_147, %dma_start3A_148] : memref<10000x32xf32, #tpu.memory_space<vmem_shared>> -> memref<10000x32xf32, #tpu.memory_space<vmem_shared>>
    tpu.enqueue_indirect_dma source(%dma_start3A_149 : memref<10000x32xf32, #tpu.memory_space<vmem_shared>>) target(%arg8 : memref<128x32xf32, #tpu.memory_space<vmem>>) offsets(%dma_start3A_146 : memref<128xi32, #tpu.memory_space<vmem>>) semaphore(%arg18 : memref<!tpu.dma_semaphore, #tpu.memory_space<semaphore_mem>>)
    %dma_start3A_150 = arith.constant 1 : i32
    %dma_start3A_151 = arith.constant 0 : i32
    %dma_start3A_152 = tpu.memref_slice %arg6[%dma_start3A_150, %dma_start3A_151] : memref<80x128xi32, #tpu.memory_space<vmem>> -> memref<1x128xi32, #tpu.memory_space<vmem>>
    %dma_start3A_153 = tpu.memref_squeeze %dma_start3A_152 : memref<1x128xi32, #tpu.memory_space<vmem>> -> memref<128xi32, #tpu.memory_space<vmem>>
    %dma_start3A_154 = arith.constant 0 : i32
    %dma_start3A_155 = arith.constant 0 : i32
    %dma_start3A_156 = tpu.memref_slice %arg16[%dma_start3A_154, %dma_start3A_155] : memref<10000x32xf32, #tpu.memory_space<vmem_shared>> -> memref<10000x32xf32, #tpu.memory_space<vmem_shared>>
    tpu.enqueue_indirect_dma source(%dma_start3A_156 : memref<10000x32xf32, #tpu.memory_space<vmem_shared>>) target(%arg9 : memref<128x32xf32, #tpu.memory_space<vmem>>) offsets(%dma_start3A_153 : memref<128xi32, #tpu.memory_space<vmem>>) semaphore(%arg19 : memref<!tpu.dma_semaphore, #tpu.memory_space<semaphore_mem>>)
    %dma_start3A_157 = arith.constant 2 : i32
    %dma_start3A_158 = arith.constant 0 : i32
    %dma_start3A_159 = tpu.memref_slice %arg6[%dma_start3A_157, %dma_start3A_158] : memref<80x128xi32, #tpu.memory_space<vmem>> -> memref<1x128xi32, #tpu.memory_space<vmem>>
    %dma_start3A_160 = tpu.memref_squeeze %dma_start3A_159 : memref<1x128xi32, #tpu.memory_space<vmem>> -> memref<128xi32, #tpu.memory_space<vmem>>
    %dma_start3A_161 = arith.constant 0 : i32
    %dma_start3A_162 = arith.constant 0 : i32
    %dma_start3A_163 = tpu.memref_slice %arg16[%dma_start3A_161, %dma_start3A_162] : memref<10000x32xf32, #tpu.memory_space<vmem_shared>> -> memref<10000x32xf32, #tpu.memory_space<vmem_shared>>
    tpu.enqueue_indirect_dma source(%dma_start3A_163 : memref<10000x32xf32, #tpu.memory_space<vmem_shared>>) target(%arg10 : memref<128x32xf32, #tpu.memory_space<vmem>>) offsets(%dma_start3A_160 : memref<128xi32, #tpu.memory_space<vmem>>) semaphore(%arg20 : memref<!tpu.dma_semaphore, #tpu.memory_space<semaphore_mem>>)
    %dma_start3A_164 = arith.constant 3 : i32
    %dma_start3A_165 = arith.constant 0 : i32
    %dma_start3A_166 = tpu.memref_slice %arg6[%dma_start3A_164, %dma_start3A_165] : memref<80x128xi32, #tpu.memory_space<vmem>> -> memref<1x128xi32, #tpu.memory_space<vmem>>
    %dma_start3A_167 = tpu.memref_squeeze %dma_start3A_166 : memref<1x128xi32, #tpu.memory_space<vmem>> -> memref<128xi32, #tpu.memory_space<vmem>>
    %dma_start3A_168 = arith.constant 0 : i32
    %dma_start3A_169 = arith.constant 0 : i32
    %dma_start3A_170 = tpu.memref_slice %arg16[%dma_start3A_168, %dma_start3A_169] : memref<10000x32xf32, #tpu.memory_space<vmem_shared>> -> memref<10000x32xf32, #tpu.memory_space<vmem_shared>>
    tpu.enqueue_indirect_dma source(%dma_start3A_170 : memref<10000x32xf32, #tpu.memory_space<vmem_shared>>) target(%arg11 : memref<128x32xf32, #tpu.memory_space<vmem>>) offsets(%dma_start3A_167 : memref<128xi32, #tpu.memory_space<vmem>>) semaphore(%arg21 : memref<!tpu.dma_semaphore, #tpu.memory_space<semaphore_mem>>)
    %dma_start3A_171 = arith.constant 4 : i32
    %dma_start3A_172 = arith.constant 0 : i32
    %dma_start3A_173 = tpu.memref_slice %arg6[%dma_start3A_171, %dma_start3A_172] : memref<80x128xi32, #tpu.memory_space<vmem>> -> memref<1x128xi32, #tpu.memory_space<vmem>>
    %dma_start3A_174 = tpu.memref_squeeze %dma_start3A_173 : memref<1x128xi32, #tpu.memory_space<vmem>> -> memref<128xi32, #tpu.memory_space<vmem>>
    %dma_start3A_175 = arith.constant 0 : i32
    %dma_start3A_176 = arith.constant 0 : i32
    %dma_start3A_177 = tpu.memref_slice %arg16[%dma_start3A_175, %dma_start3A_176] : memref<10000x32xf32, #tpu.memory_space<vmem_shared>> -> memref<10000x32xf32, #tpu.memory_space<vmem_shared>>
    tpu.enqueue_indirect_dma source(%dma_start3A_177 : memref<10000x32xf32, #tpu.memory_space<vmem_shared>>) target(%arg12 : memref<128x32xf32, #tpu.memory_space<vmem>>) offsets(%dma_start3A_174 : memref<128xi32, #tpu.memory_space<vmem>>) semaphore(%arg22 : memref<!tpu.dma_semaphore, #tpu.memory_space<semaphore_mem>>)
    %dma_start3A_178 = arith.constant 5 : i32
    %dma_start3A_179 = arith.constant 0 : i32
    %dma_start3A_180 = tpu.memref_slice %arg6[%dma_start3A_178, %dma_start3A_179] : memref<80x128xi32, #tpu.memory_space<vmem>> -> memref<1x128xi32, #tpu.memory_space<vmem>>
    %dma_start3A_181 = tpu.memref_squeeze %dma_start3A_180 : memref<1x128xi32, #tpu.memory_space<vmem>> -> memref<128xi32, #tpu.memory_space<vmem>>
    %dma_start3A_182 = arith.constant 0 : i32
    %dma_start3A_183 = arith.constant 0 : i32
    %dma_start3A_184 = tpu.memref_slice %arg16[%dma_start3A_182, %dma_start3A_183] : memref<10000x32xf32, #tpu.memory_space<vmem_shared>> -> memref<10000x32xf32, #tpu.memory_space<vmem_shared>>
    tpu.enqueue_indirect_dma source(%dma_start3A_184 : memref<10000x32xf32, #tpu.memory_space<vmem_shared>>) target(%arg13 : memref<128x32xf32, #tpu.memory_space<vmem>>) offsets(%dma_start3A_181 : memref<128xi32, #tpu.memory_space<vmem>>) semaphore(%arg23 : memref<!tpu.dma_semaphore, #tpu.memory_space<semaphore_mem>>)
    %dma_start3A_185 = arith.constant 6 : i32
    %dma_start3A_186 = arith.constant 0 : i32
    %dma_start3A_187 = tpu.memref_slice %arg6[%dma_start3A_185, %dma_start3A_186] : memref<80x128xi32, #tpu.memory_space<vmem>> -> memref<1x128xi32, #tpu.memory_space<vmem>>
    %dma_start3A_188 = tpu.memref_squeeze %dma_start3A_187 : memref<1x128xi32, #tpu.memory_space<vmem>> -> memref<128xi32, #tpu.memory_space<vmem>>
    %dma_start3A_189 = arith.constant 0 : i32
    %dma_start3A_190 = arith.constant 0 : i32
    %dma_start3A_191 = tpu.memref_slice %arg16[%dma_start3A_189, %dma_start3A_190] : memref<10000x32xf32, #tpu.memory_space<vmem_shared>> -> memref<10000x32xf32, #tpu.memory_space<vmem_shared>>
    tpu.enqueue_indirect_dma source(%dma_start3A_191 : memref<10000x32xf32, #tpu.memory_space<vmem_shared>>) target(%arg14 : memref<128x32xf32, #tpu.memory_space<vmem>>) offsets(%dma_start3A_188 : memref<128xi32, #tpu.memory_space<vmem>>) semaphore(%arg24 : memref<!tpu.dma_semaphore, #tpu.memory_space<semaphore_mem>>)
    %dma_start3A_192 = arith.constant 7 : i32
    %dma_start3A_193 = arith.constant 0 : i32
    %dma_start3A_194 = tpu.memref_slice %arg6[%dma_start3A_192, %dma_start3A_193] : memref<80x128xi32, #tpu.memory_space<vmem>> -> memref<1x128xi32, #tpu.memory_space<vmem>>
    %dma_start3A_195 = tpu.memref_squeeze %dma_start3A_194 : memref<1x128xi32, #tpu.memory_space<vmem>> -> memref<128xi32, #tpu.memory_space<vmem>>
    %dma_start3A_196 = arith.constant 0 : i32
    %dma_start3A_197 = arith.constant 0 : i32
    %dma_start3A_198 = tpu.memref_slice %arg16[%dma_start3A_196, %dma_start3A_197] : memref<10000x32xf32, #tpu.memory_space<vmem_shared>> -> memref<10000x32xf32, #tpu.memory_space<vmem_shared>>
    tpu.enqueue_indirect_dma source(%dma_start3A_198 : memref<10000x32xf32, #tpu.memory_space<vmem_shared>>) target(%arg15 : memref<128x32xf32, #tpu.memory_space<vmem>>) offsets(%dma_start3A_195 : memref<128xi32, #tpu.memory_space<vmem>>) semaphore(%arg25 : memref<!tpu.dma_semaphore, #tpu.memory_space<semaphore_mem>>)
    %scan3A_199 = arith.constant 0 : i32
    %scan3A_200 = arith.constant 0 : i32
    %scan3A_201 = arith.constant 9 : i32
    %scan3A_202 = arith.addi %scan3A_200, %scan3A_201 : i32
    %scan3A_203 = arith.constant 1 : i32
    scf.for %scan3A_262 = %scan3A_200 to %scan3A_202 step %scan3A_203  : i32 {
      %mul3A_263 = arith.constant 8 : i32
      %mul3A_264 = arith.muli %scan3A_262, %mul3A_263 : i32
      %dma_wait3A_265 = arith.constant 0 : i32
      %dma_wait3A_266 = arith.constant 0 : i32
      %dma_wait3A_267 = tpu.memref_slice %arg16[%dma_wait3A_265, %dma_wait3A_266] : memref<10000x32xf32, #tpu.memory_space<vmem_shared>> -> memref<128x32xf32, #tpu.memory_space<vmem_shared>>
      %dma_wait3A_268 = arith.constant 0 : i32
      %dma_wait3A_269 = arith.constant 0 : i32
      %dma_wait3A_270 = tpu.memref_slice %arg16[%dma_wait3A_268, %dma_wait3A_269] : memref<10000x32xf32, #tpu.memory_space<vmem_shared>> -> memref<128x32xf32, #tpu.memory_space<vmem_shared>>
      tpu.wait_dma2 semaphore(%arg18 : memref<!tpu.dma_semaphore, #tpu.memory_space<semaphore_mem>>) src(%dma_wait3A_270 : memref<128x32xf32, #tpu.memory_space<vmem_shared>>) dst(%arg8 : memref<128x32xf32, #tpu.memory_space<vmem>>)
      %add3A_271 = arith.constant 0 : i32
      %add3A_272 = arith.addi %mul3A_264, %add3A_271 : i32
      "tpu.region"() ({
        %run_scoped3A_409 = tpu.sem_alloc : memref<!tpu.dma_semaphore, #tpu.memory_space<semaphore_mem>>
        %dma_start3A_410 = arith.constant 0 : i32
        %dma_start3A_411 = tpu.memref_slice %arg7[%add3A_272, %dma_start3A_410] : memref<80x128xi32, #tpu.memory_space<vmem>> -> memref<1x128xi32, #tpu.memory_space<vmem>>
        %dma_start3A_412 = tpu.memref_squeeze %dma_start3A_411 : memref<1x128xi32, #tpu.memory_space<vmem>> -> memref<128xi32, #tpu.memory_space<vmem>>
        %dma_start3A_413 = arith.constant 0 : i32
        %dma_start3A_414 = arith.constant 0 : i32
        %dma_start3A_415 = tpu.memref_slice %arg17[%dma_start3A_413, %dma_start3A_414] : memref<10112x32xf32, #tpu.memory_space<vmem_shared>> -> memref<10112x32xf32, #tpu.memory_space<vmem_shared>>
        tpu.enqueue_indirect_dma source(%arg8 : memref<128x32xf32, #tpu.memory_space<vmem>>) target(%dma_start3A_415 : memref<10112x32xf32, #tpu.memory_space<vmem_shared>>) offsets(%dma_start3A_412 : memref<128xi32, #tpu.memory_space<vmem>>) semaphore(%run_scoped3A_409 : memref<!tpu.dma_semaphore, #tpu.memory_space<semaphore_mem>>) {add = true}
        %dma_wait3A_416 = arith.constant 0 : i32
        %dma_wait3A_417 = tpu.memref_slice %arg7[%add3A_272, %dma_wait3A_416] : memref<80x128xi32, #tpu.memory_space<vmem>> -> memref<1x128xi32, #tpu.memory_space<vmem>>
        %dma_wait3A_418 = tpu.memref_squeeze %dma_wait3A_417 : memref<1x128xi32, #tpu.memory_space<vmem>> -> memref<128xi32, #tpu.memory_space<vmem>>
        %dma_wait3A_419 = arith.constant 0 : i32
        %dma_wait3A_420 = arith.constant 0 : i32
        %dma_wait3A_421 = tpu.memref_slice %arg17[%dma_wait3A_419, %dma_wait3A_420] : memref<10112x32xf32, #tpu.memory_space<vmem_shared>> -> memref<10112x32xf32, #tpu.memory_space<vmem_shared>>
        tpu.wait_indirect_dma semaphore(%run_scoped3A_409 : memref<!tpu.dma_semaphore, #tpu.memory_space<semaphore_mem>>) src(%arg8 : memref<128x32xf32, #tpu.memory_space<vmem>>) dst(%dma_wait3A_421 : memref<10112x32xf32, #tpu.memory_space<vmem_shared>>)
        tpu.yield
      }) : () -> ()
      %add3A_273 = arith.constant 0 : i32
      %add3A_274 = arith.addi %mul3A_264, %add3A_273 : i32
      %add3A_275 = arith.constant 8 : i32
      %add3A_276 = arith.addi %add3A_274, %add3A_275 : i32
      %dma_start3A_277 = arith.constant 0 : i32
      %dma_start3A_278 = tpu.memref_slice %arg6[%add3A_276, %dma_start3A_277] : memref<80x128xi32, #tpu.memory_space<vmem>> -> memref<1x128xi32, #tpu.memory_space<vmem>>
      %dma_start3A_279 = tpu.memref_squeeze %dma_start3A_278 : memref<1x128xi32, #tpu.memory_space<vmem>> -> memref<128xi32, #tpu.memory_space<vmem>>
      %dma_start3A_280 = arith.constant 0 : i32
      %dma_start3A_281 = arith.constant 0 : i32
      %dma_start3A_282 = tpu.memref_slice %arg16[%dma_start3A_280, %dma_start3A_281] : memref<10000x32xf32, #tpu.memory_space<vmem_shared>> -> memref<10000x32xf32, #tpu.memory_space<vmem_shared>>
      tpu.enqueue_indirect_dma source(%dma_start3A_282 : memref<10000x32xf32, #tpu.memory_space<vmem_shared>>) target(%arg8 : memref<128x32xf32, #tpu.memory_space<vmem>>) offsets(%dma_start3A_279 : memref<128xi32, #tpu.memory_space<vmem>>) semaphore(%arg18 : memref<!tpu.dma_semaphore, #tpu.memory_space<semaphore_mem>>)
      %dma_wait3A_283 = arith.constant 0 : i32
      %dma_wait3A_284 = arith.constant 0 : i32
      %dma_wait3A_285 = tpu.memref_slice %arg16[%dma_wait3A_283, %dma_wait3A_284] : memref<10000x32xf32, #tpu.memory_space<vmem_shared>> -> memref<128x32xf32, #tpu.memory_space<vmem_shared>>
      %dma_wait3A_286 = arith.constant 0 : i32
      %dma_wait3A_287 = arith.constant 0 : i32
      %dma_wait3A_288 = tpu.memref_slice %arg16[%dma_wait3A_286, %dma_wait3A_287] : memref<10000x32xf32, #tpu.memory_space<vmem_shared>> -> memref<128x32xf32, #tpu.memory_space<vmem_shared>>
      tpu.wait_dma2 semaphore(%arg19 : memref<!tpu.dma_semaphore, #tpu.memory_space<semaphore_mem>>) src(%dma_wait3A_288 : memref<128x32xf32, #tpu.memory_space<vmem_shared>>) dst(%arg9 : memref<128x32xf32, #tpu.memory_space<vmem>>)
      %add3A_289 = arith.constant 1 : i32
      %add3A_290 = arith.addi %mul3A_264, %add3A_289 : i32
      "tpu.region"() ({
        %run_scoped3A_409 = tpu.sem_alloc : memref<!tpu.dma_semaphore, #tpu.memory_space<semaphore_mem>>
        %dma_start3A_410 = arith.constant 0 : i32
        %dma_start3A_411 = tpu.memref_slice %arg7[%add3A_290, %dma_start3A_410] : memref<80x128xi32, #tpu.memory_space<vmem>> -> memref<1x128xi32, #tpu.memory_space<vmem>>
        %dma_start3A_412 = tpu.memref_squeeze %dma_start3A_411 : memref<1x128xi32, #tpu.memory_space<vmem>> -> memref<128xi32, #tpu.memory_space<vmem>>
        %dma_start3A_413 = arith.constant 0 : i32
        %dma_start3A_414 = arith.constant 0 : i32
        %dma_start3A_415 = tpu.memref_slice %arg17[%dma_start3A_413, %dma_start3A_414] : memref<10112x32xf32, #tpu.memory_space<vmem_shared>> -> memref<10112x32xf32, #tpu.memory_space<vmem_shared>>
        tpu.enqueue_indirect_dma source(%arg9 : memref<128x32xf32, #tpu.memory_space<vmem>>) target(%dma_start3A_415 : memref<10112x32xf32, #tpu.memory_space<vmem_shared>>) offsets(%dma_start3A_412 : memref<128xi32, #tpu.memory_space<vmem>>) semaphore(%run_scoped3A_409 : memref<!tpu.dma_semaphore, #tpu.memory_space<semaphore_mem>>) {add = true}
        %dma_wait3A_416 = arith.constant 0 : i32
        %dma_wait3A_417 = tpu.memref_slice %arg7[%add3A_290, %dma_wait3A_416] : memref<80x128xi32, #tpu.memory_space<vmem>> -> memref<1x128xi32, #tpu.memory_space<vmem>>
        %dma_wait3A_418 = tpu.memref_squeeze %dma_wait3A_417 : memref<1x128xi32, #tpu.memory_space<vmem>> -> memref<128xi32, #tpu.memory_space<vmem>>
        %dma_wait3A_419 = arith.constant 0 : i32
        %dma_wait3A_420 = arith.constant 0 : i32
        %dma_wait3A_421 = tpu.memref_slice %arg17[%dma_wait3A_419, %dma_wait3A_420] : memref<10112x32xf32, #tpu.memory_space<vmem_shared>> -> memref<10112x32xf32, #tpu.memory_space<vmem_shared>>
        tpu.wait_indirect_dma semaphore(%run_scoped3A_409 : memref<!tpu.dma_semaphore, #tpu.memory_space<semaphore_mem>>) src(%arg9 : memref<128x32xf32, #tpu.memory_space<vmem>>) dst(%dma_wait3A_421 : memref<10112x32xf32, #tpu.memory_space<vmem_shared>>)
        tpu.yield
      }) : () -> ()
      %add3A_291 = arith.constant 1 : i32
      %add3A_292 = arith.addi %mul3A_264, %add3A_291 : i32
      %add3A_293 = arith.constant 8 : i32
      %add3A_294 = arith.addi %add3A_292, %add3A_293 : i32
      %dma_start3A_295 = arith.constant 0 : i32
      %dma_start3A_296 = tpu.memref_slice %arg6[%add3A_294, %dma_start3A_295] : memref<80x128xi32, #tpu.memory_space<vmem>> -> memref<1x128xi32, #tpu.memory_space<vmem>>
      %dma_start3A_297 = tpu.memref_squeeze %dma_start3A_296 : memref<1x128xi32, #tpu.memory_space<vmem>> -> memref<128xi32, #tpu.memory_space<vmem>>
      %dma_start3A_298 = arith.constant 0 : i32
      %dma_start3A_299 = arith.constant 0 : i32
      %dma_start3A_300 = tpu.memref_slice %arg16[%dma_start3A_298, %dma_start3A_299] : memref<10000x32xf32, #tpu.memory_space<vmem_shared>> -> memref<10000x32xf32, #tpu.memory_space<vmem_shared>>
      tpu.enqueue_indirect_dma source(%dma_start3A_300 : memref<10000x32xf32, #tpu.memory_space<vmem_shared>>) target(%arg9 : memref<128x32xf32, #tpu.memory_space<vmem>>) offsets(%dma_start3A_297 : memref<128xi32, #tpu.memory_space<vmem>>) semaphore(%arg19 : memref<!tpu.dma_semaphore, #tpu.memory_space<semaphore_mem>>)
      %dma_wait3A_301 = arith.constant 0 : i32
      %dma_wait3A_302 = arith.constant 0 : i32
      %dma_wait3A_303 = tpu.memref_slice %arg16[%dma_wait3A_301, %dma_wait3A_302] : memref<10000x32xf32, #tpu.memory_space<vmem_shared>> -> memref<128x32xf32, #tpu.memory_space<vmem_shared>>
      %dma_wait3A_304 = arith.constant 0 : i32
      %dma_wait3A_305 = arith.constant 0 : i32
      %dma_wait3A_306 = tpu.memref_slice %arg16[%dma_wait3A_304, %dma_wait3A_305] : memref<10000x32xf32, #tpu.memory_space<vmem_shared>> -> memref<128x32xf32, #tpu.memory_space<vmem_shared>>
      tpu.wait_dma2 semaphore(%arg20 : memref<!tpu.dma_semaphore, #tpu.memory_space<semaphore_mem>>) src(%dma_wait3A_306 : memref<128x32xf32, #tpu.memory_space<vmem_shared>>) dst(%arg10 : memref<128x32xf32, #tpu.memory_space<vmem>>)
      %add3A_307 = arith.constant 2 : i32
      %add3A_308 = arith.addi %mul3A_264, %add3A_307 : i32
      "tpu.region"() ({
        %run_scoped3A_409 = tpu.sem_alloc : memref<!tpu.dma_semaphore, #tpu.memory_space<semaphore_mem>>
        %dma_start3A_410 = arith.constant 0 : i32
        %dma_start3A_411 = tpu.memref_slice %arg7[%add3A_308, %dma_start3A_410] : memref<80x128xi32, #tpu.memory_space<vmem>> -> memref<1x128xi32, #tpu.memory_space<vmem>>
        %dma_start3A_412 = tpu.memref_squeeze %dma_start3A_411 : memref<1x128xi32, #tpu.memory_space<vmem>> -> memref<128xi32, #tpu.memory_space<vmem>>
        %dma_start3A_413 = arith.constant 0 : i32
        %dma_start3A_414 = arith.constant 0 : i32
        %dma_start3A_415 = tpu.memref_slice %arg17[%dma_start3A_413, %dma_start3A_414] : memref<10112x32xf32, #tpu.memory_space<vmem_shared>> -> memref<10112x32xf32, #tpu.memory_space<vmem_shared>>
        tpu.enqueue_indirect_dma source(%arg10 : memref<128x32xf32, #tpu.memory_space<vmem>>) target(%dma_start3A_415 : memref<10112x32xf32, #tpu.memory_space<vmem_shared>>) offsets(%dma_start3A_412 : memref<128xi32, #tpu.memory_space<vmem>>) semaphore(%run_scoped3A_409 : memref<!tpu.dma_semaphore, #tpu.memory_space<semaphore_mem>>) {add = true}
        %dma_wait3A_416 = arith.constant 0 : i32
        %dma_wait3A_417 = tpu.memref_slice %arg7[%add3A_308, %dma_wait3A_416] : memref<80x128xi32, #tpu.memory_space<vmem>> -> memref<1x128xi32, #tpu.memory_space<vmem>>
        %dma_wait3A_418 = tpu.memref_squeeze %dma_wait3A_417 : memref<1x128xi32, #tpu.memory_space<vmem>> -> memref<128xi32, #tpu.memory_space<vmem>>
        %dma_wait3A_419 = arith.constant 0 : i32
        %dma_wait3A_420 = arith.constant 0 : i32
        %dma_wait3A_421 = tpu.memref_slice %arg17[%dma_wait3A_419, %dma_wait3A_420] : memref<10112x32xf32, #tpu.memory_space<vmem_shared>> -> memref<10112x32xf32, #tpu.memory_space<vmem_shared>>
        tpu.wait_indirect_dma semaphore(%run_scoped3A_409 : memref<!tpu.dma_semaphore, #tpu.memory_space<semaphore_mem>>) src(%arg10 : memref<128x32xf32, #tpu.memory_space<vmem>>) dst(%dma_wait3A_421 : memref<10112x32xf32, #tpu.memory_space<vmem_shared>>)
        tpu.yield
      }) : () -> ()
      %add3A_309 = arith.constant 2 : i32
      %add3A_310 = arith.addi %mul3A_264, %add3A_309 : i32
      %add3A_311 = arith.constant 8 : i32
      %add3A_312 = arith.addi %add3A_310, %add3A_311 : i32
      %dma_start3A_313 = arith.constant 0 : i32
      %dma_start3A_314 = tpu.memref_slice %arg6[%add3A_312, %dma_start3A_313] : memref<80x128xi32, #tpu.memory_space<vmem>> -> memref<1x128xi32, #tpu.memory_space<vmem>>
      %dma_start3A_315 = tpu.memref_squeeze %dma_start3A_314 : memref<1x128xi32, #tpu.memory_space<vmem>> -> memref<128xi32, #tpu.memory_space<vmem>>
      %dma_start3A_316 = arith.constant 0 : i32
      %dma_start3A_317 = arith.constant 0 : i32
      %dma_start3A_318 = tpu.memref_slice %arg16[%dma_start3A_316, %dma_start3A_317] : memref<10000x32xf32, #tpu.memory_space<vmem_shared>> -> memref<10000x32xf32, #tpu.memory_space<vmem_shared>>
      tpu.enqueue_indirect_dma source(%dma_start3A_318 : memref<10000x32xf32, #tpu.memory_space<vmem_shared>>) target(%arg10 : memref<128x32xf32, #tpu.memory_space<vmem>>) offsets(%dma_start3A_315 : memref<128xi32, #tpu.memory_space<vmem>>) semaphore(%arg20 : memref<!tpu.dma_semaphore, #tpu.memory_space<semaphore_mem>>)
      %dma_wait3A_319 = arith.constant 0 : i32
      %dma_wait3A_320 = arith.constant 0 : i32
      %dma_wait3A_321 = tpu.memref_slice %arg16[%dma_wait3A_319, %dma_wait3A_320] : memref<10000x32xf32, #tpu.memory_space<vmem_shared>> -> memref<128x32xf32, #tpu.memory_space<vmem_shared>>
      %dma_wait3A_322 = arith.constant 0 : i32
      %dma_wait3A_323 = arith.constant 0 : i32
      %dma_wait3A_324 = tpu.memref_slice %arg16[%dma_wait3A_322, %dma_wait3A_323] : memref<10000x32xf32, #tpu.memory_space<vmem_shared>> -> memref<128x32xf32, #tpu.memory_space<vmem_shared>>
      tpu.wait_dma2 semaphore(%arg21 : memref<!tpu.dma_semaphore, #tpu.memory_space<semaphore_mem>>) src(%dma_wait3A_324 : memref<128x32xf32, #tpu.memory_space<vmem_shared>>) dst(%arg11 : memref<128x32xf32, #tpu.memory_space<vmem>>)
      %add3A_325 = arith.constant 3 : i32
      %add3A_326 = arith.addi %mul3A_264, %add3A_325 : i32
      "tpu.region"() ({
        %run_scoped3A_409 = tpu.sem_alloc : memref<!tpu.dma_semaphore, #tpu.memory_space<semaphore_mem>>
        %dma_start3A_410 = arith.constant 0 : i32
        %dma_start3A_411 = tpu.memref_slice %arg7[%add3A_326, %dma_start3A_410] : memref<80x128xi32, #tpu.memory_space<vmem>> -> memref<1x128xi32, #tpu.memory_space<vmem>>
        %dma_start3A_412 = tpu.memref_squeeze %dma_start3A_411 : memref<1x128xi32, #tpu.memory_space<vmem>> -> memref<128xi32, #tpu.memory_space<vmem>>
        %dma_start3A_413 = arith.constant 0 : i32
        %dma_start3A_414 = arith.constant 0 : i32
        %dma_start3A_415 = tpu.memref_slice %arg17[%dma_start3A_413, %dma_start3A_414] : memref<10112x32xf32, #tpu.memory_space<vmem_shared>> -> memref<10112x32xf32, #tpu.memory_space<vmem_shared>>
        tpu.enqueue_indirect_dma source(%arg11 : memref<128x32xf32, #tpu.memory_space<vmem>>) target(%dma_start3A_415 : memref<10112x32xf32, #tpu.memory_space<vmem_shared>>) offsets(%dma_start3A_412 : memref<128xi32, #tpu.memory_space<vmem>>) semaphore(%run_scoped3A_409 : memref<!tpu.dma_semaphore, #tpu.memory_space<semaphore_mem>>) {add = true}
        %dma_wait3A_416 = arith.constant 0 : i32
        %dma_wait3A_417 = tpu.memref_slice %arg7[%add3A_326, %dma_wait3A_416] : memref<80x128xi32, #tpu.memory_space<vmem>> -> memref<1x128xi32, #tpu.memory_space<vmem>>
        %dma_wait3A_418 = tpu.memref_squeeze %dma_wait3A_417 : memref<1x128xi32, #tpu.memory_space<vmem>> -> memref<128xi32, #tpu.memory_space<vmem>>
        %dma_wait3A_419 = arith.constant 0 : i32
        %dma_wait3A_420 = arith.constant 0 : i32
        %dma_wait3A_421 = tpu.memref_slice %arg17[%dma_wait3A_419, %dma_wait3A_420] : memref<10112x32xf32, #tpu.memory_space<vmem_shared>> -> memref<10112x32xf32, #tpu.memory_space<vmem_shared>>
        tpu.wait_indirect_dma semaphore(%run_scoped3A_409 : memref<!tpu.dma_semaphore, #tpu.memory_space<semaphore_mem>>) src(%arg11 : memref<128x32xf32, #tpu.memory_space<vmem>>) dst(%dma_wait3A_421 : memref<10112x32xf32, #tpu.memory_space<vmem_shared>>)
        tpu.yield
      }) : () -> ()
      %add3A_327 = arith.constant 3 : i32
      %add3A_328 = arith.addi %mul3A_264, %add3A_327 : i32
      %add3A_329 = arith.constant 8 : i32
      %add3A_330 = arith.addi %add3A_328, %add3A_329 : i32
      %dma_start3A_331 = arith.constant 0 : i32
      %dma_start3A_332 = tpu.memref_slice %arg6[%add3A_330, %dma_start3A_331] : memref<80x128xi32, #tpu.memory_space<vmem>> -> memref<1x128xi32, #tpu.memory_space<vmem>>
      %dma_start3A_333 = tpu.memref_squeeze %dma_start3A_332 : memref<1x128xi32, #tpu.memory_space<vmem>> -> memref<128xi32, #tpu.memory_space<vmem>>
      %dma_start3A_334 = arith.constant 0 : i32
      %dma_start3A_335 = arith.constant 0 : i32
      %dma_start3A_336 = tpu.memref_slice %arg16[%dma_start3A_334, %dma_start3A_335] : memref<10000x32xf32, #tpu.memory_space<vmem_shared>> -> memref<10000x32xf32, #tpu.memory_space<vmem_shared>>
      tpu.enqueue_indirect_dma source(%dma_start3A_336 : memref<10000x32xf32, #tpu.memory_space<vmem_shared>>) target(%arg11 : memref<128x32xf32, #tpu.memory_space<vmem>>) offsets(%dma_start3A_333 : memref<128xi32, #tpu.memory_space<vmem>>) semaphore(%arg21 : memref<!tpu.dma_semaphore, #tpu.memory_space<semaphore_mem>>)
      %dma_wait3A_337 = arith.constant 0 : i32
      %dma_wait3A_338 = arith.constant 0 : i32
      %dma_wait3A_339 = tpu.memref_slice %arg16[%dma_wait3A_337, %dma_wait3A_338] : memref<10000x32xf32, #tpu.memory_space<vmem_shared>> -> memref<128x32xf32, #tpu.memory_space<vmem_shared>>
      %dma_wait3A_340 = arith.constant 0 : i32
      %dma_wait3A_341 = arith.constant 0 : i32
      %dma_wait3A_342 = tpu.memref_slice %arg16[%dma_wait3A_340, %dma_wait3A_341] : memref<10000x32xf32, #tpu.memory_space<vmem_shared>> -> memref<128x32xf32, #tpu.memory_space<vmem_shared>>
      tpu.wait_dma2 semaphore(%arg22 : memref<!tpu.dma_semaphore, #tpu.memory_space<semaphore_mem>>) src(%dma_wait3A_342 : memref<128x32xf32, #tpu.memory_space<vmem_shared>>) dst(%arg12 : memref<128x32xf32, #tpu.memory_space<vmem>>)
      %add3A_343 = arith.constant 4 : i32
      %add3A_344 = arith.addi %mul3A_264, %add3A_343 : i32
      "tpu.region"() ({
        %run_scoped3A_409 = tpu.sem_alloc : memref<!tpu.dma_semaphore, #tpu.memory_space<semaphore_mem>>
        %dma_start3A_410 = arith.constant 0 : i32
        %dma_start3A_411 = tpu.memref_slice %arg7[%add3A_344, %dma_start3A_410] : memref<80x128xi32, #tpu.memory_space<vmem>> -> memref<1x128xi32, #tpu.memory_space<vmem>>
        %dma_start3A_412 = tpu.memref_squeeze %dma_start3A_411 : memref<1x128xi32, #tpu.memory_space<vmem>> -> memref<128xi32, #tpu.memory_space<vmem>>
        %dma_start3A_413 = arith.constant 0 : i32
        %dma_start3A_414 = arith.constant 0 : i32
        %dma_start3A_415 = tpu.memref_slice %arg17[%dma_start3A_413, %dma_start3A_414] : memref<10112x32xf32, #tpu.memory_space<vmem_shared>> -> memref<10112x32xf32, #tpu.memory_space<vmem_shared>>
        tpu.enqueue_indirect_dma source(%arg12 : memref<128x32xf32, #tpu.memory_space<vmem>>) target(%dma_start3A_415 : memref<10112x32xf32, #tpu.memory_space<vmem_shared>>) offsets(%dma_start3A_412 : memref<128xi32, #tpu.memory_space<vmem>>) semaphore(%run_scoped3A_409 : memref<!tpu.dma_semaphore, #tpu.memory_space<semaphore_mem>>) {add = true}
        %dma_wait3A_416 = arith.constant 0 : i32
        %dma_wait3A_417 = tpu.memref_slice %arg7[%add3A_344, %dma_wait3A_416] : memref<80x128xi32, #tpu.memory_space<vmem>> -> memref<1x128xi32, #tpu.memory_space<vmem>>
        %dma_wait3A_418 = tpu.memref_squeeze %dma_wait3A_417 : memref<1x128xi32, #tpu.memory_space<vmem>> -> memref<128xi32, #tpu.memory_space<vmem>>
        %dma_wait3A_419 = arith.constant 0 : i32
        %dma_wait3A_420 = arith.constant 0 : i32
        %dma_wait3A_421 = tpu.memref_slice %arg17[%dma_wait3A_419, %dma_wait3A_420] : memref<10112x32xf32, #tpu.memory_space<vmem_shared>> -> memref<10112x32xf32, #tpu.memory_space<vmem_shared>>
        tpu.wait_indirect_dma semaphore(%run_scoped3A_409 : memref<!tpu.dma_semaphore, #tpu.memory_space<semaphore_mem>>) src(%arg12 : memref<128x32xf32, #tpu.memory_space<vmem>>) dst(%dma_wait3A_421 : memref<10112x32xf32, #tpu.memory_space<vmem_shared>>)
        tpu.yield
      }) : () -> ()
      %add3A_345 = arith.constant 4 : i32
      %add3A_346 = arith.addi %mul3A_264, %add3A_345 : i32
      %add3A_347 = arith.constant 8 : i32
      %add3A_348 = arith.addi %add3A_346, %add3A_347 : i32
      %dma_start3A_349 = arith.constant 0 : i32
      %dma_start3A_350 = tpu.memref_slice %arg6[%add3A_348, %dma_start3A_349] : memref<80x128xi32, #tpu.memory_space<vmem>> -> memref<1x128xi32, #tpu.memory_space<vmem>>
      %dma_start3A_351 = tpu.memref_squeeze %dma_start3A_350 : memref<1x128xi32, #tpu.memory_space<vmem>> -> memref<128xi32, #tpu.memory_space<vmem>>
      %dma_start3A_352 = arith.constant 0 : i32
      %dma_start3A_353 = arith.constant 0 : i32
      %dma_start3A_354 = tpu.memref_slice %arg16[%dma_start3A_352, %dma_start3A_353] : memref<10000x32xf32, #tpu.memory_space<vmem_shared>> -> memref<10000x32xf32, #tpu.memory_space<vmem_shared>>
      tpu.enqueue_indirect_dma source(%dma_start3A_354 : memref<10000x32xf32, #tpu.memory_space<vmem_shared>>) target(%arg12 : memref<128x32xf32, #tpu.memory_space<vmem>>) offsets(%dma_start3A_351 : memref<128xi32, #tpu.memory_space<vmem>>) semaphore(%arg22 : memref<!tpu.dma_semaphore, #tpu.memory_space<semaphore_mem>>)
      %dma_wait3A_355 = arith.constant 0 : i32
      %dma_wait3A_356 = arith.constant 0 : i32
      %dma_wait3A_357 = tpu.memref_slice %arg16[%dma_wait3A_355, %dma_wait3A_356] : memref<10000x32xf32, #tpu.memory_space<vmem_shared>> -> memref<128x32xf32, #tpu.memory_space<vmem_shared>>
      %dma_wait3A_358 = arith.constant 0 : i32
      %dma_wait3A_359 = arith.constant 0 : i32
      %dma_wait3A_360 = tpu.memref_slice %arg16[%dma_wait3A_358, %dma_wait3A_359] : memref<10000x32xf32, #tpu.memory_space<vmem_shared>> -> memref<128x32xf32, #tpu.memory_space<vmem_shared>>
      tpu.wait_dma2 semaphore(%arg23 : memref<!tpu.dma_semaphore, #tpu.memory_space<semaphore_mem>>) src(%dma_wait3A_360 : memref<128x32xf32, #tpu.memory_space<vmem_shared>>) dst(%arg13 : memref<128x32xf32, #tpu.memory_space<vmem>>)
      %add3A_361 = arith.constant 5 : i32
      %add3A_362 = arith.addi %mul3A_264, %add3A_361 : i32
      "tpu.region"() ({
        %run_scoped3A_409 = tpu.sem_alloc : memref<!tpu.dma_semaphore, #tpu.memory_space<semaphore_mem>>
        %dma_start3A_410 = arith.constant 0 : i32
        %dma_start3A_411 = tpu.memref_slice %arg7[%add3A_362, %dma_start3A_410] : memref<80x128xi32, #tpu.memory_space<vmem>> -> memref<1x128xi32, #tpu.memory_space<vmem>>
        %dma_start3A_412 = tpu.memref_squeeze %dma_start3A_411 : memref<1x128xi32, #tpu.memory_space<vmem>> -> memref<128xi32, #tpu.memory_space<vmem>>
        %dma_start3A_413 = arith.constant 0 : i32
        %dma_start3A_414 = arith.constant 0 : i32
        %dma_start3A_415 = tpu.memref_slice %arg17[%dma_start3A_413, %dma_start3A_414] : memref<10112x32xf32, #tpu.memory_space<vmem_shared>> -> memref<10112x32xf32, #tpu.memory_space<vmem_shared>>
        tpu.enqueue_indirect_dma source(%arg13 : memref<128x32xf32, #tpu.memory_space<vmem>>) target(%dma_start3A_415 : memref<10112x32xf32, #tpu.memory_space<vmem_shared>>) offsets(%dma_start3A_412 : memref<128xi32, #tpu.memory_space<vmem>>) semaphore(%run_scoped3A_409 : memref<!tpu.dma_semaphore, #tpu.memory_space<semaphore_mem>>) {add = true}
        %dma_wait3A_416 = arith.constant 0 : i32
        %dma_wait3A_417 = tpu.memref_slice %arg7[%add3A_362, %dma_wait3A_416] : memref<80x128xi32, #tpu.memory_space<vmem>> -> memref<1x128xi32, #tpu.memory_space<vmem>>
        %dma_wait3A_418 = tpu.memref_squeeze %dma_wait3A_417 : memref<1x128xi32, #tpu.memory_space<vmem>> -> memref<128xi32, #tpu.memory_space<vmem>>
        %dma_wait3A_419 = arith.constant 0 : i32
        %dma_wait3A_420 = arith.constant 0 : i32
        %dma_wait3A_421 = tpu.memref_slice %arg17[%dma_wait3A_419, %dma_wait3A_420] : memref<10112x32xf32, #tpu.memory_space<vmem_shared>> -> memref<10112x32xf32, #tpu.memory_space<vmem_shared>>
        tpu.wait_indirect_dma semaphore(%run_scoped3A_409 : memref<!tpu.dma_semaphore, #tpu.memory_space<semaphore_mem>>) src(%arg13 : memref<128x32xf32, #tpu.memory_space<vmem>>) dst(%dma_wait3A_421 : memref<10112x32xf32, #tpu.memory_space<vmem_shared>>)
        tpu.yield
      }) : () -> ()
      %add3A_363 = arith.constant 5 : i32
      %add3A_364 = arith.addi %mul3A_264, %add3A_363 : i32
      %add3A_365 = arith.constant 8 : i32
      %add3A_366 = arith.addi %add3A_364, %add3A_365 : i32
      %dma_start3A_367 = arith.constant 0 : i32
      %dma_start3A_368 = tpu.memref_slice %arg6[%add3A_366, %dma_start3A_367] : memref<80x128xi32, #tpu.memory_space<vmem>> -> memref<1x128xi32, #tpu.memory_space<vmem>>
      %dma_start3A_369 = tpu.memref_squeeze %dma_start3A_368 : memref<1x128xi32, #tpu.memory_space<vmem>> -> memref<128xi32, #tpu.memory_space<vmem>>
      %dma_start3A_370 = arith.constant 0 : i32
      %dma_start3A_371 = arith.constant 0 : i32
      %dma_start3A_372 = tpu.memref_slice %arg16[%dma_start3A_370, %dma_start3A_371] : memref<10000x32xf32, #tpu.memory_space<vmem_shared>> -> memref<10000x32xf32, #tpu.memory_space<vmem_shared>>
      tpu.enqueue_indirect_dma source(%dma_start3A_372 : memref<10000x32xf32, #tpu.memory_space<vmem_shared>>) target(%arg13 : memref<128x32xf32, #tpu.memory_space<vmem>>) offsets(%dma_start3A_369 : memref<128xi32, #tpu.memory_space<vmem>>) semaphore(%arg23 : memref<!tpu.dma_semaphore, #tpu.memory_space<semaphore_mem>>)
      %dma_wait3A_373 = arith.constant 0 : i32
      %dma_wait3A_374 = arith.constant 0 : i32
      %dma_wait3A_375 = tpu.memref_slice %arg16[%dma_wait3A_373, %dma_wait3A_374] : memref<10000x32xf32, #tpu.memory_space<vmem_shared>> -> memref<128x32xf32, #tpu.memory_space<vmem_shared>>
      %dma_wait3A_376 = arith.constant 0 : i32
      %dma_wait3A_377 = arith.constant 0 : i32
      %dma_wait3A_378 = tpu.memref_slice %arg16[%dma_wait3A_376, %dma_wait3A_377] : memref<10000x32xf32, #tpu.memory_space<vmem_shared>> -> memref<128x32xf32, #tpu.memory_space<vmem_shared>>
      tpu.wait_dma2 semaphore(%arg24 : memref<!tpu.dma_semaphore, #tpu.memory_space<semaphore_mem>>) src(%dma_wait3A_378 : memref<128x32xf32, #tpu.memory_space<vmem_shared>>) dst(%arg14 : memref<128x32xf32, #tpu.memory_space<vmem>>)
      %add3A_379 = arith.constant 6 : i32
      %add3A_380 = arith.addi %mul3A_264, %add3A_379 : i32
      "tpu.region"() ({
        %run_scoped3A_409 = tpu.sem_alloc : memref<!tpu.dma_semaphore, #tpu.memory_space<semaphore_mem>>
        %dma_start3A_410 = arith.constant 0 : i32
        %dma_start3A_411 = tpu.memref_slice %arg7[%add3A_380, %dma_start3A_410] : memref<80x128xi32, #tpu.memory_space<vmem>> -> memref<1x128xi32, #tpu.memory_space<vmem>>
        %dma_start3A_412 = tpu.memref_squeeze %dma_start3A_411 : memref<1x128xi32, #tpu.memory_space<vmem>> -> memref<128xi32, #tpu.memory_space<vmem>>
        %dma_start3A_413 = arith.constant 0 : i32
        %dma_start3A_414 = arith.constant 0 : i32
        %dma_start3A_415 = tpu.memref_slice %arg17[%dma_start3A_413, %dma_start3A_414] : memref<10112x32xf32, #tpu.memory_space<vmem_shared>> -> memref<10112x32xf32, #tpu.memory_space<vmem_shared>>
        tpu.enqueue_indirect_dma source(%arg14 : memref<128x32xf32, #tpu.memory_space<vmem>>) target(%dma_start3A_415 : memref<10112x32xf32, #tpu.memory_space<vmem_shared>>) offsets(%dma_start3A_412 : memref<128xi32, #tpu.memory_space<vmem>>) semaphore(%run_scoped3A_409 : memref<!tpu.dma_semaphore, #tpu.memory_space<semaphore_mem>>) {add = true}
        %dma_wait3A_416 = arith.constant 0 : i32
        %dma_wait3A_417 = tpu.memref_slice %arg7[%add3A_380, %dma_wait3A_416] : memref<80x128xi32, #tpu.memory_space<vmem>> -> memref<1x128xi32, #tpu.memory_space<vmem>>
        %dma_wait3A_418 = tpu.memref_squeeze %dma_wait3A_417 : memref<1x128xi32, #tpu.memory_space<vmem>> -> memref<128xi32, #tpu.memory_space<vmem>>
        %dma_wait3A_419 = arith.constant 0 : i32
        %dma_wait3A_420 = arith.constant 0 : i32
        %dma_wait3A_421 = tpu.memref_slice %arg17[%dma_wait3A_419, %dma_wait3A_420] : memref<10112x32xf32, #tpu.memory_space<vmem_shared>> -> memref<10112x32xf32, #tpu.memory_space<vmem_shared>>
        tpu.wait_indirect_dma semaphore(%run_scoped3A_409 : memref<!tpu.dma_semaphore, #tpu.memory_space<semaphore_mem>>) src(%arg14 : memref<128x32xf32, #tpu.memory_space<vmem>>) dst(%dma_wait3A_421 : memref<10112x32xf32, #tpu.memory_space<vmem_shared>>)
        tpu.yield
      }) : () -> ()
      %add3A_381 = arith.constant 6 : i32
      %add3A_382 = arith.addi %mul3A_264, %add3A_381 : i32
      %add3A_383 = arith.constant 8 : i32
      %add3A_384 = arith.addi %add3A_382, %add3A_383 : i32
      %dma_start3A_385 = arith.constant 0 : i32
      %dma_start3A_386 = tpu.memref_slice %arg6[%add3A_384, %dma_start3A_385] : memref<80x128xi32, #tpu.memory_space<vmem>> -> memref<1x128xi32, #tpu.memory_space<vmem>>
      %dma_start3A_387 = tpu.memref_squeeze %dma_start3A_386 : memref<1x128xi32, #tpu.memory_space<vmem>> -> memref<128xi32, #tpu.memory_space<vmem>>
      %dma_start3A_388 = arith.constant 0 : i32
      %dma_start3A_389 = arith.constant 0 : i32
      %dma_start3A_390 = tpu.memref_slice %arg16[%dma_start3A_388, %dma_start3A_389] : memref<10000x32xf32, #tpu.memory_space<vmem_shared>> -> memref<10000x32xf32, #tpu.memory_space<vmem_shared>>
      tpu.enqueue_indirect_dma source(%dma_start3A_390 : memref<10000x32xf32, #tpu.memory_space<vmem_shared>>) target(%arg14 : memref<128x32xf32, #tpu.memory_space<vmem>>) offsets(%dma_start3A_387 : memref<128xi32, #tpu.memory_space<vmem>>) semaphore(%arg24 : memref<!tpu.dma_semaphore, #tpu.memory_space<semaphore_mem>>)
      %dma_wait3A_391 = arith.constant 0 : i32
      %dma_wait3A_392 = arith.constant 0 : i32
      %dma_wait3A_393 = tpu.memref_slice %arg16[%dma_wait3A_391, %dma_wait3A_392] : memref<10000x32xf32, #tpu.memory_space<vmem_shared>> -> memref<128x32xf32, #tpu.memory_space<vmem_shared>>
      %dma_wait3A_394 = arith.constant 0 : i32
      %dma_wait3A_395 = arith.constant 0 : i32
      %dma_wait3A_396 = tpu.memref_slice %arg16[%dma_wait3A_394, %dma_wait3A_395] : memref<10000x32xf32, #tpu.memory_space<vmem_shared>> -> memref<128x32xf32, #tpu.memory_space<vmem_shared>>
      tpu.wait_dma2 semaphore(%arg25 : memref<!tpu.dma_semaphore, #tpu.memory_space<semaphore_mem>>) src(%dma_wait3A_396 : memref<128x32xf32, #tpu.memory_space<vmem_shared>>) dst(%arg15 : memref<128x32xf32, #tpu.memory_space<vmem>>)
      %add3A_397 = arith.constant 7 : i32
      %add3A_398 = arith.addi %mul3A_264, %add3A_397 : i32
      "tpu.region"() ({
        %run_scoped3A_409 = tpu.sem_alloc : memref<!tpu.dma_semaphore, #tpu.memory_space<semaphore_mem>>
        %dma_start3A_410 = arith.constant 0 : i32
        %dma_start3A_411 = tpu.memref_slice %arg7[%add3A_398, %dma_start3A_410] : memref<80x128xi32, #tpu.memory_space<vmem>> -> memref<1x128xi32, #tpu.memory_space<vmem>>
        %dma_start3A_412 = tpu.memref_squeeze %dma_start3A_411 : memref<1x128xi32, #tpu.memory_space<vmem>> -> memref<128xi32, #tpu.memory_space<vmem>>
        %dma_start3A_413 = arith.constant 0 : i32
        %dma_start3A_414 = arith.constant 0 : i32
        %dma_start3A_415 = tpu.memref_slice %arg17[%dma_start3A_413, %dma_start3A_414] : memref<10112x32xf32, #tpu.memory_space<vmem_shared>> -> memref<10112x32xf32, #tpu.memory_space<vmem_shared>>
        tpu.enqueue_indirect_dma source(%arg15 : memref<128x32xf32, #tpu.memory_space<vmem>>) target(%dma_start3A_415 : memref<10112x32xf32, #tpu.memory_space<vmem_shared>>) offsets(%dma_start3A_412 : memref<128xi32, #tpu.memory_space<vmem>>) semaphore(%run_scoped3A_409 : memref<!tpu.dma_semaphore, #tpu.memory_space<semaphore_mem>>) {add = true}
        %dma_wait3A_416 = arith.constant 0 : i32
        %dma_wait3A_417 = tpu.memref_slice %arg7[%add3A_398, %dma_wait3A_416] : memref<80x128xi32, #tpu.memory_space<vmem>> -> memref<1x128xi32, #tpu.memory_space<vmem>>
        %dma_wait3A_418 = tpu.memref_squeeze %dma_wait3A_417 : memref<1x128xi32, #tpu.memory_space<vmem>> -> memref<128xi32, #tpu.memory_space<vmem>>
        %dma_wait3A_419 = arith.constant 0 : i32
        %dma_wait3A_420 = arith.constant 0 : i32
        %dma_wait3A_421 = tpu.memref_slice %arg17[%dma_wait3A_419, %dma_wait3A_420] : memref<10112x32xf32, #tpu.memory_space<vmem_shared>> -> memref<10112x32xf32, #tpu.memory_space<vmem_shared>>
        tpu.wait_indirect_dma semaphore(%run_scoped3A_409 : memref<!tpu.dma_semaphore, #tpu.memory_space<semaphore_mem>>) src(%arg15 : memref<128x32xf32, #tpu.memory_space<vmem>>) dst(%dma_wait3A_421 : memref<10112x32xf32, #tpu.memory_space<vmem_shared>>)
        tpu.yield
      }) : () -> ()
      %add3A_399 = arith.constant 7 : i32
      %add3A_400 = arith.addi %mul3A_264, %add3A_399 : i32
      %add3A_401 = arith.constant 8 : i32
      %add3A_402 = arith.addi %add3A_400, %add3A_401 : i32
      %dma_start3A_403 = arith.constant 0 : i32
      %dma_start3A_404 = tpu.memref_slice %arg6[%add3A_402, %dma_start3A_403] : memref<80x128xi32, #tpu.memory_space<vmem>> -> memref<1x128xi32, #tpu.memory_space<vmem>>
      %dma_start3A_405 = tpu.memref_squeeze %dma_start3A_404 : memref<1x128xi32, #tpu.memory_space<vmem>> -> memref<128xi32, #tpu.memory_space<vmem>>
      %dma_start3A_406 = arith.constant 0 : i32
      %dma_start3A_407 = arith.constant 0 : i32
      %dma_start3A_408 = tpu.memref_slice %arg16[%dma_start3A_406, %dma_start3A_407] : memref<10000x32xf32, #tpu.memory_space<vmem_shared>> -> memref<10000x32xf32, #tpu.memory_space<vmem_shared>>
      tpu.enqueue_indirect_dma source(%dma_start3A_408 : memref<10000x32xf32, #tpu.memory_space<vmem_shared>>) target(%arg15 : memref<128x32xf32, #tpu.memory_space<vmem>>) offsets(%dma_start3A_405 : memref<128xi32, #tpu.memory_space<vmem>>) semaphore(%arg25 : memref<!tpu.dma_semaphore, #tpu.memory_space<semaphore_mem>>)
    }
    %scan3A_204 = arith.constant 9 : i32
    %dma_wait3A_205 = arith.constant 0 : i32
    %dma_wait3A_206 = arith.constant 0 : i32
    %dma_wait3A_207 = tpu.memref_slice %arg16[%dma_wait3A_205, %dma_wait3A_206] : memref<10000x32xf32, #tpu.memory_space<vmem_shared>> -> memref<128x32xf32, #tpu.memory_space<vmem_shared>>
    %dma_wait3A_208 = arith.constant 0 : i32
    %dma_wait3A_209 = arith.constant 0 : i32
    %dma_wait3A_210 = tpu.memref_slice %arg16[%dma_wait3A_208, %dma_wait3A_209] : memref<10000x32xf32, #tpu.memory_space<vmem_shared>> -> memref<128x32xf32, #tpu.memory_space<vmem_shared>>
    tpu.wait_dma2 semaphore(%arg18 : memref<!tpu.dma_semaphore, #tpu.memory_space<semaphore_mem>>) src(%dma_wait3A_210 : memref<128x32xf32, #tpu.memory_space<vmem_shared>>) dst(%arg8 : memref<128x32xf32, #tpu.memory_space<vmem>>)
    %run_scoped3A_211 = arith.constant 72 : i32
    "tpu.region"() ({
      %run_scoped3A_262 = tpu.sem_alloc : memref<!tpu.dma_semaphore, #tpu.memory_space<semaphore_mem>>
      %dma_start3A_263 = arith.constant 0 : i32
      %dma_start3A_264 = tpu.memref_slice %arg7[%run_scoped3A_211, %dma_start3A_263] : memref<80x128xi32, #tpu.memory_space<vmem>> -> memref<1x128xi32, #tpu.memory_space<vmem>>
      %dma_start3A_265 = tpu.memref_squeeze %dma_start3A_264 : memref<1x128xi32, #tpu.memory_space<vmem>> -> memref<128xi32, #tpu.memory_space<vmem>>
      %dma_start3A_266 = arith.constant 0 : i32
      %dma_start3A_267 = arith.constant 0 : i32
      %dma_start3A_268 = tpu.memref_slice %arg17[%dma_start3A_266, %dma_start3A_267] : memref<10112x32xf32, #tpu.memory_space<vmem_shared>> -> memref<10112x32xf32, #tpu.memory_space<vmem_shared>>
      tpu.enqueue_indirect_dma source(%arg8 : memref<128x32xf32, #tpu.memory_space<vmem>>) target(%dma_start3A_268 : memref<10112x32xf32, #tpu.memory_space<vmem_shared>>) offsets(%dma_start3A_265 : memref<128xi32, #tpu.memory_space<vmem>>) semaphore(%run_scoped3A_262 : memref<!tpu.dma_semaphore, #tpu.memory_space<semaphore_mem>>) {add = true}
      %dma_wait3A_269 = arith.constant 0 : i32
      %dma_wait3A_270 = tpu.memref_slice %arg7[%run_scoped3A_211, %dma_wait3A_269] : memref<80x128xi32, #tpu.memory_space<vmem>> -> memref<1x128xi32, #tpu.memory_space<vmem>>
      %dma_wait3A_271 = tpu.memref_squeeze %dma_wait3A_270 : memref<1x128xi32, #tpu.memory_space<vmem>> -> memref<128xi32, #tpu.memory_space<vmem>>
      %dma_wait3A_272 = arith.constant 0 : i32
      %dma_wait3A_273 = arith.constant 0 : i32
      %dma_wait3A_274 = tpu.memref_slice %arg17[%dma_wait3A_272, %dma_wait3A_273] : memref<10112x32xf32, #tpu.memory_space<vmem_shared>> -> memref<10112x32xf32, #tpu.memory_space<vmem_shared>>
      tpu.wait_indirect_dma semaphore(%run_scoped3A_262 : memref<!tpu.dma_semaphore, #tpu.memory_space<semaphore_mem>>) src(%arg8 : memref<128x32xf32, #tpu.memory_space<vmem>>) dst(%dma_wait3A_274 : memref<10112x32xf32, #tpu.memory_space<vmem_shared>>)
      tpu.yield
    }) : () -> ()
    %dma_wait3A_212 = arith.constant 0 : i32
    %dma_wait3A_213 = arith.constant 0 : i32
    %dma_wait3A_214 = tpu.memref_slice %arg16[%dma_wait3A_212, %dma_wait3A_213] : memref<10000x32xf32, #tpu.memory_space<vmem_shared>> -> memref<128x32xf32, #tpu.memory_space<vmem_shared>>
    %dma_wait3A_215 = arith.constant 0 : i32
    %dma_wait3A_216 = arith.constant 0 : i32
    %dma_wait3A_217 = tpu.memref_slice %arg16[%dma_wait3A_215, %dma_wait3A_216] : memref<10000x32xf32, #tpu.memory_space<vmem_shared>> -> memref<128x32xf32, #tpu.memory_space<vmem_shared>>
    tpu.wait_dma2 semaphore(%arg19 : memref<!tpu.dma_semaphore, #tpu.memory_space<semaphore_mem>>) src(%dma_wait3A_217 : memref<128x32xf32, #tpu.memory_space<vmem_shared>>) dst(%arg9 : memref<128x32xf32, #tpu.memory_space<vmem>>)
    %run_scoped3A_218 = arith.constant 73 : i32
    "tpu.region"() ({
      %run_scoped3A_262 = tpu.sem_alloc : memref<!tpu.dma_semaphore, #tpu.memory_space<semaphore_mem>>
      %dma_start3A_263 = arith.constant 0 : i32
      %dma_start3A_264 = tpu.memref_slice %arg7[%run_scoped3A_218, %dma_start3A_263] : memref<80x128xi32, #tpu.memory_space<vmem>> -> memref<1x128xi32, #tpu.memory_space<vmem>>
      %dma_start3A_265 = tpu.memref_squeeze %dma_start3A_264 : memref<1x128xi32, #tpu.memory_space<vmem>> -> memref<128xi32, #tpu.memory_space<vmem>>
      %dma_start3A_266 = arith.constant 0 : i32
      %dma_start3A_267 = arith.constant 0 : i32
      %dma_start3A_268 = tpu.memref_slice %arg17[%dma_start3A_266, %dma_start3A_267] : memref<10112x32xf32, #tpu.memory_space<vmem_shared>> -> memref<10112x32xf32, #tpu.memory_space<vmem_shared>>
      tpu.enqueue_indirect_dma source(%arg9 : memref<128x32xf32, #tpu.memory_space<vmem>>) target(%dma_start3A_268 : memref<10112x32xf32, #tpu.memory_space<vmem_shared>>) offsets(%dma_start3A_265 : memref<128xi32, #tpu.memory_space<vmem>>) semaphore(%run_scoped3A_262 : memref<!tpu.dma_semaphore, #tpu.memory_space<semaphore_mem>>) {add = true}
      %dma_wait3A_269 = arith.constant 0 : i32
      %dma_wait3A_270 = tpu.memref_slice %arg7[%run_scoped3A_218, %dma_wait3A_269] : memref<80x128xi32, #tpu.memory_space<vmem>> -> memref<1x128xi32, #tpu.memory_space<vmem>>
      %dma_wait3A_271 = tpu.memref_squeeze %dma_wait3A_270 : memref<1x128xi32, #tpu.memory_space<vmem>> -> memref<128xi32, #tpu.memory_space<vmem>>
      %dma_wait3A_272 = arith.constant 0 : i32
      %dma_wait3A_273 = arith.constant 0 : i32
      %dma_wait3A_274 = tpu.memref_slice %arg17[%dma_wait3A_272, %dma_wait3A_273] : memref<10112x32xf32, #tpu.memory_space<vmem_shared>> -> memref<10112x32xf32, #tpu.memory_space<vmem_shared>>
      tpu.wait_indirect_dma semaphore(%run_scoped3A_262 : memref<!tpu.dma_semaphore, #tpu.memory_space<semaphore_mem>>) src(%arg9 : memref<128x32xf32, #tpu.memory_space<vmem>>) dst(%dma_wait3A_274 : memref<10112x32xf32, #tpu.memory_space<vmem_shared>>)
      tpu.yield
    }) : () -> ()
    %dma_wait3A_219 = arith.constant 0 : i32
    %dma_wait3A_220 = arith.constant 0 : i32
    %dma_wait3A_221 = tpu.memref_slice %arg16[%dma_wait3A_219, %dma_wait3A_220] : memref<10000x32xf32, #tpu.memory_space<vmem_shared>> -> memref<128x32xf32, #tpu.memory_space<vmem_shared>>
    %dma_wait3A_222 = arith.constant 0 : i32
    %dma_wait3A_223 = arith.constant 0 : i32
    %dma_wait3A_224 = tpu.memref_slice %arg16[%dma_wait3A_222, %dma_wait3A_223] : memref<10000x32xf32, #tpu.memory_space<vmem_shared>> -> memref<128x32xf32, #tpu.memory_space<vmem_shared>>
    tpu.wait_dma2 semaphore(%arg20 : memref<!tpu.dma_semaphore, #tpu.memory_space<semaphore_mem>>) src(%dma_wait3A_224 : memref<128x32xf32, #tpu.memory_space<vmem_shared>>) dst(%arg10 : memref<128x32xf32, #tpu.memory_space<vmem>>)
    %run_scoped3A_225 = arith.constant 74 : i32
    "tpu.region"() ({
      %run_scoped3A_262 = tpu.sem_alloc : memref<!tpu.dma_semaphore, #tpu.memory_space<semaphore_mem>>
      %dma_start3A_263 = arith.constant 0 : i32
      %dma_start3A_264 = tpu.memref_slice %arg7[%run_scoped3A_225, %dma_start3A_263] : memref<80x128xi32, #tpu.memory_space<vmem>> -> memref<1x128xi32, #tpu.memory_space<vmem>>
      %dma_start3A_265 = tpu.memref_squeeze %dma_start3A_264 : memref<1x128xi32, #tpu.memory_space<vmem>> -> memref<128xi32, #tpu.memory_space<vmem>>
      %dma_start3A_266 = arith.constant 0 : i32
      %dma_start3A_267 = arith.constant 0 : i32
      %dma_start3A_268 = tpu.memref_slice %arg17[%dma_start3A_266, %dma_start3A_267] : memref<10112x32xf32, #tpu.memory_space<vmem_shared>> -> memref<10112x32xf32, #tpu.memory_space<vmem_shared>>
      tpu.enqueue_indirect_dma source(%arg10 : memref<128x32xf32, #tpu.memory_space<vmem>>) target(%dma_start3A_268 : memref<10112x32xf32, #tpu.memory_space<vmem_shared>>) offsets(%dma_start3A_265 : memref<128xi32, #tpu.memory_space<vmem>>) semaphore(%run_scoped3A_262 : memref<!tpu.dma_semaphore, #tpu.memory_space<semaphore_mem>>) {add = true}
      %dma_wait3A_269 = arith.constant 0 : i32
      %dma_wait3A_270 = tpu.memref_slice %arg7[%run_scoped3A_225, %dma_wait3A_269] : memref<80x128xi32, #tpu.memory_space<vmem>> -> memref<1x128xi32, #tpu.memory_space<vmem>>
      %dma_wait3A_271 = tpu.memref_squeeze %dma_wait3A_270 : memref<1x128xi32, #tpu.memory_space<vmem>> -> memref<128xi32, #tpu.memory_space<vmem>>
      %dma_wait3A_272 = arith.constant 0 : i32
      %dma_wait3A_273 = arith.constant 0 : i32
      %dma_wait3A_274 = tpu.memref_slice %arg17[%dma_wait3A_272, %dma_wait3A_273] : memref<10112x32xf32, #tpu.memory_space<vmem_shared>> -> memref<10112x32xf32, #tpu.memory_space<vmem_shared>>
      tpu.wait_indirect_dma semaphore(%run_scoped3A_262 : memref<!tpu.dma_semaphore, #tpu.memory_space<semaphore_mem>>) src(%arg10 : memref<128x32xf32, #tpu.memory_space<vmem>>) dst(%dma_wait3A_274 : memref<10112x32xf32, #tpu.memory_space<vmem_shared>>)
      tpu.yield
    }) : () -> ()
    %dma_wait3A_226 = arith.constant 0 : i32
    %dma_wait3A_227 = arith.constant 0 : i32
    %dma_wait3A_228 = tpu.memref_slice %arg16[%dma_wait3A_226, %dma_wait3A_227] : memref<10000x32xf32, #tpu.memory_space<vmem_shared>> -> memref<128x32xf32, #tpu.memory_space<vmem_shared>>
    %dma_wait3A_229 = arith.constant 0 : i32
    %dma_wait3A_230 = arith.constant 0 : i32
    %dma_wait3A_231 = tpu.memref_slice %arg16[%dma_wait3A_229, %dma_wait3A_230] : memref<10000x32xf32, #tpu.memory_space<vmem_shared>> -> memref<128x32xf32, #tpu.memory_space<vmem_shared>>
    tpu.wait_dma2 semaphore(%arg21 : memref<!tpu.dma_semaphore, #tpu.memory_space<semaphore_mem>>) src(%dma_wait3A_231 : memref<128x32xf32, #tpu.memory_space<vmem_shared>>) dst(%arg11 : memref<128x32xf32, #tpu.memory_space<vmem>>)
    %run_scoped3A_232 = arith.constant 75 : i32
    "tpu.region"() ({
      %run_scoped3A_262 = tpu.sem_alloc : memref<!tpu.dma_semaphore, #tpu.memory_space<semaphore_mem>>
      %dma_start3A_263 = arith.constant 0 : i32
      %dma_start3A_264 = tpu.memref_slice %arg7[%run_scoped3A_232, %dma_start3A_263] : memref<80x128xi32, #tpu.memory_space<vmem>> -> memref<1x128xi32, #tpu.memory_space<vmem>>
      %dma_start3A_265 = tpu.memref_squeeze %dma_start3A_264 : memref<1x128xi32, #tpu.memory_space<vmem>> -> memref<128xi32, #tpu.memory_space<vmem>>
      %dma_start3A_266 = arith.constant 0 : i32
      %dma_start3A_267 = arith.constant 0 : i32
      %dma_start3A_268 = tpu.memref_slice %arg17[%dma_start3A_266, %dma_start3A_267] : memref<10112x32xf32, #tpu.memory_space<vmem_shared>> -> memref<10112x32xf32, #tpu.memory_space<vmem_shared>>
      tpu.enqueue_indirect_dma source(%arg11 : memref<128x32xf32, #tpu.memory_space<vmem>>) target(%dma_start3A_268 : memref<10112x32xf32, #tpu.memory_space<vmem_shared>>) offsets(%dma_start3A_265 : memref<128xi32, #tpu.memory_space<vmem>>) semaphore(%run_scoped3A_262 : memref<!tpu.dma_semaphore, #tpu.memory_space<semaphore_mem>>) {add = true}
      %dma_wait3A_269 = arith.constant 0 : i32
      %dma_wait3A_270 = tpu.memref_slice %arg7[%run_scoped3A_232, %dma_wait3A_269] : memref<80x128xi32, #tpu.memory_space<vmem>> -> memref<1x128xi32, #tpu.memory_space<vmem>>
      %dma_wait3A_271 = tpu.memref_squeeze %dma_wait3A_270 : memref<1x128xi32, #tpu.memory_space<vmem>> -> memref<128xi32, #tpu.memory_space<vmem>>
      %dma_wait3A_272 = arith.constant 0 : i32
      %dma_wait3A_273 = arith.constant 0 : i32
      %dma_wait3A_274 = tpu.memref_slice %arg17[%dma_wait3A_272, %dma_wait3A_273] : memref<10112x32xf32, #tpu.memory_space<vmem_shared>> -> memref<10112x32xf32, #tpu.memory_space<vmem_shared>>
      tpu.wait_indirect_dma semaphore(%run_scoped3A_262 : memref<!tpu.dma_semaphore, #tpu.memory_space<semaphore_mem>>) src(%arg11 : memref<128x32xf32, #tpu.memory_space<vmem>>) dst(%dma_wait3A_274 : memref<10112x32xf32, #tpu.memory_space<vmem_shared>>)
      tpu.yield
    }) : () -> ()
    %dma_wait3A_233 = arith.constant 0 : i32
    %dma_wait3A_234 = arith.constant 0 : i32
    %dma_wait3A_235 = tpu.memref_slice %arg16[%dma_wait3A_233, %dma_wait3A_234] : memref<10000x32xf32, #tpu.memory_space<vmem_shared>> -> memref<128x32xf32, #tpu.memory_space<vmem_shared>>
    %dma_wait3A_236 = arith.constant 0 : i32
    %dma_wait3A_237 = arith.constant 0 : i32
    %dma_wait3A_238 = tpu.memref_slice %arg16[%dma_wait3A_236, %dma_wait3A_237] : memref<10000x32xf32, #tpu.memory_space<vmem_shared>> -> memref<128x32xf32, #tpu.memory_space<vmem_shared>>
    tpu.wait_dma2 semaphore(%arg22 : memref<!tpu.dma_semaphore, #tpu.memory_space<semaphore_mem>>) src(%dma_wait3A_238 : memref<128x32xf32, #tpu.memory_space<vmem_shared>>) dst(%arg12 : memref<128x32xf32, #tpu.memory_space<vmem>>)
    %run_scoped3A_239 = arith.constant 76 : i32
    "tpu.region"() ({
      %run_scoped3A_262 = tpu.sem_alloc : memref<!tpu.dma_semaphore, #tpu.memory_space<semaphore_mem>>
      %dma_start3A_263 = arith.constant 0 : i32
      %dma_start3A_264 = tpu.memref_slice %arg7[%run_scoped3A_239, %dma_start3A_263] : memref<80x128xi32, #tpu.memory_space<vmem>> -> memref<1x128xi32, #tpu.memory_space<vmem>>
      %dma_start3A_265 = tpu.memref_squeeze %dma_start3A_264 : memref<1x128xi32, #tpu.memory_space<vmem>> -> memref<128xi32, #tpu.memory_space<vmem>>
      %dma_start3A_266 = arith.constant 0 : i32
      %dma_start3A_267 = arith.constant 0 : i32
      %dma_start3A_268 = tpu.memref_slice %arg17[%dma_start3A_266, %dma_start3A_267] : memref<10112x32xf32, #tpu.memory_space<vmem_shared>> -> memref<10112x32xf32, #tpu.memory_space<vmem_shared>>
      tpu.enqueue_indirect_dma source(%arg12 : memref<128x32xf32, #tpu.memory_space<vmem>>) target(%dma_start3A_268 : memref<10112x32xf32, #tpu.memory_space<vmem_shared>>) offsets(%dma_start3A_265 : memref<128xi32, #tpu.memory_space<vmem>>) semaphore(%run_scoped3A_262 : memref<!tpu.dma_semaphore, #tpu.memory_space<semaphore_mem>>) {add = true}
      %dma_wait3A_269 = arith.constant 0 : i32
      %dma_wait3A_270 = tpu.memref_slice %arg7[%run_scoped3A_239, %dma_wait3A_269] : memref<80x128xi32, #tpu.memory_space<vmem>> -> memref<1x128xi32, #tpu.memory_space<vmem>>
      %dma_wait3A_271 = tpu.memref_squeeze %dma_wait3A_270 : memref<1x128xi32, #tpu.memory_space<vmem>> -> memref<128xi32, #tpu.memory_space<vmem>>
      %dma_wait3A_272 = arith.constant 0 : i32
      %dma_wait3A_273 = arith.constant 0 : i32
      %dma_wait3A_274 = tpu.memref_slice %arg17[%dma_wait3A_272, %dma_wait3A_273] : memref<10112x32xf32, #tpu.memory_space<vmem_shared>> -> memref<10112x32xf32, #tpu.memory_space<vmem_shared>>
      tpu.wait_indirect_dma semaphore(%run_scoped3A_262 : memref<!tpu.dma_semaphore, #tpu.memory_space<semaphore_mem>>) src(%arg12 : memref<128x32xf32, #tpu.memory_space<vmem>>) dst(%dma_wait3A_274 : memref<10112x32xf32, #tpu.memory_space<vmem_shared>>)
      tpu.yield
    }) : () -> ()
    %dma_wait3A_240 = arith.constant 0 : i32
    %dma_wait3A_241 = arith.constant 0 : i32
    %dma_wait3A_242 = tpu.memref_slice %arg16[%dma_wait3A_240, %dma_wait3A_241] : memref<10000x32xf32, #tpu.memory_space<vmem_shared>> -> memref<128x32xf32, #tpu.memory_space<vmem_shared>>
    %dma_wait3A_243 = arith.constant 0 : i32
    %dma_wait3A_244 = arith.constant 0 : i32
    %dma_wait3A_245 = tpu.memref_slice %arg16[%dma_wait3A_243, %dma_wait3A_244] : memref<10000x32xf32, #tpu.memory_space<vmem_shared>> -> memref<128x32xf32, #tpu.memory_space<vmem_shared>>
    tpu.wait_dma2 semaphore(%arg23 : memref<!tpu.dma_semaphore, #tpu.memory_space<semaphore_mem>>) src(%dma_wait3A_245 : memref<128x32xf32, #tpu.memory_space<vmem_shared>>) dst(%arg13 : memref<128x32xf32, #tpu.memory_space<vmem>>)
    %run_scoped3A_246 = arith.constant 77 : i32
    "tpu.region"() ({
      %run_scoped3A_262 = tpu.sem_alloc : memref<!tpu.dma_semaphore, #tpu.memory_space<semaphore_mem>>
      %dma_start3A_263 = arith.constant 0 : i32
      %dma_start3A_264 = tpu.memref_slice %arg7[%run_scoped3A_246, %dma_start3A_263] : memref<80x128xi32, #tpu.memory_space<vmem>> -> memref<1x128xi32, #tpu.memory_space<vmem>>
      %dma_start3A_265 = tpu.memref_squeeze %dma_start3A_264 : memref<1x128xi32, #tpu.memory_space<vmem>> -> memref<128xi32, #tpu.memory_space<vmem>>
      %dma_start3A_266 = arith.constant 0 : i32
      %dma_start3A_267 = arith.constant 0 : i32
      %dma_start3A_268 = tpu.memref_slice %arg17[%dma_start3A_266, %dma_start3A_267] : memref<10112x32xf32, #tpu.memory_space<vmem_shared>> -> memref<10112x32xf32, #tpu.memory_space<vmem_shared>>
      tpu.enqueue_indirect_dma source(%arg13 : memref<128x32xf32, #tpu.memory_space<vmem>>) target(%dma_start3A_268 : memref<10112x32xf32, #tpu.memory_space<vmem_shared>>) offsets(%dma_start3A_265 : memref<128xi32, #tpu.memory_space<vmem>>) semaphore(%run_scoped3A_262 : memref<!tpu.dma_semaphore, #tpu.memory_space<semaphore_mem>>) {add = true}
      %dma_wait3A_269 = arith.constant 0 : i32
      %dma_wait3A_270 = tpu.memref_slice %arg7[%run_scoped3A_246, %dma_wait3A_269] : memref<80x128xi32, #tpu.memory_space<vmem>> -> memref<1x128xi32, #tpu.memory_space<vmem>>
      %dma_wait3A_271 = tpu.memref_squeeze %dma_wait3A_270 : memref<1x128xi32, #tpu.memory_space<vmem>> -> memref<128xi32, #tpu.memory_space<vmem>>
      %dma_wait3A_272 = arith.constant 0 : i32
      %dma_wait3A_273 = arith.constant 0 : i32
      %dma_wait3A_274 = tpu.memref_slice %arg17[%dma_wait3A_272, %dma_wait3A_273] : memref<10112x32xf32, #tpu.memory_space<vmem_shared>> -> memref<10112x32xf32, #tpu.memory_space<vmem_shared>>
      tpu.wait_indirect_dma semaphore(%run_scoped3A_262 : memref<!tpu.dma_semaphore, #tpu.memory_space<semaphore_mem>>) src(%arg13 : memref<128x32xf32, #tpu.memory_space<vmem>>) dst(%dma_wait3A_274 : memref<10112x32xf32, #tpu.memory_space<vmem_shared>>)
      tpu.yield
    }) : () -> ()
    %dma_wait3A_247 = arith.constant 0 : i32
    %dma_wait3A_248 = arith.constant 0 : i32
    %dma_wait3A_249 = tpu.memref_slice %arg16[%dma_wait3A_247, %dma_wait3A_248] : memref<10000x32xf32, #tpu.memory_space<vmem_shared>> -> memref<128x32xf32, #tpu.memory_space<vmem_shared>>
    %dma_wait3A_250 = arith.constant 0 : i32
    %dma_wait3A_251 = arith.constant 0 : i32
    %dma_wait3A_252 = tpu.memref_slice %arg16[%dma_wait3A_250, %dma_wait3A_251] : memref<10000x32xf32, #tpu.memory_space<vmem_shared>> -> memref<128x32xf32, #tpu.memory_space<vmem_shared>>
    tpu.wait_dma2 semaphore(%arg24 : memref<!tpu.dma_semaphore, #tpu.memory_space<semaphore_mem>>) src(%dma_wait3A_252 : memref<128x32xf32, #tpu.memory_space<vmem_shared>>) dst(%arg14 : memref<128x32xf32, #tpu.memory_space<vmem>>)
    %run_scoped3A_253 = arith.constant 78 : i32
    "tpu.region"() ({
      %run_scoped3A_262 = tpu.sem_alloc : memref<!tpu.dma_semaphore, #tpu.memory_space<semaphore_mem>>
      %dma_start3A_263 = arith.constant 0 : i32
      %dma_start3A_264 = tpu.memref_slice %arg7[%run_scoped3A_253, %dma_start3A_263] : memref<80x128xi32, #tpu.memory_space<vmem>> -> memref<1x128xi32, #tpu.memory_space<vmem>>
      %dma_start3A_265 = tpu.memref_squeeze %dma_start3A_264 : memref<1x128xi32, #tpu.memory_space<vmem>> -> memref<128xi32, #tpu.memory_space<vmem>>
      %dma_start3A_266 = arith.constant 0 : i32
      %dma_start3A_267 = arith.constant 0 : i32
      %dma_start3A_268 = tpu.memref_slice %arg17[%dma_start3A_266, %dma_start3A_267] : memref<10112x32xf32, #tpu.memory_space<vmem_shared>> -> memref<10112x32xf32, #tpu.memory_space<vmem_shared>>
      tpu.enqueue_indirect_dma source(%arg14 : memref<128x32xf32, #tpu.memory_space<vmem>>) target(%dma_start3A_268 : memref<10112x32xf32, #tpu.memory_space<vmem_shared>>) offsets(%dma_start3A_265 : memref<128xi32, #tpu.memory_space<vmem>>) semaphore(%run_scoped3A_262 : memref<!tpu.dma_semaphore, #tpu.memory_space<semaphore_mem>>) {add = true}
      %dma_wait3A_269 = arith.constant 0 : i32
      %dma_wait3A_270 = tpu.memref_slice %arg7[%run_scoped3A_253, %dma_wait3A_269] : memref<80x128xi32, #tpu.memory_space<vmem>> -> memref<1x128xi32, #tpu.memory_space<vmem>>
      %dma_wait3A_271 = tpu.memref_squeeze %dma_wait3A_270 : memref<1x128xi32, #tpu.memory_space<vmem>> -> memref<128xi32, #tpu.memory_space<vmem>>
      %dma_wait3A_272 = arith.constant 0 : i32
      %dma_wait3A_273 = arith.constant 0 : i32
      %dma_wait3A_274 = tpu.memref_slice %arg17[%dma_wait3A_272, %dma_wait3A_273] : memref<10112x32xf32, #tpu.memory_space<vmem_shared>> -> memref<10112x32xf32, #tpu.memory_space<vmem_shared>>
      tpu.wait_indirect_dma semaphore(%run_scoped3A_262 : memref<!tpu.dma_semaphore, #tpu.memory_space<semaphore_mem>>) src(%arg14 : memref<128x32xf32, #tpu.memory_space<vmem>>) dst(%dma_wait3A_274 : memref<10112x32xf32, #tpu.memory_space<vmem_shared>>)
      tpu.yield
    }) : () -> ()
    %dma_wait3A_254 = arith.constant 0 : i32
    %dma_wait3A_255 = arith.constant 0 : i32
    %dma_wait3A_256 = tpu.memref_slice %arg16[%dma_wait3A_254, %dma_wait3A_255] : memref<10000x32xf32, #tpu.memory_space<vmem_shared>> -> memref<128x32xf32, #tpu.memory_space<vmem_shared>>
    %dma_wait3A_257 = arith.constant 0 : i32
    %dma_wait3A_258 = arith.constant 0 : i32
    %dma_wait3A_259 = tpu.memref_slice %arg16[%dma_wait3A_257, %dma_wait3A_258] : memref<10000x32xf32, #tpu.memory_space<vmem_shared>> -> memref<128x32xf32, #tpu.memory_space<vmem_shared>>
    tpu.wait_dma2 semaphore(%arg25 : memref<!tpu.dma_semaphore, #tpu.memory_space<semaphore_mem>>) src(%dma_wait3A_259 : memref<128x32xf32, #tpu.memory_space<vmem_shared>>) dst(%arg15 : memref<128x32xf32, #tpu.memory_space<vmem>>)
    %run_scoped3A_260 = arith.constant 79 : i32
    "tpu.region"() ({
      %run_scoped3A_262 = tpu.sem_alloc : memref<!tpu.dma_semaphore, #tpu.memory_space<semaphore_mem>>
      %dma_start3A_263 = arith.constant 0 : i32
      %dma_start3A_264 = tpu.memref_slice %arg7[%run_scoped3A_260, %dma_start3A_263] : memref<80x128xi32, #tpu.memory_space<vmem>> -> memref<1x128xi32, #tpu.memory_space<vmem>>
      %dma_start3A_265 = tpu.memref_squeeze %dma_start3A_264 : memref<1x128xi32, #tpu.memory_space<vmem>> -> memref<128xi32, #tpu.memory_space<vmem>>
      %dma_start3A_266 = arith.constant 0 : i32
      %dma_start3A_267 = arith.constant 0 : i32
      %dma_start3A_268 = tpu.memref_slice %arg17[%dma_start3A_266, %dma_start3A_267] : memref<10112x32xf32, #tpu.memory_space<vmem_shared>> -> memref<10112x32xf32, #tpu.memory_space<vmem_shared>>
      tpu.enqueue_indirect_dma source(%arg15 : memref<128x32xf32, #tpu.memory_space<vmem>>) target(%dma_start3A_268 : memref<10112x32xf32, #tpu.memory_space<vmem_shared>>) offsets(%dma_start3A_265 : memref<128xi32, #tpu.memory_space<vmem>>) semaphore(%run_scoped3A_262 : memref<!tpu.dma_semaphore, #tpu.memory_space<semaphore_mem>>) {add = true}
      %dma_wait3A_269 = arith.constant 0 : i32
      %dma_wait3A_270 = tpu.memref_slice %arg7[%run_scoped3A_260, %dma_wait3A_269] : memref<80x128xi32, #tpu.memory_space<vmem>> -> memref<1x128xi32, #tpu.memory_space<vmem>>
      %dma_wait3A_271 = tpu.memref_squeeze %dma_wait3A_270 : memref<1x128xi32, #tpu.memory_space<vmem>> -> memref<128xi32, #tpu.memory_space<vmem>>
      %dma_wait3A_272 = arith.constant 0 : i32
      %dma_wait3A_273 = arith.constant 0 : i32
      %dma_wait3A_274 = tpu.memref_slice %arg17[%dma_wait3A_272, %dma_wait3A_273] : memref<10112x32xf32, #tpu.memory_space<vmem_shared>> -> memref<10112x32xf32, #tpu.memory_space<vmem_shared>>
      tpu.wait_indirect_dma semaphore(%run_scoped3A_262 : memref<!tpu.dma_semaphore, #tpu.memory_space<semaphore_mem>>) src(%arg15 : memref<128x32xf32, #tpu.memory_space<vmem>>) dst(%dma_wait3A_274 : memref<10112x32xf32, #tpu.memory_space<vmem_shared>>)
      tpu.yield
    }) : () -> ()
    %barrier3A_261 = arith.constant 0 : index
    tpu.barrier barrier_id(%barrier3A_261)
    "tpu.trace_stop"() : () -> ()
    "tpu.trace_start"() <{level = 10 : i32, message = "copyout"}> : () -> ()
    "tpu.region"() ({
      %run_scoped3A_262 = tpu.sem_alloc : memref<!tpu.dma_semaphore, #tpu.memory_space<semaphore_mem>>
      %dma_start3A_263 = arith.constant 0 : i32
      %dma_start3A_264 = tpu.memref_slice %arg5[%arg0, %mul3A_6, %dma_start3A_263] : memref<2x10112x32xf32, #tpu.memory_space<hbm>> -> memref<1x632x32xf32, #tpu.memory_space<hbm>>
      %dma_start3A_265 = tpu.memref_squeeze %dma_start3A_264 : memref<1x632x32xf32, #tpu.memory_space<hbm>> -> memref<632x32xf32, #tpu.memory_space<hbm>>
      %dma_start3A_266 = arith.constant 0 : i32
      %dma_start3A_267 = tpu.memref_slice %arg17[%mul3A_6, %dma_start3A_266] : memref<10112x32xf32, #tpu.memory_space<vmem_shared>> -> memref<632x32xf32, #tpu.memory_space<vmem_shared>>
      tpu.enqueue_dma source(%dma_start3A_267 : memref<632x32xf32, #tpu.memory_space<vmem_shared>>) target(%dma_start3A_265 : memref<632x32xf32, #tpu.memory_space<hbm>>) target_semaphore(%run_scoped3A_262 : memref<!tpu.dma_semaphore, #tpu.memory_space<semaphore_mem>>)
      %dma_wait3A_268 = arith.constant 0 : i32
      %dma_wait3A_269 = tpu.memref_slice %arg5[%arg0, %mul3A_6, %dma_wait3A_268] : memref<2x10112x32xf32, #tpu.memory_space<hbm>> -> memref<1x632x32xf32, #tpu.memory_space<hbm>>
      %dma_wait3A_270 = tpu.memref_squeeze %dma_wait3A_269 : memref<1x632x32xf32, #tpu.memory_space<hbm>> -> memref<632x32xf32, #tpu.memory_space<hbm>>
      %dma_wait3A_271 = arith.constant 0 : i32
      %dma_wait3A_272 = tpu.memref_slice %arg17[%mul3A_6, %dma_wait3A_271] : memref<10112x32xf32, #tpu.memory_space<vmem_shared>> -> memref<632x32xf32, #tpu.memory_space<vmem_shared>>
      tpu.wait_dma2 semaphore(%run_scoped3A_262 : memref<!tpu.dma_semaphore, #tpu.memory_space<semaphore_mem>>) src(%dma_wait3A_272 : memref<632x32xf32, #tpu.memory_space<vmem_shared>>) dst(%dma_wait3A_270 : memref<632x32xf32, #tpu.memory_space<hbm>>)
      tpu.yield
    }) : () -> ()
    "tpu.trace_stop"() : () -> ()
    return
  }
}

#map = affine_map<(d0, d1) -> (0, 0)>
#map1 = affine_map<(d0, d1) -> (0, 0, 0)>
module attributes {stable_mosaic.version = 14 : i64} {
  func.func @seg_sum(%arg0: i32, %arg1: i32, %arg2: memref<10000x128xf32, #tpu.memory_space<hbm>>, %arg3: memref<2560x128xi32, #tpu.memory_space<hbm>>, %arg4: memref<2560x128xi32, #tpu.memory_space<hbm>>, %arg5: memref<2x10112x64xf32, #tpu.memory_space<hbm>>, %arg6: memref<80x128xi32, #tpu.memory_space<vmem>>, %arg7: memref<80x128xi32, #tpu.memory_space<vmem>>, %arg8: memref<128x64xf32, #tpu.memory_space<vmem>>, %arg9: memref<128x64xf32, #tpu.memory_space<vmem>>, %arg10: memref<10000x64xf32, #tpu.memory_space<vmem_shared>>, %arg11: memref<10112x64xf32, #tpu.memory_space<vmem_shared>>, %arg12: memref<!tpu.dma_semaphore, #tpu.memory_space<semaphore_mem>>, %arg13: memref<!tpu.dma_semaphore, #tpu.memory_space<semaphore_mem>>) attributes {dimension_semantics = [#tpu.dimension_semantics<core_parallel>, #tpu.dimension_semantics<subcore_parallel>], iteration_bounds = array<i64: 2, 16>, scalar_prefetch = 0 : i64, scratch_operands = 8 : i64, tpu.core_type = #tpu.core_type<sc_vector_subcore>, window_params = [{transform_indices = #map}, {transform_indices = #map}, {transform_indices = #map}, {transform_indices = #map1}]} {
    %broadcast_in_dim3A = arith.constant 0.000000e+00 : f32
    %broadcast_in_dim3A_0 = vector.broadcast %broadcast_in_dim3A : f32 to vector<16xf32>
    "tpu.trace_start"() <{level = 10 : i32, message = "stage"}> : () -> ()
    %scan3A = arith.constant 0 : i32
    %scan3A_1 = arith.constant 0 : i32
    %scan3A_2 = arith.constant 128 : i32
    %scan3A_3 = arith.addi %scan3A_1, %scan3A_2 : i32
    %scan3A_4 = arith.constant 1 : i32
    scf.for %scan3A_94 = %scan3A_1 to %scan3A_3 step %scan3A_4  : i32 {
      %swap3A = arith.index_cast %scan3A_94 : i32 to index
      %swap3A_95 = arith.constant 0 : index
      %swap3A_96 = tpu.vector_load %arg8[%swap3A, %swap3A_95] {strides = array<i32>} : memref<128x64xf32, #tpu.memory_space<vmem>>, vector<1x16xf32>,
      %swap3A_97 = vector.shape_cast %swap3A_96 : vector<1x16xf32> to vector<16xf32>
      %swap3A_98 = vector.shape_cast %broadcast_in_dim3A_0 : vector<16xf32> to vector<1x16xf32>
      tpu.vector_store %arg8[%swap3A, %swap3A_95], %swap3A_98 {strides = array<i32>} : memref<128x64xf32, #tpu.memory_space<vmem>>, vector<1x16xf32>,
      %swap3A_99 = arith.index_cast %scan3A_94 : i32 to index
      %swap3A_100 = arith.constant 16 : index
      %swap3A_101 = tpu.vector_load %arg8[%swap3A_99, %swap3A_100] {strides = array<i32>} : memref<128x64xf32, #tpu.memory_space<vmem>>, vector<1x16xf32>,
      %swap3A_102 = vector.shape_cast %swap3A_101 : vector<1x16xf32> to vector<16xf32>
      %swap3A_103 = vector.shape_cast %broadcast_in_dim3A_0 : vector<16xf32> to vector<1x16xf32>
      tpu.vector_store %arg8[%swap3A_99, %swap3A_100], %swap3A_103 {strides = array<i32>} : memref<128x64xf32, #tpu.memory_space<vmem>>, vector<1x16xf32>,
      %swap3A_104 = arith.index_cast %scan3A_94 : i32 to index
      %swap3A_105 = arith.constant 32 : index
      %swap3A_106 = tpu.vector_load %arg8[%swap3A_104, %swap3A_105] {strides = array<i32>} : memref<128x64xf32, #tpu.memory_space<vmem>>, vector<1x16xf32>,
      %swap3A_107 = vector.shape_cast %swap3A_106 : vector<1x16xf32> to vector<16xf32>
      %swap3A_108 = vector.shape_cast %broadcast_in_dim3A_0 : vector<16xf32> to vector<1x16xf32>
      tpu.vector_store %arg8[%swap3A_104, %swap3A_105], %swap3A_108 {strides = array<i32>} : memref<128x64xf32, #tpu.memory_space<vmem>>, vector<1x16xf32>,
      %swap3A_109 = arith.index_cast %scan3A_94 : i32 to index
      %swap3A_110 = arith.constant 48 : index
      %swap3A_111 = tpu.vector_load %arg8[%swap3A_109, %swap3A_110] {strides = array<i32>} : memref<128x64xf32, #tpu.memory_space<vmem>>, vector<1x16xf32>,
      %swap3A_112 = vector.shape_cast %swap3A_111 : vector<1x16xf32> to vector<16xf32>
      %swap3A_113 = vector.shape_cast %broadcast_in_dim3A_0 : vector<16xf32> to vector<1x16xf32>
      tpu.vector_store %arg8[%swap3A_109, %swap3A_110], %swap3A_113 {strides = array<i32>} : memref<128x64xf32, #tpu.memory_space<vmem>>, vector<1x16xf32>,
    }
    %scan3A_5 = arith.constant 128 : i32
    %mul3A = arith.constant 632 : i32
    %mul3A_6 = arith.muli %arg1, %mul3A : i32
    %add3A = arith.constant 0 : i32
    %add3A_7 = arith.addi %mul3A_6, %add3A : i32
    "tpu.region"() ({
      %run_scoped3A_94 = tpu.sem_alloc : memref<!tpu.dma_semaphore, #tpu.memory_space<semaphore_mem>>
      %dma_start3A_95 = arith.constant 0 : i32
      %dma_start3A_96 = tpu.memref_slice %arg11[%add3A_7, %dma_start3A_95] : memref<10112x64xf32, #tpu.memory_space<vmem_shared>> -> memref<128x64xf32, #tpu.memory_space<vmem_shared>>
      %dma_start3A_97 = arith.constant 0 : i32
      %dma_start3A_98 = tpu.memref_slice %arg11[%add3A_7, %dma_start3A_97] : memref<10112x64xf32, #tpu.memory_space<vmem_shared>> -> memref<128x64xf32, #tpu.memory_space<vmem_shared>>
      tpu.enqueue_dma source(%arg8 : memref<128x64xf32, #tpu.memory_space<vmem>>) target(%dma_start3A_98 : memref<128x64xf32, #tpu.memory_space<vmem_shared>>) target_semaphore(%run_scoped3A_94 : memref<!tpu.dma_semaphore, #tpu.memory_space<semaphore_mem>>)
      %dma_wait3A_99 = arith.constant 0 : i32
      %dma_wait3A_100 = tpu.memref_slice %arg11[%add3A_7, %dma_wait3A_99] : memref<10112x64xf32, #tpu.memory_space<vmem_shared>> -> memref<128x64xf32, #tpu.memory_space<vmem_shared>>
      %dma_wait3A_101 = arith.constant 0 : i32
      %dma_wait3A_102 = tpu.memref_slice %arg11[%add3A_7, %dma_wait3A_101] : memref<10112x64xf32, #tpu.memory_space<vmem_shared>> -> memref<128x64xf32, #tpu.memory_space<vmem_shared>>
      tpu.wait_dma2 semaphore(%run_scoped3A_94 : memref<!tpu.dma_semaphore, #tpu.memory_space<semaphore_mem>>) src(%arg8 : memref<128x64xf32, #tpu.memory_space<vmem>>) dst(%dma_wait3A_102 : memref<128x64xf32, #tpu.memory_space<vmem_shared>>)
      tpu.yield
    }) : () -> ()
    %add3A_8 = arith.constant 128 : i32
    %add3A_9 = arith.addi %mul3A_6, %add3A_8 : i32
    "tpu.region"() ({
      %run_scoped3A_94 = tpu.sem_alloc : memref<!tpu.dma_semaphore, #tpu.memory_space<semaphore_mem>>
      %dma_start3A_95 = arith.constant 0 : i32
      %dma_start3A_96 = tpu.memref_slice %arg11[%add3A_9, %dma_start3A_95] : memref<10112x64xf32, #tpu.memory_space<vmem_shared>> -> memref<128x64xf32, #tpu.memory_space<vmem_shared>>
      %dma_start3A_97 = arith.constant 0 : i32
      %dma_start3A_98 = tpu.memref_slice %arg11[%add3A_9, %dma_start3A_97] : memref<10112x64xf32, #tpu.memory_space<vmem_shared>> -> memref<128x64xf32, #tpu.memory_space<vmem_shared>>
      tpu.enqueue_dma source(%arg8 : memref<128x64xf32, #tpu.memory_space<vmem>>) target(%dma_start3A_98 : memref<128x64xf32, #tpu.memory_space<vmem_shared>>) target_semaphore(%run_scoped3A_94 : memref<!tpu.dma_semaphore, #tpu.memory_space<semaphore_mem>>)
      %dma_wait3A_99 = arith.constant 0 : i32
      %dma_wait3A_100 = tpu.memref_slice %arg11[%add3A_9, %dma_wait3A_99] : memref<10112x64xf32, #tpu.memory_space<vmem_shared>> -> memref<128x64xf32, #tpu.memory_space<vmem_shared>>
      %dma_wait3A_101 = arith.constant 0 : i32
      %dma_wait3A_102 = tpu.memref_slice %arg11[%add3A_9, %dma_wait3A_101] : memref<10112x64xf32, #tpu.memory_space<vmem_shared>> -> memref<128x64xf32, #tpu.memory_space<vmem_shared>>
      tpu.wait_dma2 semaphore(%run_scoped3A_94 : memref<!tpu.dma_semaphore, #tpu.memory_space<semaphore_mem>>) src(%arg8 : memref<128x64xf32, #tpu.memory_space<vmem>>) dst(%dma_wait3A_102 : memref<128x64xf32, #tpu.memory_space<vmem_shared>>)
      tpu.yield
    }) : () -> ()
    %add3A_10 = arith.constant 256 : i32
    %add3A_11 = arith.addi %mul3A_6, %add3A_10 : i32
    "tpu.region"() ({
      %run_scoped3A_94 = tpu.sem_alloc : memref<!tpu.dma_semaphore, #tpu.memory_space<semaphore_mem>>
      %dma_start3A_95 = arith.constant 0 : i32
      %dma_start3A_96 = tpu.memref_slice %arg11[%add3A_11, %dma_start3A_95] : memref<10112x64xf32, #tpu.memory_space<vmem_shared>> -> memref<128x64xf32, #tpu.memory_space<vmem_shared>>
      %dma_start3A_97 = arith.constant 0 : i32
      %dma_start3A_98 = tpu.memref_slice %arg11[%add3A_11, %dma_start3A_97] : memref<10112x64xf32, #tpu.memory_space<vmem_shared>> -> memref<128x64xf32, #tpu.memory_space<vmem_shared>>
      tpu.enqueue_dma source(%arg8 : memref<128x64xf32, #tpu.memory_space<vmem>>) target(%dma_start3A_98 : memref<128x64xf32, #tpu.memory_space<vmem_shared>>) target_semaphore(%run_scoped3A_94 : memref<!tpu.dma_semaphore, #tpu.memory_space<semaphore_mem>>)
      %dma_wait3A_99 = arith.constant 0 : i32
      %dma_wait3A_100 = tpu.memref_slice %arg11[%add3A_11, %dma_wait3A_99] : memref<10112x64xf32, #tpu.memory_space<vmem_shared>> -> memref<128x64xf32, #tpu.memory_space<vmem_shared>>
      %dma_wait3A_101 = arith.constant 0 : i32
      %dma_wait3A_102 = tpu.memref_slice %arg11[%add3A_11, %dma_wait3A_101] : memref<10112x64xf32, #tpu.memory_space<vmem_shared>> -> memref<128x64xf32, #tpu.memory_space<vmem_shared>>
      tpu.wait_dma2 semaphore(%run_scoped3A_94 : memref<!tpu.dma_semaphore, #tpu.memory_space<semaphore_mem>>) src(%arg8 : memref<128x64xf32, #tpu.memory_space<vmem>>) dst(%dma_wait3A_102 : memref<128x64xf32, #tpu.memory_space<vmem_shared>>)
      tpu.yield
    }) : () -> ()
    %add3A_12 = arith.constant 384 : i32
    %add3A_13 = arith.addi %mul3A_6, %add3A_12 : i32
    "tpu.region"() ({
      %run_scoped3A_94 = tpu.sem_alloc : memref<!tpu.dma_semaphore, #tpu.memory_space<semaphore_mem>>
      %dma_start3A_95 = arith.constant 0 : i32
      %dma_start3A_96 = tpu.memref_slice %arg11[%add3A_13, %dma_start3A_95] : memref<10112x64xf32, #tpu.memory_space<vmem_shared>> -> memref<128x64xf32, #tpu.memory_space<vmem_shared>>
      %dma_start3A_97 = arith.constant 0 : i32
      %dma_start3A_98 = tpu.memref_slice %arg11[%add3A_13, %dma_start3A_97] : memref<10112x64xf32, #tpu.memory_space<vmem_shared>> -> memref<128x64xf32, #tpu.memory_space<vmem_shared>>
      tpu.enqueue_dma source(%arg8 : memref<128x64xf32, #tpu.memory_space<vmem>>) target(%dma_start3A_98 : memref<128x64xf32, #tpu.memory_space<vmem_shared>>) target_semaphore(%run_scoped3A_94 : memref<!tpu.dma_semaphore, #tpu.memory_space<semaphore_mem>>)
      %dma_wait3A_99 = arith.constant 0 : i32
      %dma_wait3A_100 = tpu.memref_slice %arg11[%add3A_13, %dma_wait3A_99] : memref<10112x64xf32, #tpu.memory_space<vmem_shared>> -> memref<128x64xf32, #tpu.memory_space<vmem_shared>>
      %dma_wait3A_101 = arith.constant 0 : i32
      %dma_wait3A_102 = tpu.memref_slice %arg11[%add3A_13, %dma_wait3A_101] : memref<10112x64xf32, #tpu.memory_space<vmem_shared>> -> memref<128x64xf32, #tpu.memory_space<vmem_shared>>
      tpu.wait_dma2 semaphore(%run_scoped3A_94 : memref<!tpu.dma_semaphore, #tpu.memory_space<semaphore_mem>>) src(%arg8 : memref<128x64xf32, #tpu.memory_space<vmem>>) dst(%dma_wait3A_102 : memref<128x64xf32, #tpu.memory_space<vmem_shared>>)
      tpu.yield
    }) : () -> ()
    %add3A_14 = arith.constant 512 : i32
    %add3A_15 = arith.addi %mul3A_6, %add3A_14 : i32
    "tpu.region"() ({
      %run_scoped3A_94 = tpu.sem_alloc : memref<!tpu.dma_semaphore, #tpu.memory_space<semaphore_mem>>
      %dma_start3A_95 = arith.constant 0 : i32
      %dma_start3A_96 = arith.constant 0 : i32
      %dma_start3A_97 = tpu.memref_slice %arg8[%dma_start3A_95, %dma_start3A_96] : memref<128x64xf32, #tpu.memory_space<vmem>> -> memref<120x64xf32, #tpu.memory_space<vmem>>
      %dma_start3A_98 = arith.constant 0 : i32
      %dma_start3A_99 = tpu.memref_slice %arg11[%add3A_15, %dma_start3A_98] : memref<10112x64xf32, #tpu.memory_space<vmem_shared>> -> memref<120x64xf32, #tpu.memory_space<vmem_shared>>
      %dma_start3A_100 = arith.constant 0 : i32
      %dma_start3A_101 = tpu.memref_slice %arg11[%add3A_15, %dma_start3A_100] : memref<10112x64xf32, #tpu.memory_space<vmem_shared>> -> memref<120x64xf32, #tpu.memory_space<vmem_shared>>
      %dma_start3A_102 = arith.constant 0 : i32
      %dma_start3A_103 = arith.constant 0 : i32
      %dma_start3A_104 = tpu.memref_slice %arg8[%dma_start3A_102, %dma_start3A_103] : memref<128x64xf32, #tpu.memory_space<vmem>> -> memref<120x64xf32, #tpu.memory_space<vmem>>
      tpu.enqueue_dma source(%dma_start3A_104 : memref<120x64xf32, #tpu.memory_space<vmem>>) target(%dma_start3A_101 : memref<120x64xf32, #tpu.memory_space<vmem_shared>>) target_semaphore(%run_scoped3A_94 : memref<!tpu.dma_semaphore, #tpu.memory_space<semaphore_mem>>)
      %dma_wait3A_105 = arith.constant 0 : i32
      %dma_wait3A_106 = arith.constant 0 : i32
      %dma_wait3A_107 = tpu.memref_slice %arg8[%dma_wait3A_105, %dma_wait3A_106] : memref<128x64xf32, #tpu.memory_space<vmem>> -> memref<120x64xf32, #tpu.memory_space<vmem>>
      %dma_wait3A_108 = arith.constant 0 : i32
      %dma_wait3A_109 = tpu.memref_slice %arg11[%add3A_15, %dma_wait3A_108] : memref<10112x64xf32, #tpu.memory_space<vmem_shared>> -> memref<120x64xf32, #tpu.memory_space<vmem_shared>>
      %dma_wait3A_110 = arith.constant 0 : i32
      %dma_wait3A_111 = tpu.memref_slice %arg11[%add3A_15, %dma_wait3A_110] : memref<10112x64xf32, #tpu.memory_space<vmem_shared>> -> memref<120x64xf32, #tpu.memory_space<vmem_shared>>
      %dma_wait3A_112 = arith.constant 0 : i32
      %dma_wait3A_113 = arith.constant 0 : i32
      %dma_wait3A_114 = tpu.memref_slice %arg8[%dma_wait3A_112, %dma_wait3A_113] : memref<128x64xf32, #tpu.memory_space<vmem>> -> memref<120x64xf32, #tpu.memory_space<vmem>>
      tpu.wait_dma2 semaphore(%run_scoped3A_94 : memref<!tpu.dma_semaphore, #tpu.memory_space<semaphore_mem>>) src(%dma_wait3A_114 : memref<120x64xf32, #tpu.memory_space<vmem>>) dst(%dma_wait3A_111 : memref<120x64xf32, #tpu.memory_space<vmem_shared>>)
      tpu.yield
    }) : () -> ()
    %mul3A_16 = arith.constant 625 : i32
    %mul3A_17 = arith.muli %arg1, %mul3A_16 : i32
    %mul3A_18 = arith.constant 64 : i32
    %mul3A_19 = arith.muli %arg0, %mul3A_18 : i32
    "tpu.region"() ({
      %run_scoped3A_94 = tpu.sem_alloc : memref<!tpu.dma_semaphore, #tpu.memory_space<semaphore_mem>>
      %dma_start3A_95 = arith.constant 0 : i32
      %dma_start3A_96 = tpu.memref_slice %arg10[%mul3A_17, %dma_start3A_95] : memref<10000x64xf32, #tpu.memory_space<vmem_shared>> -> memref<625x64xf32, #tpu.memory_space<vmem_shared>>
      %dma_start3A_97 = tpu.memref_slice %arg2[%mul3A_17, %mul3A_19] : memref<10000x128xf32, #tpu.memory_space<hbm>> -> memref<625x64xf32, #tpu.memory_space<hbm>>
      tpu.enqueue_dma source(%dma_start3A_97 : memref<625x64xf32, #tpu.memory_space<hbm>>) target(%dma_start3A_96 : memref<625x64xf32, #tpu.memory_space<vmem_shared>>) target_semaphore(%run_scoped3A_94 : memref<!tpu.dma_semaphore, #tpu.memory_space<semaphore_mem>>)
      %dma_wait3A_98 = arith.constant 0 : i32
      %dma_wait3A_99 = tpu.memref_slice %arg10[%mul3A_17, %dma_wait3A_98] : memref<10000x64xf32, #tpu.memory_space<vmem_shared>> -> memref<625x64xf32, #tpu.memory_space<vmem_shared>>
      %dma_wait3A_100 = tpu.memref_slice %arg2[%mul3A_17, %mul3A_19] : memref<10000x128xf32, #tpu.memory_space<hbm>> -> memref<625x64xf32, #tpu.memory_space<hbm>>
      tpu.wait_dma2 semaphore(%run_scoped3A_94 : memref<!tpu.dma_semaphore, #tpu.memory_space<semaphore_mem>>) src(%dma_wait3A_100 : memref<625x64xf32, #tpu.memory_space<hbm>>) dst(%dma_wait3A_99 : memref<625x64xf32, #tpu.memory_space<vmem_shared>>)
      tpu.yield
    }) : () -> ()
    %barrier3A = arith.constant 0 : index
    tpu.barrier barrier_id(%barrier3A)
    "tpu.trace_stop"() : () -> ()
    "tpu.trace_start"() <{level = 10 : i32, message = "edges"}> : () -> ()
    %mul3A_20 = arith.constant 160 : i32
    %mul3A_21 = arith.muli %arg1, %mul3A_20 : i32
    %add3A_22 = arith.constant 0 : i32
    %add3A_23 = arith.addi %mul3A_21, %add3A_22 : i32
    "tpu.region"() ({
      %run_scoped3A_94 = tpu.sem_alloc : memref<!tpu.dma_semaphore, #tpu.memory_space<semaphore_mem>>
      %dma_start3A_95 = arith.constant 0 : i32
      %dma_start3A_96 = tpu.memref_slice %arg3[%add3A_23, %dma_start3A_95] : memref<2560x128xi32, #tpu.memory_space<hbm>> -> memref<80x128xi32, #tpu.memory_space<hbm>>
      %dma_start3A_97 = arith.constant 0 : i32
      %dma_start3A_98 = tpu.memref_slice %arg3[%add3A_23, %dma_start3A_97] : memref<2560x128xi32, #tpu.memory_space<hbm>> -> memref<80x128xi32, #tpu.memory_space<hbm>>
      tpu.enqueue_dma source(%dma_start3A_98 : memref<80x128xi32, #tpu.memory_space<hbm>>) target(%arg6 : memref<80x128xi32, #tpu.memory_space<vmem>>) target_semaphore(%run_scoped3A_94 : memref<!tpu.dma_semaphore, #tpu.memory_space<semaphore_mem>>)
      %dma_wait3A_99 = arith.constant 0 : i32
      %dma_wait3A_100 = tpu.memref_slice %arg3[%add3A_23, %dma_wait3A_99] : memref<2560x128xi32, #tpu.memory_space<hbm>> -> memref<80x128xi32, #tpu.memory_space<hbm>>
      %dma_wait3A_101 = arith.constant 0 : i32
      %dma_wait3A_102 = tpu.memref_slice %arg3[%add3A_23, %dma_wait3A_101] : memref<2560x128xi32, #tpu.memory_space<hbm>> -> memref<80x128xi32, #tpu.memory_space<hbm>>
      tpu.wait_dma2 semaphore(%run_scoped3A_94 : memref<!tpu.dma_semaphore, #tpu.memory_space<semaphore_mem>>) src(%dma_wait3A_102 : memref<80x128xi32, #tpu.memory_space<hbm>>) dst(%arg6 : memref<80x128xi32, #tpu.memory_space<vmem>>)
      tpu.yield
    }) : () -> ()
    "tpu.region"() ({
      %run_scoped3A_94 = tpu.sem_alloc : memref<!tpu.dma_semaphore, #tpu.memory_space<semaphore_mem>>
      %dma_start3A_95 = arith.constant 0 : i32
      %dma_start3A_96 = tpu.memref_slice %arg4[%add3A_23, %dma_start3A_95] : memref<2560x128xi32, #tpu.memory_space<hbm>> -> memref<80x128xi32, #tpu.memory_space<hbm>>
      %dma_start3A_97 = arith.constant 0 : i32
      %dma_start3A_98 = tpu.memref_slice %arg4[%add3A_23, %dma_start3A_97] : memref<2560x128xi32, #tpu.memory_space<hbm>> -> memref<80x128xi32, #tpu.memory_space<hbm>>
      tpu.enqueue_dma source(%dma_start3A_98 : memref<80x128xi32, #tpu.memory_space<hbm>>) target(%arg7 : memref<80x128xi32, #tpu.memory_space<vmem>>) target_semaphore(%run_scoped3A_94 : memref<!tpu.dma_semaphore, #tpu.memory_space<semaphore_mem>>)
      %dma_wait3A_99 = arith.constant 0 : i32
      %dma_wait3A_100 = tpu.memref_slice %arg4[%add3A_23, %dma_wait3A_99] : memref<2560x128xi32, #tpu.memory_space<hbm>> -> memref<80x128xi32, #tpu.memory_space<hbm>>
      %dma_wait3A_101 = arith.constant 0 : i32
      %dma_wait3A_102 = tpu.memref_slice %arg4[%add3A_23, %dma_wait3A_101] : memref<2560x128xi32, #tpu.memory_space<hbm>> -> memref<80x128xi32, #tpu.memory_space<hbm>>
      tpu.wait_dma2 semaphore(%run_scoped3A_94 : memref<!tpu.dma_semaphore, #tpu.memory_space<semaphore_mem>>) src(%dma_wait3A_102 : memref<80x128xi32, #tpu.memory_space<hbm>>) dst(%arg7 : memref<80x128xi32, #tpu.memory_space<vmem>>)
      tpu.yield
    }) : () -> ()
    %dma_start3A = arith.constant 0 : i32
    %dma_start3A_24 = arith.constant 0 : i32
    %dma_start3A_25 = tpu.memref_slice %arg6[%dma_start3A, %dma_start3A_24] : memref<80x128xi32, #tpu.memory_space<vmem>> -> memref<1x128xi32, #tpu.memory_space<vmem>>
    %dma_start3A_26 = tpu.memref_squeeze %dma_start3A_25 : memref<1x128xi32, #tpu.memory_space<vmem>> -> memref<128xi32, #tpu.memory_space<vmem>>
    %dma_start3A_27 = arith.constant 0 : i32
    %dma_start3A_28 = arith.constant 0 : i32
    %dma_start3A_29 = tpu.memref_slice %arg10[%dma_start3A_27, %dma_start3A_28] : memref<10000x64xf32, #tpu.memory_space<vmem_shared>> -> memref<10000x64xf32, #tpu.memory_space<vmem_shared>>
    tpu.enqueue_indirect_dma source(%dma_start3A_29 : memref<10000x64xf32, #tpu.memory_space<vmem_shared>>) target(%arg8 : memref<128x64xf32, #tpu.memory_space<vmem>>) offsets(%dma_start3A_26 : memref<128xi32, #tpu.memory_space<vmem>>) semaphore(%arg12 : memref<!tpu.dma_semaphore, #tpu.memory_space<semaphore_mem>>)
    %dma_start3A_30 = arith.constant 1 : i32
    %dma_start3A_31 = arith.constant 0 : i32
    %dma_start3A_32 = tpu.memref_slice %arg6[%dma_start3A_30, %dma_start3A_31] : memref<80x128xi32, #tpu.memory_space<vmem>> -> memref<1x128xi32, #tpu.memory_space<vmem>>
    %dma_start3A_33 = tpu.memref_squeeze %dma_start3A_32 : memref<1x128xi32, #tpu.memory_space<vmem>> -> memref<128xi32, #tpu.memory_space<vmem>>
    %dma_start3A_34 = arith.constant 0 : i32
    %dma_start3A_35 = arith.constant 0 : i32
    %dma_start3A_36 = tpu.memref_slice %arg10[%dma_start3A_34, %dma_start3A_35] : memref<10000x64xf32, #tpu.memory_space<vmem_shared>> -> memref<10000x64xf32, #tpu.memory_space<vmem_shared>>
    tpu.enqueue_indirect_dma source(%dma_start3A_36 : memref<10000x64xf32, #tpu.memory_space<vmem_shared>>) target(%arg9 : memref<128x64xf32, #tpu.memory_space<vmem>>) offsets(%dma_start3A_33 : memref<128xi32, #tpu.memory_space<vmem>>) semaphore(%arg13 : memref<!tpu.dma_semaphore, #tpu.memory_space<semaphore_mem>>)
    %scan3A_37 = arith.constant 0 : i32
    %scan3A_38 = arith.constant 0 : i32
    %scan3A_39 = arith.constant 39 : i32
    %scan3A_40 = arith.addi %scan3A_38, %scan3A_39 : i32
    %scan3A_41 = arith.constant 1 : i32
    scf.for %scan3A_94 = %scan3A_38 to %scan3A_40 step %scan3A_41  : i32 {
      %mul3A_95 = arith.constant 2 : i32
      %mul3A_96 = arith.muli %scan3A_94, %mul3A_95 : i32
      %dma_wait3A_97 = arith.constant 0 : i32
      %dma_wait3A_98 = arith.constant 0 : i32
      %dma_wait3A_99 = tpu.memref_slice %arg10[%dma_wait3A_97, %dma_wait3A_98] : memref<10000x64xf32, #tpu.memory_space<vmem_shared>> -> memref<128x64xf32, #tpu.memory_space<vmem_shared>>
      %dma_wait3A_100 = arith.constant 0 : i32
      %dma_wait3A_101 = arith.constant 0 : i32
      %dma_wait3A_102 = tpu.memref_slice %arg10[%dma_wait3A_100, %dma_wait3A_101] : memref<10000x64xf32, #tpu.memory_space<vmem_shared>> -> memref<128x64xf32, #tpu.memory_space<vmem_shared>>
      tpu.wait_dma2 semaphore(%arg12 : memref<!tpu.dma_semaphore, #tpu.memory_space<semaphore_mem>>) src(%dma_wait3A_102 : memref<128x64xf32, #tpu.memory_space<vmem_shared>>) dst(%arg8 : memref<128x64xf32, #tpu.memory_space<vmem>>)
      %add3A_103 = arith.constant 0 : i32
      %add3A_104 = arith.addi %mul3A_96, %add3A_103 : i32
      "tpu.region"() ({
        %run_scoped3A_133 = tpu.sem_alloc : memref<!tpu.dma_semaphore, #tpu.memory_space<semaphore_mem>>
        %dma_start3A_134 = arith.constant 0 : i32
        %dma_start3A_135 = tpu.memref_slice %arg7[%add3A_104, %dma_start3A_134] : memref<80x128xi32, #tpu.memory_space<vmem>> -> memref<1x128xi32, #tpu.memory_space<vmem>>
        %dma_start3A_136 = tpu.memref_squeeze %dma_start3A_135 : memref<1x128xi32, #tpu.memory_space<vmem>> -> memref<128xi32, #tpu.memory_space<vmem>>
        %dma_start3A_137 = arith.constant 0 : i32
        %dma_start3A_138 = arith.constant 0 : i32
        %dma_start3A_139 = tpu.memref_slice %arg11[%dma_start3A_137, %dma_start3A_138] : memref<10112x64xf32, #tpu.memory_space<vmem_shared>> -> memref<10112x64xf32, #tpu.memory_space<vmem_shared>>
        tpu.enqueue_indirect_dma source(%arg8 : memref<128x64xf32, #tpu.memory_space<vmem>>) target(%dma_start3A_139 : memref<10112x64xf32, #tpu.memory_space<vmem_shared>>) offsets(%dma_start3A_136 : memref<128xi32, #tpu.memory_space<vmem>>) semaphore(%run_scoped3A_133 : memref<!tpu.dma_semaphore, #tpu.memory_space<semaphore_mem>>) {add = true}
        %dma_wait3A_140 = arith.constant 0 : i32
        %dma_wait3A_141 = tpu.memref_slice %arg7[%add3A_104, %dma_wait3A_140] : memref<80x128xi32, #tpu.memory_space<vmem>> -> memref<1x128xi32, #tpu.memory_space<vmem>>
        %dma_wait3A_142 = tpu.memref_squeeze %dma_wait3A_141 : memref<1x128xi32, #tpu.memory_space<vmem>> -> memref<128xi32, #tpu.memory_space<vmem>>
        %dma_wait3A_143 = arith.constant 0 : i32
        %dma_wait3A_144 = arith.constant 0 : i32
        %dma_wait3A_145 = tpu.memref_slice %arg11[%dma_wait3A_143, %dma_wait3A_144] : memref<10112x64xf32, #tpu.memory_space<vmem_shared>> -> memref<10112x64xf32, #tpu.memory_space<vmem_shared>>
        tpu.wait_indirect_dma semaphore(%run_scoped3A_133 : memref<!tpu.dma_semaphore, #tpu.memory_space<semaphore_mem>>) src(%arg8 : memref<128x64xf32, #tpu.memory_space<vmem>>) dst(%dma_wait3A_145 : memref<10112x64xf32, #tpu.memory_space<vmem_shared>>)
        tpu.yield
      }) : () -> ()
      %add3A_105 = arith.constant 0 : i32
      %add3A_106 = arith.addi %mul3A_96, %add3A_105 : i32
      %add3A_107 = arith.constant 2 : i32
      %add3A_108 = arith.addi %add3A_106, %add3A_107 : i32
      %dma_start3A_109 = arith.constant 0 : i32
      %dma_start3A_110 = tpu.memref_slice %arg6[%add3A_108, %dma_start3A_109] : memref<80x128xi32, #tpu.memory_space<vmem>> -> memref<1x128xi32, #tpu.memory_space<vmem>>
      %dma_start3A_111 = tpu.memref_squeeze %dma_start3A_110 : memref<1x128xi32, #tpu.memory_space<vmem>> -> memref<128xi32, #tpu.memory_space<vmem>>
      %dma_start3A_112 = arith.constant 0 : i32
      %dma_start3A_113 = arith.constant 0 : i32
      %dma_start3A_114 = tpu.memref_slice %arg10[%dma_start3A_112, %dma_start3A_113] : memref<10000x64xf32, #tpu.memory_space<vmem_shared>> -> memref<10000x64xf32, #tpu.memory_space<vmem_shared>>
      tpu.enqueue_indirect_dma source(%dma_start3A_114 : memref<10000x64xf32, #tpu.memory_space<vmem_shared>>) target(%arg8 : memref<128x64xf32, #tpu.memory_space<vmem>>) offsets(%dma_start3A_111 : memref<128xi32, #tpu.memory_space<vmem>>) semaphore(%arg12 : memref<!tpu.dma_semaphore, #tpu.memory_space<semaphore_mem>>)
      %dma_wait3A_115 = arith.constant 0 : i32
      %dma_wait3A_116 = arith.constant 0 : i32
      %dma_wait3A_117 = tpu.memref_slice %arg10[%dma_wait3A_115, %dma_wait3A_116] : memref<10000x64xf32, #tpu.memory_space<vmem_shared>> -> memref<128x64xf32, #tpu.memory_space<vmem_shared>>
      %dma_wait3A_118 = arith.constant 0 : i32
      %dma_wait3A_119 = arith.constant 0 : i32
      %dma_wait3A_120 = tpu.memref_slice %arg10[%dma_wait3A_118, %dma_wait3A_119] : memref<10000x64xf32, #tpu.memory_space<vmem_shared>> -> memref<128x64xf32, #tpu.memory_space<vmem_shared>>
      tpu.wait_dma2 semaphore(%arg13 : memref<!tpu.dma_semaphore, #tpu.memory_space<semaphore_mem>>) src(%dma_wait3A_120 : memref<128x64xf32, #tpu.memory_space<vmem_shared>>) dst(%arg9 : memref<128x64xf32, #tpu.memory_space<vmem>>)
      %add3A_121 = arith.constant 1 : i32
      %add3A_122 = arith.addi %mul3A_96, %add3A_121 : i32
      "tpu.region"() ({
        %run_scoped3A_133 = tpu.sem_alloc : memref<!tpu.dma_semaphore, #tpu.memory_space<semaphore_mem>>
        %dma_start3A_134 = arith.constant 0 : i32
        %dma_start3A_135 = tpu.memref_slice %arg7[%add3A_122, %dma_start3A_134] : memref<80x128xi32, #tpu.memory_space<vmem>> -> memref<1x128xi32, #tpu.memory_space<vmem>>
        %dma_start3A_136 = tpu.memref_squeeze %dma_start3A_135 : memref<1x128xi32, #tpu.memory_space<vmem>> -> memref<128xi32, #tpu.memory_space<vmem>>
        %dma_start3A_137 = arith.constant 0 : i32
        %dma_start3A_138 = arith.constant 0 : i32
        %dma_start3A_139 = tpu.memref_slice %arg11[%dma_start3A_137, %dma_start3A_138] : memref<10112x64xf32, #tpu.memory_space<vmem_shared>> -> memref<10112x64xf32, #tpu.memory_space<vmem_shared>>
        tpu.enqueue_indirect_dma source(%arg9 : memref<128x64xf32, #tpu.memory_space<vmem>>) target(%dma_start3A_139 : memref<10112x64xf32, #tpu.memory_space<vmem_shared>>) offsets(%dma_start3A_136 : memref<128xi32, #tpu.memory_space<vmem>>) semaphore(%run_scoped3A_133 : memref<!tpu.dma_semaphore, #tpu.memory_space<semaphore_mem>>) {add = true}
        %dma_wait3A_140 = arith.constant 0 : i32
        %dma_wait3A_141 = tpu.memref_slice %arg7[%add3A_122, %dma_wait3A_140] : memref<80x128xi32, #tpu.memory_space<vmem>> -> memref<1x128xi32, #tpu.memory_space<vmem>>
        %dma_wait3A_142 = tpu.memref_squeeze %dma_wait3A_141 : memref<1x128xi32, #tpu.memory_space<vmem>> -> memref<128xi32, #tpu.memory_space<vmem>>
        %dma_wait3A_143 = arith.constant 0 : i32
        %dma_wait3A_144 = arith.constant 0 : i32
        %dma_wait3A_145 = tpu.memref_slice %arg11[%dma_wait3A_143, %dma_wait3A_144] : memref<10112x64xf32, #tpu.memory_space<vmem_shared>> -> memref<10112x64xf32, #tpu.memory_space<vmem_shared>>
        tpu.wait_indirect_dma semaphore(%run_scoped3A_133 : memref<!tpu.dma_semaphore, #tpu.memory_space<semaphore_mem>>) src(%arg9 : memref<128x64xf32, #tpu.memory_space<vmem>>) dst(%dma_wait3A_145 : memref<10112x64xf32, #tpu.memory_space<vmem_shared>>)
        tpu.yield
      }) : () -> ()
      %add3A_123 = arith.constant 1 : i32
      %add3A_124 = arith.addi %mul3A_96, %add3A_123 : i32
      %add3A_125 = arith.constant 2 : i32
      %add3A_126 = arith.addi %add3A_124, %add3A_125 : i32
      %dma_start3A_127 = arith.constant 0 : i32
      %dma_start3A_128 = tpu.memref_slice %arg6[%add3A_126, %dma_start3A_127] : memref<80x128xi32, #tpu.memory_space<vmem>> -> memref<1x128xi32, #tpu.memory_space<vmem>>
      %dma_start3A_129 = tpu.memref_squeeze %dma_start3A_128 : memref<1x128xi32, #tpu.memory_space<vmem>> -> memref<128xi32, #tpu.memory_space<vmem>>
      %dma_start3A_130 = arith.constant 0 : i32
      %dma_start3A_131 = arith.constant 0 : i32
      %dma_start3A_132 = tpu.memref_slice %arg10[%dma_start3A_130, %dma_start3A_131] : memref<10000x64xf32, #tpu.memory_space<vmem_shared>> -> memref<10000x64xf32, #tpu.memory_space<vmem_shared>>
      tpu.enqueue_indirect_dma source(%dma_start3A_132 : memref<10000x64xf32, #tpu.memory_space<vmem_shared>>) target(%arg9 : memref<128x64xf32, #tpu.memory_space<vmem>>) offsets(%dma_start3A_129 : memref<128xi32, #tpu.memory_space<vmem>>) semaphore(%arg13 : memref<!tpu.dma_semaphore, #tpu.memory_space<semaphore_mem>>)
    }
    %scan3A_42 = arith.constant 39 : i32
    %dma_wait3A = arith.constant 0 : i32
    %dma_wait3A_43 = arith.constant 0 : i32
    %dma_wait3A_44 = tpu.memref_slice %arg10[%dma_wait3A, %dma_wait3A_43] : memref<10000x64xf32, #tpu.memory_space<vmem_shared>> -> memref<128x64xf32, #tpu.memory_space<vmem_shared>>
    %dma_wait3A_45 = arith.constant 0 : i32
    %dma_wait3A_46 = arith.constant 0 : i32
    %dma_wait3A_47 = tpu.memref_slice %arg10[%dma_wait3A_45, %dma_wait3A_46] : memref<10000x64xf32, #tpu.memory_space<vmem_shared>> -> memref<128x64xf32, #tpu.memory_space<vmem_shared>>
    tpu.wait_dma2 semaphore(%arg12 : memref<!tpu.dma_semaphore, #tpu.memory_space<semaphore_mem>>) src(%dma_wait3A_47 : memref<128x64xf32, #tpu.memory_space<vmem_shared>>) dst(%arg8 : memref<128x64xf32, #tpu.memory_space<vmem>>)
    %run_scoped3A = arith.constant 78 : i32
    "tpu.region"() ({
      %run_scoped3A_94 = tpu.sem_alloc : memref<!tpu.dma_semaphore, #tpu.memory_space<semaphore_mem>>
      %dma_start3A_95 = arith.constant 0 : i32
      %dma_start3A_96 = tpu.memref_slice %arg7[%run_scoped3A, %dma_start3A_95] : memref<80x128xi32, #tpu.memory_space<vmem>> -> memref<1x128xi32, #tpu.memory_space<vmem>>
      %dma_start3A_97 = tpu.memref_squeeze %dma_start3A_96 : memref<1x128xi32, #tpu.memory_space<vmem>> -> memref<128xi32, #tpu.memory_space<vmem>>
      %dma_start3A_98 = arith.constant 0 : i32
      %dma_start3A_99 = arith.constant 0 : i32
      %dma_start3A_100 = tpu.memref_slice %arg11[%dma_start3A_98, %dma_start3A_99] : memref<10112x64xf32, #tpu.memory_space<vmem_shared>> -> memref<10112x64xf32, #tpu.memory_space<vmem_shared>>
      tpu.enqueue_indirect_dma source(%arg8 : memref<128x64xf32, #tpu.memory_space<vmem>>) target(%dma_start3A_100 : memref<10112x64xf32, #tpu.memory_space<vmem_shared>>) offsets(%dma_start3A_97 : memref<128xi32, #tpu.memory_space<vmem>>) semaphore(%run_scoped3A_94 : memref<!tpu.dma_semaphore, #tpu.memory_space<semaphore_mem>>) {add = true}
      %dma_wait3A_101 = arith.constant 0 : i32
      %dma_wait3A_102 = tpu.memref_slice %arg7[%run_scoped3A, %dma_wait3A_101] : memref<80x128xi32, #tpu.memory_space<vmem>> -> memref<1x128xi32, #tpu.memory_space<vmem>>
      %dma_wait3A_103 = tpu.memref_squeeze %dma_wait3A_102 : memref<1x128xi32, #tpu.memory_space<vmem>> -> memref<128xi32, #tpu.memory_space<vmem>>
      %dma_wait3A_104 = arith.constant 0 : i32
      %dma_wait3A_105 = arith.constant 0 : i32
      %dma_wait3A_106 = tpu.memref_slice %arg11[%dma_wait3A_104, %dma_wait3A_105] : memref<10112x64xf32, #tpu.memory_space<vmem_shared>> -> memref<10112x64xf32, #tpu.memory_space<vmem_shared>>
      tpu.wait_indirect_dma semaphore(%run_scoped3A_94 : memref<!tpu.dma_semaphore, #tpu.memory_space<semaphore_mem>>) src(%arg8 : memref<128x64xf32, #tpu.memory_space<vmem>>) dst(%dma_wait3A_106 : memref<10112x64xf32, #tpu.memory_space<vmem_shared>>)
      tpu.yield
    }) : () -> ()
    %dma_wait3A_48 = arith.constant 0 : i32
    %dma_wait3A_49 = arith.constant 0 : i32
    %dma_wait3A_50 = tpu.memref_slice %arg10[%dma_wait3A_48, %dma_wait3A_49] : memref<10000x64xf32, #tpu.memory_space<vmem_shared>> -> memref<128x64xf32, #tpu.memory_space<vmem_shared>>
    %dma_wait3A_51 = arith.constant 0 : i32
    %dma_wait3A_52 = arith.constant 0 : i32
    %dma_wait3A_53 = tpu.memref_slice %arg10[%dma_wait3A_51, %dma_wait3A_52] : memref<10000x64xf32, #tpu.memory_space<vmem_shared>> -> memref<128x64xf32, #tpu.memory_space<vmem_shared>>
    tpu.wait_dma2 semaphore(%arg13 : memref<!tpu.dma_semaphore, #tpu.memory_space<semaphore_mem>>) src(%dma_wait3A_53 : memref<128x64xf32, #tpu.memory_space<vmem_shared>>) dst(%arg9 : memref<128x64xf32, #tpu.memory_space<vmem>>)
    %run_scoped3A_54 = arith.constant 79 : i32
    "tpu.region"() ({
      %run_scoped3A_94 = tpu.sem_alloc : memref<!tpu.dma_semaphore, #tpu.memory_space<semaphore_mem>>
      %dma_start3A_95 = arith.constant 0 : i32
      %dma_start3A_96 = tpu.memref_slice %arg7[%run_scoped3A_54, %dma_start3A_95] : memref<80x128xi32, #tpu.memory_space<vmem>> -> memref<1x128xi32, #tpu.memory_space<vmem>>
      %dma_start3A_97 = tpu.memref_squeeze %dma_start3A_96 : memref<1x128xi32, #tpu.memory_space<vmem>> -> memref<128xi32, #tpu.memory_space<vmem>>
      %dma_start3A_98 = arith.constant 0 : i32
      %dma_start3A_99 = arith.constant 0 : i32
      %dma_start3A_100 = tpu.memref_slice %arg11[%dma_start3A_98, %dma_start3A_99] : memref<10112x64xf32, #tpu.memory_space<vmem_shared>> -> memref<10112x64xf32, #tpu.memory_space<vmem_shared>>
      tpu.enqueue_indirect_dma source(%arg9 : memref<128x64xf32, #tpu.memory_space<vmem>>) target(%dma_start3A_100 : memref<10112x64xf32, #tpu.memory_space<vmem_shared>>) offsets(%dma_start3A_97 : memref<128xi32, #tpu.memory_space<vmem>>) semaphore(%run_scoped3A_94 : memref<!tpu.dma_semaphore, #tpu.memory_space<semaphore_mem>>) {add = true}
      %dma_wait3A_101 = arith.constant 0 : i32
      %dma_wait3A_102 = tpu.memref_slice %arg7[%run_scoped3A_54, %dma_wait3A_101] : memref<80x128xi32, #tpu.memory_space<vmem>> -> memref<1x128xi32, #tpu.memory_space<vmem>>
      %dma_wait3A_103 = tpu.memref_squeeze %dma_wait3A_102 : memref<1x128xi32, #tpu.memory_space<vmem>> -> memref<128xi32, #tpu.memory_space<vmem>>
      %dma_wait3A_104 = arith.constant 0 : i32
      %dma_wait3A_105 = arith.constant 0 : i32
      %dma_wait3A_106 = tpu.memref_slice %arg11[%dma_wait3A_104, %dma_wait3A_105] : memref<10112x64xf32, #tpu.memory_space<vmem_shared>> -> memref<10112x64xf32, #tpu.memory_space<vmem_shared>>
      tpu.wait_indirect_dma semaphore(%run_scoped3A_94 : memref<!tpu.dma_semaphore, #tpu.memory_space<semaphore_mem>>) src(%arg9 : memref<128x64xf32, #tpu.memory_space<vmem>>) dst(%dma_wait3A_106 : memref<10112x64xf32, #tpu.memory_space<vmem_shared>>)
      tpu.yield
    }) : () -> ()
    %mul3A_55 = arith.constant 160 : i32
    %mul3A_56 = arith.muli %arg1, %mul3A_55 : i32
    %add3A_57 = arith.constant 80 : i32
    %add3A_58 = arith.addi %mul3A_56, %add3A_57 : i32
    "tpu.region"() ({
      %run_scoped3A_94 = tpu.sem_alloc : memref<!tpu.dma_semaphore, #tpu.memory_space<semaphore_mem>>
      %dma_start3A_95 = arith.constant 0 : i32
      %dma_start3A_96 = tpu.memref_slice %arg3[%add3A_58, %dma_start3A_95] : memref<2560x128xi32, #tpu.memory_space<hbm>> -> memref<80x128xi32, #tpu.memory_space<hbm>>
      %dma_start3A_97 = arith.constant 0 : i32
      %dma_start3A_98 = tpu.memref_slice %arg3[%add3A_58, %dma_start3A_97] : memref<2560x128xi32, #tpu.memory_space<hbm>> -> memref<80x128xi32, #tpu.memory_space<hbm>>
      tpu.enqueue_dma source(%dma_start3A_98 : memref<80x128xi32, #tpu.memory_space<hbm>>) target(%arg6 : memref<80x128xi32, #tpu.memory_space<vmem>>) target_semaphore(%run_scoped3A_94 : memref<!tpu.dma_semaphore, #tpu.memory_space<semaphore_mem>>)
      %dma_wait3A_99 = arith.constant 0 : i32
      %dma_wait3A_100 = tpu.memref_slice %arg3[%add3A_58, %dma_wait3A_99] : memref<2560x128xi32, #tpu.memory_space<hbm>> -> memref<80x128xi32, #tpu.memory_space<hbm>>
      %dma_wait3A_101 = arith.constant 0 : i32
      %dma_wait3A_102 = tpu.memref_slice %arg3[%add3A_58, %dma_wait3A_101] : memref<2560x128xi32, #tpu.memory_space<hbm>> -> memref<80x128xi32, #tpu.memory_space<hbm>>
      tpu.wait_dma2 semaphore(%run_scoped3A_94 : memref<!tpu.dma_semaphore, #tpu.memory_space<semaphore_mem>>) src(%dma_wait3A_102 : memref<80x128xi32, #tpu.memory_space<hbm>>) dst(%arg6 : memref<80x128xi32, #tpu.memory_space<vmem>>)
      tpu.yield
    }) : () -> ()
    "tpu.region"() ({
      %run_scoped3A_94 = tpu.sem_alloc : memref<!tpu.dma_semaphore, #tpu.memory_space<semaphore_mem>>
      %dma_start3A_95 = arith.constant 0 : i32
      %dma_start3A_96 = tpu.memref_slice %arg4[%add3A_58, %dma_start3A_95] : memref<2560x128xi32, #tpu.memory_space<hbm>> -> memref<80x128xi32, #tpu.memory_space<hbm>>
      %dma_start3A_97 = arith.constant 0 : i32
      %dma_start3A_98 = tpu.memref_slice %arg4[%add3A_58, %dma_start3A_97] : memref<2560x128xi32, #tpu.memory_space<hbm>> -> memref<80x128xi32, #tpu.memory_space<hbm>>
      tpu.enqueue_dma source(%dma_start3A_98 : memref<80x128xi32, #tpu.memory_space<hbm>>) target(%arg7 : memref<80x128xi32, #tpu.memory_space<vmem>>) target_semaphore(%run_scoped3A_94 : memref<!tpu.dma_semaphore, #tpu.memory_space<semaphore_mem>>)
      %dma_wait3A_99 = arith.constant 0 : i32
      %dma_wait3A_100 = tpu.memref_slice %arg4[%add3A_58, %dma_wait3A_99] : memref<2560x128xi32, #tpu.memory_space<hbm>> -> memref<80x128xi32, #tpu.memory_space<hbm>>
      %dma_wait3A_101 = arith.constant 0 : i32
      %dma_wait3A_102 = tpu.memref_slice %arg4[%add3A_58, %dma_wait3A_101] : memref<2560x128xi32, #tpu.memory_space<hbm>> -> memref<80x128xi32, #tpu.memory_space<hbm>>
      tpu.wait_dma2 semaphore(%run_scoped3A_94 : memref<!tpu.dma_semaphore, #tpu.memory_space<semaphore_mem>>) src(%dma_wait3A_102 : memref<80x128xi32, #tpu.memory_space<hbm>>) dst(%arg7 : memref<80x128xi32, #tpu.memory_space<vmem>>)
      tpu.yield
    }) : () -> ()
    %dma_start3A_59 = arith.constant 0 : i32
    %dma_start3A_60 = arith.constant 0 : i32
    %dma_start3A_61 = tpu.memref_slice %arg6[%dma_start3A_59, %dma_start3A_60] : memref<80x128xi32, #tpu.memory_space<vmem>> -> memref<1x128xi32, #tpu.memory_space<vmem>>
    %dma_start3A_62 = tpu.memref_squeeze %dma_start3A_61 : memref<1x128xi32, #tpu.memory_space<vmem>> -> memref<128xi32, #tpu.memory_space<vmem>>
    %dma_start3A_63 = arith.constant 0 : i32
    %dma_start3A_64 = arith.constant 0 : i32
    %dma_start3A_65 = tpu.memref_slice %arg10[%dma_start3A_63, %dma_start3A_64] : memref<10000x64xf32, #tpu.memory_space<vmem_shared>> -> memref<10000x64xf32, #tpu.memory_space<vmem_shared>>
    tpu.enqueue_indirect_dma source(%dma_start3A_65 : memref<10000x64xf32, #tpu.memory_space<vmem_shared>>) target(%arg8 : memref<128x64xf32, #tpu.memory_space<vmem>>) offsets(%dma_start3A_62 : memref<128xi32, #tpu.memory_space<vmem>>) semaphore(%arg12 : memref<!tpu.dma_semaphore, #tpu.memory_space<semaphore_mem>>)
    %dma_start3A_66 = arith.constant 1 : i32
    %dma_start3A_67 = arith.constant 0 : i32
    %dma_start3A_68 = tpu.memref_slice %arg6[%dma_start3A_66, %dma_start3A_67] : memref<80x128xi32, #tpu.memory_space<vmem>> -> memref<1x128xi32, #tpu.memory_space<vmem>>
    %dma_start3A_69 = tpu.memref_squeeze %dma_start3A_68 : memref<1x128xi32, #tpu.memory_space<vmem>> -> memref<128xi32, #tpu.memory_space<vmem>>
    %dma_start3A_70 = arith.constant 0 : i32
    %dma_start3A_71 = arith.constant 0 : i32
    %dma_start3A_72 = tpu.memref_slice %arg10[%dma_start3A_70, %dma_start3A_71] : memref<10000x64xf32, #tpu.memory_space<vmem_shared>> -> memref<10000x64xf32, #tpu.memory_space<vmem_shared>>
    tpu.enqueue_indirect_dma source(%dma_start3A_72 : memref<10000x64xf32, #tpu.memory_space<vmem_shared>>) target(%arg9 : memref<128x64xf32, #tpu.memory_space<vmem>>) offsets(%dma_start3A_69 : memref<128xi32, #tpu.memory_space<vmem>>) semaphore(%arg13 : memref<!tpu.dma_semaphore, #tpu.memory_space<semaphore_mem>>)
    %scan3A_73 = arith.constant 0 : i32
    %scan3A_74 = arith.constant 0 : i32
    %scan3A_75 = arith.constant 39 : i32
    %scan3A_76 = arith.addi %scan3A_74, %scan3A_75 : i32
    %scan3A_77 = arith.constant 1 : i32
    scf.for %scan3A_94 = %scan3A_74 to %scan3A_76 step %scan3A_77  : i32 {
      %mul3A_95 = arith.constant 2 : i32
      %mul3A_96 = arith.muli %scan3A_94, %mul3A_95 : i32
      %dma_wait3A_97 = arith.constant 0 : i32
      %dma_wait3A_98 = arith.constant 0 : i32
      %dma_wait3A_99 = tpu.memref_slice %arg10[%dma_wait3A_97, %dma_wait3A_98] : memref<10000x64xf32, #tpu.memory_space<vmem_shared>> -> memref<128x64xf32, #tpu.memory_space<vmem_shared>>
      %dma_wait3A_100 = arith.constant 0 : i32
      %dma_wait3A_101 = arith.constant 0 : i32
      %dma_wait3A_102 = tpu.memref_slice %arg10[%dma_wait3A_100, %dma_wait3A_101] : memref<10000x64xf32, #tpu.memory_space<vmem_shared>> -> memref<128x64xf32, #tpu.memory_space<vmem_shared>>
      tpu.wait_dma2 semaphore(%arg12 : memref<!tpu.dma_semaphore, #tpu.memory_space<semaphore_mem>>) src(%dma_wait3A_102 : memref<128x64xf32, #tpu.memory_space<vmem_shared>>) dst(%arg8 : memref<128x64xf32, #tpu.memory_space<vmem>>)
      %add3A_103 = arith.constant 0 : i32
      %add3A_104 = arith.addi %mul3A_96, %add3A_103 : i32
      "tpu.region"() ({
        %run_scoped3A_133 = tpu.sem_alloc : memref<!tpu.dma_semaphore, #tpu.memory_space<semaphore_mem>>
        %dma_start3A_134 = arith.constant 0 : i32
        %dma_start3A_135 = tpu.memref_slice %arg7[%add3A_104, %dma_start3A_134] : memref<80x128xi32, #tpu.memory_space<vmem>> -> memref<1x128xi32, #tpu.memory_space<vmem>>
        %dma_start3A_136 = tpu.memref_squeeze %dma_start3A_135 : memref<1x128xi32, #tpu.memory_space<vmem>> -> memref<128xi32, #tpu.memory_space<vmem>>
        %dma_start3A_137 = arith.constant 0 : i32
        %dma_start3A_138 = arith.constant 0 : i32
        %dma_start3A_139 = tpu.memref_slice %arg11[%dma_start3A_137, %dma_start3A_138] : memref<10112x64xf32, #tpu.memory_space<vmem_shared>> -> memref<10112x64xf32, #tpu.memory_space<vmem_shared>>
        tpu.enqueue_indirect_dma source(%arg8 : memref<128x64xf32, #tpu.memory_space<vmem>>) target(%dma_start3A_139 : memref<10112x64xf32, #tpu.memory_space<vmem_shared>>) offsets(%dma_start3A_136 : memref<128xi32, #tpu.memory_space<vmem>>) semaphore(%run_scoped3A_133 : memref<!tpu.dma_semaphore, #tpu.memory_space<semaphore_mem>>) {add = true}
        %dma_wait3A_140 = arith.constant 0 : i32
        %dma_wait3A_141 = tpu.memref_slice %arg7[%add3A_104, %dma_wait3A_140] : memref<80x128xi32, #tpu.memory_space<vmem>> -> memref<1x128xi32, #tpu.memory_space<vmem>>
        %dma_wait3A_142 = tpu.memref_squeeze %dma_wait3A_141 : memref<1x128xi32, #tpu.memory_space<vmem>> -> memref<128xi32, #tpu.memory_space<vmem>>
        %dma_wait3A_143 = arith.constant 0 : i32
        %dma_wait3A_144 = arith.constant 0 : i32
        %dma_wait3A_145 = tpu.memref_slice %arg11[%dma_wait3A_143, %dma_wait3A_144] : memref<10112x64xf32, #tpu.memory_space<vmem_shared>> -> memref<10112x64xf32, #tpu.memory_space<vmem_shared>>
        tpu.wait_indirect_dma semaphore(%run_scoped3A_133 : memref<!tpu.dma_semaphore, #tpu.memory_space<semaphore_mem>>) src(%arg8 : memref<128x64xf32, #tpu.memory_space<vmem>>) dst(%dma_wait3A_145 : memref<10112x64xf32, #tpu.memory_space<vmem_shared>>)
        tpu.yield
      }) : () -> ()
      %add3A_105 = arith.constant 0 : i32
      %add3A_106 = arith.addi %mul3A_96, %add3A_105 : i32
      %add3A_107 = arith.constant 2 : i32
      %add3A_108 = arith.addi %add3A_106, %add3A_107 : i32
      %dma_start3A_109 = arith.constant 0 : i32
      %dma_start3A_110 = tpu.memref_slice %arg6[%add3A_108, %dma_start3A_109] : memref<80x128xi32, #tpu.memory_space<vmem>> -> memref<1x128xi32, #tpu.memory_space<vmem>>
      %dma_start3A_111 = tpu.memref_squeeze %dma_start3A_110 : memref<1x128xi32, #tpu.memory_space<vmem>> -> memref<128xi32, #tpu.memory_space<vmem>>
      %dma_start3A_112 = arith.constant 0 : i32
      %dma_start3A_113 = arith.constant 0 : i32
      %dma_start3A_114 = tpu.memref_slice %arg10[%dma_start3A_112, %dma_start3A_113] : memref<10000x64xf32, #tpu.memory_space<vmem_shared>> -> memref<10000x64xf32, #tpu.memory_space<vmem_shared>>
      tpu.enqueue_indirect_dma source(%dma_start3A_114 : memref<10000x64xf32, #tpu.memory_space<vmem_shared>>) target(%arg8 : memref<128x64xf32, #tpu.memory_space<vmem>>) offsets(%dma_start3A_111 : memref<128xi32, #tpu.memory_space<vmem>>) semaphore(%arg12 : memref<!tpu.dma_semaphore, #tpu.memory_space<semaphore_mem>>)
      %dma_wait3A_115 = arith.constant 0 : i32
      %dma_wait3A_116 = arith.constant 0 : i32
      %dma_wait3A_117 = tpu.memref_slice %arg10[%dma_wait3A_115, %dma_wait3A_116] : memref<10000x64xf32, #tpu.memory_space<vmem_shared>> -> memref<128x64xf32, #tpu.memory_space<vmem_shared>>
      %dma_wait3A_118 = arith.constant 0 : i32
      %dma_wait3A_119 = arith.constant 0 : i32
      %dma_wait3A_120 = tpu.memref_slice %arg10[%dma_wait3A_118, %dma_wait3A_119] : memref<10000x64xf32, #tpu.memory_space<vmem_shared>> -> memref<128x64xf32, #tpu.memory_space<vmem_shared>>
      tpu.wait_dma2 semaphore(%arg13 : memref<!tpu.dma_semaphore, #tpu.memory_space<semaphore_mem>>) src(%dma_wait3A_120 : memref<128x64xf32, #tpu.memory_space<vmem_shared>>) dst(%arg9 : memref<128x64xf32, #tpu.memory_space<vmem>>)
      %add3A_121 = arith.constant 1 : i32
      %add3A_122 = arith.addi %mul3A_96, %add3A_121 : i32
      "tpu.region"() ({
        %run_scoped3A_133 = tpu.sem_alloc : memref<!tpu.dma_semaphore, #tpu.memory_space<semaphore_mem>>
        %dma_start3A_134 = arith.constant 0 : i32
        %dma_start3A_135 = tpu.memref_slice %arg7[%add3A_122, %dma_start3A_134] : memref<80x128xi32, #tpu.memory_space<vmem>> -> memref<1x128xi32, #tpu.memory_space<vmem>>
        %dma_start3A_136 = tpu.memref_squeeze %dma_start3A_135 : memref<1x128xi32, #tpu.memory_space<vmem>> -> memref<128xi32, #tpu.memory_space<vmem>>
        %dma_start3A_137 = arith.constant 0 : i32
        %dma_start3A_138 = arith.constant 0 : i32
        %dma_start3A_139 = tpu.memref_slice %arg11[%dma_start3A_137, %dma_start3A_138] : memref<10112x64xf32, #tpu.memory_space<vmem_shared>> -> memref<10112x64xf32, #tpu.memory_space<vmem_shared>>
        tpu.enqueue_indirect_dma source(%arg9 : memref<128x64xf32, #tpu.memory_space<vmem>>) target(%dma_start3A_139 : memref<10112x64xf32, #tpu.memory_space<vmem_shared>>) offsets(%dma_start3A_136 : memref<128xi32, #tpu.memory_space<vmem>>) semaphore(%run_scoped3A_133 : memref<!tpu.dma_semaphore, #tpu.memory_space<semaphore_mem>>) {add = true}
        %dma_wait3A_140 = arith.constant 0 : i32
        %dma_wait3A_141 = tpu.memref_slice %arg7[%add3A_122, %dma_wait3A_140] : memref<80x128xi32, #tpu.memory_space<vmem>> -> memref<1x128xi32, #tpu.memory_space<vmem>>
        %dma_wait3A_142 = tpu.memref_squeeze %dma_wait3A_141 : memref<1x128xi32, #tpu.memory_space<vmem>> -> memref<128xi32, #tpu.memory_space<vmem>>
        %dma_wait3A_143 = arith.constant 0 : i32
        %dma_wait3A_144 = arith.constant 0 : i32
        %dma_wait3A_145 = tpu.memref_slice %arg11[%dma_wait3A_143, %dma_wait3A_144] : memref<10112x64xf32, #tpu.memory_space<vmem_shared>> -> memref<10112x64xf32, #tpu.memory_space<vmem_shared>>
        tpu.wait_indirect_dma semaphore(%run_scoped3A_133 : memref<!tpu.dma_semaphore, #tpu.memory_space<semaphore_mem>>) src(%arg9 : memref<128x64xf32, #tpu.memory_space<vmem>>) dst(%dma_wait3A_145 : memref<10112x64xf32, #tpu.memory_space<vmem_shared>>)
        tpu.yield
      }) : () -> ()
      %add3A_123 = arith.constant 1 : i32
      %add3A_124 = arith.addi %mul3A_96, %add3A_123 : i32
      %add3A_125 = arith.constant 2 : i32
      %add3A_126 = arith.addi %add3A_124, %add3A_125 : i32
      %dma_start3A_127 = arith.constant 0 : i32
      %dma_start3A_128 = tpu.memref_slice %arg6[%add3A_126, %dma_start3A_127] : memref<80x128xi32, #tpu.memory_space<vmem>> -> memref<1x128xi32, #tpu.memory_space<vmem>>
      %dma_start3A_129 = tpu.memref_squeeze %dma_start3A_128 : memref<1x128xi32, #tpu.memory_space<vmem>> -> memref<128xi32, #tpu.memory_space<vmem>>
      %dma_start3A_130 = arith.constant 0 : i32
      %dma_start3A_131 = arith.constant 0 : i32
      %dma_start3A_132 = tpu.memref_slice %arg10[%dma_start3A_130, %dma_start3A_131] : memref<10000x64xf32, #tpu.memory_space<vmem_shared>> -> memref<10000x64xf32, #tpu.memory_space<vmem_shared>>
      tpu.enqueue_indirect_dma source(%dma_start3A_132 : memref<10000x64xf32, #tpu.memory_space<vmem_shared>>) target(%arg9 : memref<128x64xf32, #tpu.memory_space<vmem>>) offsets(%dma_start3A_129 : memref<128xi32, #tpu.memory_space<vmem>>) semaphore(%arg13 : memref<!tpu.dma_semaphore, #tpu.memory_space<semaphore_mem>>)
    }
    %scan3A_78 = arith.constant 39 : i32
    %dma_wait3A_79 = arith.constant 0 : i32
    %dma_wait3A_80 = arith.constant 0 : i32
    %dma_wait3A_81 = tpu.memref_slice %arg10[%dma_wait3A_79, %dma_wait3A_80] : memref<10000x64xf32, #tpu.memory_space<vmem_shared>> -> memref<128x64xf32, #tpu.memory_space<vmem_shared>>
    %dma_wait3A_82 = arith.constant 0 : i32
    %dma_wait3A_83 = arith.constant 0 : i32
    %dma_wait3A_84 = tpu.memref_slice %arg10[%dma_wait3A_82, %dma_wait3A_83] : memref<10000x64xf32, #tpu.memory_space<vmem_shared>> -> memref<128x64xf32, #tpu.memory_space<vmem_shared>>
    tpu.wait_dma2 semaphore(%arg12 : memref<!tpu.dma_semaphore, #tpu.memory_space<semaphore_mem>>) src(%dma_wait3A_84 : memref<128x64xf32, #tpu.memory_space<vmem_shared>>) dst(%arg8 : memref<128x64xf32, #tpu.memory_space<vmem>>)
    %run_scoped3A_85 = arith.constant 78 : i32
    "tpu.region"() ({
      %run_scoped3A_94 = tpu.sem_alloc : memref<!tpu.dma_semaphore, #tpu.memory_space<semaphore_mem>>
      %dma_start3A_95 = arith.constant 0 : i32
      %dma_start3A_96 = tpu.memref_slice %arg7[%run_scoped3A_85, %dma_start3A_95] : memref<80x128xi32, #tpu.memory_space<vmem>> -> memref<1x128xi32, #tpu.memory_space<vmem>>
      %dma_start3A_97 = tpu.memref_squeeze %dma_start3A_96 : memref<1x128xi32, #tpu.memory_space<vmem>> -> memref<128xi32, #tpu.memory_space<vmem>>
      %dma_start3A_98 = arith.constant 0 : i32
      %dma_start3A_99 = arith.constant 0 : i32
      %dma_start3A_100 = tpu.memref_slice %arg11[%dma_start3A_98, %dma_start3A_99] : memref<10112x64xf32, #tpu.memory_space<vmem_shared>> -> memref<10112x64xf32, #tpu.memory_space<vmem_shared>>
      tpu.enqueue_indirect_dma source(%arg8 : memref<128x64xf32, #tpu.memory_space<vmem>>) target(%dma_start3A_100 : memref<10112x64xf32, #tpu.memory_space<vmem_shared>>) offsets(%dma_start3A_97 : memref<128xi32, #tpu.memory_space<vmem>>) semaphore(%run_scoped3A_94 : memref<!tpu.dma_semaphore, #tpu.memory_space<semaphore_mem>>) {add = true}
      %dma_wait3A_101 = arith.constant 0 : i32
      %dma_wait3A_102 = tpu.memref_slice %arg7[%run_scoped3A_85, %dma_wait3A_101] : memref<80x128xi32, #tpu.memory_space<vmem>> -> memref<1x128xi32, #tpu.memory_space<vmem>>
      %dma_wait3A_103 = tpu.memref_squeeze %dma_wait3A_102 : memref<1x128xi32, #tpu.memory_space<vmem>> -> memref<128xi32, #tpu.memory_space<vmem>>
      %dma_wait3A_104 = arith.constant 0 : i32
      %dma_wait3A_105 = arith.constant 0 : i32
      %dma_wait3A_106 = tpu.memref_slice %arg11[%dma_wait3A_104, %dma_wait3A_105] : memref<10112x64xf32, #tpu.memory_space<vmem_shared>> -> memref<10112x64xf32, #tpu.memory_space<vmem_shared>>
      tpu.wait_indirect_dma semaphore(%run_scoped3A_94 : memref<!tpu.dma_semaphore, #tpu.memory_space<semaphore_mem>>) src(%arg8 : memref<128x64xf32, #tpu.memory_space<vmem>>) dst(%dma_wait3A_106 : memref<10112x64xf32, #tpu.memory_space<vmem_shared>>)
      tpu.yield
    }) : () -> ()
    %dma_wait3A_86 = arith.constant 0 : i32
    %dma_wait3A_87 = arith.constant 0 : i32
    %dma_wait3A_88 = tpu.memref_slice %arg10[%dma_wait3A_86, %dma_wait3A_87] : memref<10000x64xf32, #tpu.memory_space<vmem_shared>> -> memref<128x64xf32, #tpu.memory_space<vmem_shared>>
    %dma_wait3A_89 = arith.constant 0 : i32
    %dma_wait3A_90 = arith.constant 0 : i32
    %dma_wait3A_91 = tpu.memref_slice %arg10[%dma_wait3A_89, %dma_wait3A_90] : memref<10000x64xf32, #tpu.memory_space<vmem_shared>> -> memref<128x64xf32, #tpu.memory_space<vmem_shared>>
    tpu.wait_dma2 semaphore(%arg13 : memref<!tpu.dma_semaphore, #tpu.memory_space<semaphore_mem>>) src(%dma_wait3A_91 : memref<128x64xf32, #tpu.memory_space<vmem_shared>>) dst(%arg9 : memref<128x64xf32, #tpu.memory_space<vmem>>)
    %run_scoped3A_92 = arith.constant 79 : i32
    "tpu.region"() ({
      %run_scoped3A_94 = tpu.sem_alloc : memref<!tpu.dma_semaphore, #tpu.memory_space<semaphore_mem>>
      %dma_start3A_95 = arith.constant 0 : i32
      %dma_start3A_96 = tpu.memref_slice %arg7[%run_scoped3A_92, %dma_start3A_95] : memref<80x128xi32, #tpu.memory_space<vmem>> -> memref<1x128xi32, #tpu.memory_space<vmem>>
      %dma_start3A_97 = tpu.memref_squeeze %dma_start3A_96 : memref<1x128xi32, #tpu.memory_space<vmem>> -> memref<128xi32, #tpu.memory_space<vmem>>
      %dma_start3A_98 = arith.constant 0 : i32
      %dma_start3A_99 = arith.constant 0 : i32
      %dma_start3A_100 = tpu.memref_slice %arg11[%dma_start3A_98, %dma_start3A_99] : memref<10112x64xf32, #tpu.memory_space<vmem_shared>> -> memref<10112x64xf32, #tpu.memory_space<vmem_shared>>
      tpu.enqueue_indirect_dma source(%arg9 : memref<128x64xf32, #tpu.memory_space<vmem>>) target(%dma_start3A_100 : memref<10112x64xf32, #tpu.memory_space<vmem_shared>>) offsets(%dma_start3A_97 : memref<128xi32, #tpu.memory_space<vmem>>) semaphore(%run_scoped3A_94 : memref<!tpu.dma_semaphore, #tpu.memory_space<semaphore_mem>>) {add = true}
      %dma_wait3A_101 = arith.constant 0 : i32
      %dma_wait3A_102 = tpu.memref_slice %arg7[%run_scoped3A_92, %dma_wait3A_101] : memref<80x128xi32, #tpu.memory_space<vmem>> -> memref<1x128xi32, #tpu.memory_space<vmem>>
      %dma_wait3A_103 = tpu.memref_squeeze %dma_wait3A_102 : memref<1x128xi32, #tpu.memory_space<vmem>> -> memref<128xi32, #tpu.memory_space<vmem>>
      %dma_wait3A_104 = arith.constant 0 : i32
      %dma_wait3A_105 = arith.constant 0 : i32
      %dma_wait3A_106 = tpu.memref_slice %arg11[%dma_wait3A_104, %dma_wait3A_105] : memref<10112x64xf32, #tpu.memory_space<vmem_shared>> -> memref<10112x64xf32, #tpu.memory_space<vmem_shared>>
      tpu.wait_indirect_dma semaphore(%run_scoped3A_94 : memref<!tpu.dma_semaphore, #tpu.memory_space<semaphore_mem>>) src(%arg9 : memref<128x64xf32, #tpu.memory_space<vmem>>) dst(%dma_wait3A_106 : memref<10112x64xf32, #tpu.memory_space<vmem_shared>>)
      tpu.yield
    }) : () -> ()
    %barrier3A_93 = arith.constant 0 : index
    tpu.barrier barrier_id(%barrier3A_93)
    "tpu.trace_stop"() : () -> ()
    "tpu.trace_start"() <{level = 10 : i32, message = "copyout"}> : () -> ()
    "tpu.region"() ({
      %run_scoped3A_94 = tpu.sem_alloc : memref<!tpu.dma_semaphore, #tpu.memory_space<semaphore_mem>>
      %dma_start3A_95 = arith.constant 0 : i32
      %dma_start3A_96 = tpu.memref_slice %arg5[%arg0, %mul3A_6, %dma_start3A_95] : memref<2x10112x64xf32, #tpu.memory_space<hbm>> -> memref<1x632x64xf32, #tpu.memory_space<hbm>>
      %dma_start3A_97 = tpu.memref_squeeze %dma_start3A_96 : memref<1x632x64xf32, #tpu.memory_space<hbm>> -> memref<632x64xf32, #tpu.memory_space<hbm>>
      %dma_start3A_98 = arith.constant 0 : i32
      %dma_start3A_99 = tpu.memref_slice %arg11[%mul3A_6, %dma_start3A_98] : memref<10112x64xf32, #tpu.memory_space<vmem_shared>> -> memref<632x64xf32, #tpu.memory_space<vmem_shared>>
      tpu.enqueue_dma source(%dma_start3A_99 : memref<632x64xf32, #tpu.memory_space<vmem_shared>>) target(%dma_start3A_97 : memref<632x64xf32, #tpu.memory_space<hbm>>) target_semaphore(%run_scoped3A_94 : memref<!tpu.dma_semaphore, #tpu.memory_space<semaphore_mem>>)
      %dma_wait3A_100 = arith.constant 0 : i32
      %dma_wait3A_101 = tpu.memref_slice %arg5[%arg0, %mul3A_6, %dma_wait3A_100] : memref<2x10112x64xf32, #tpu.memory_space<hbm>> -> memref<1x632x64xf32, #tpu.memory_space<hbm>>
      %dma_wait3A_102 = tpu.memref_squeeze %dma_wait3A_101 : memref<1x632x64xf32, #tpu.memory_space<hbm>> -> memref<632x64xf32, #tpu.memory_space<hbm>>
      %dma_wait3A_103 = arith.constant 0 : i32
      %dma_wait3A_104 = tpu.memref_slice %arg11[%mul3A_6, %dma_wait3A_103] : memref<10112x64xf32, #tpu.memory_space<vmem_shared>> -> memref<632x64xf32, #tpu.memory_space<vmem_shared>>
      tpu.wait_dma2 semaphore(%run_scoped3A_94 : memref<!tpu.dma_semaphore, #tpu.memory_space<semaphore_mem>>) src(%dma_wait3A_104 : memref<632x64xf32, #tpu.memory_space<vmem_shared>>) dst(%dma_wait3A_102 : memref<632x64xf32, #tpu.memory_space<hbm>>)
      tpu.yield
    }) : () -> ()
    "tpu.trace_stop"() : () -> ()
    return
  }
}

module attributes {stable_mosaic.version = 14 : i64} {
  func.func @_mlp_body(%arg0: i32, %arg1: memref<1000x128xf32, #tpu.memory_space<vmem>>, %arg2: memref<1x1000x64xf32, #tpu.memory_space<vmem>>, %arg3: memref<1x1000x64xf32, #tpu.memory_space<vmem>>, %arg4: memref<128x128xf32, #tpu.memory_space<vmem>>, %arg5: memref<1x128xf32, #tpu.memory_space<vmem>>, %arg6: memref<128x64xf32, #tpu.memory_space<vmem>>, %arg7: memref<1000x64xf32, #tpu.memory_space<vmem>>) attributes {dimension_semantics = [#tpu.dimension_semantics<arbitrary>], iteration_bounds = array<i64: 10>, scalar_prefetch = 0 : i64, scratch_operands = 0 : i64, tpu.core_type = #tpu.core_type<tc>, window_params = [{transform_indices = @transform_0, window_bounds = array<i64: 1000, 128>}, {transform_indices = @transform_1, window_bounds = array<i64: 1, 1000, 64>}, {transform_indices = @transform_2, window_bounds = array<i64: 1, 1000, 64>}, {pipeline_mode = #tpu.pipeline_mode<synchronous>, transform_indices = @transform_3, window_bounds = array<i64: 128, 128>}, {pipeline_mode = #tpu.pipeline_mode<synchronous>, transform_indices = @transform_4, window_bounds = array<i64: 1, 128>}, {pipeline_mode = #tpu.pipeline_mode<synchronous>, transform_indices = @transform_5, window_bounds = array<i64: 128, 64>}, {transform_indices = @transform_6, window_bounds = array<i64: 1000, 64>}]} {
    %get3A = arith.constant 0 : index
    %get3A_0 = arith.constant 0 : index
    %get3A_1 = arith.constant 0 : index
    %get3A_2 = vector.load %arg2[%get3A, %get3A_0, %get3A_1] : memref<1x1000x64xf32, #tpu.memory_space<vmem>>, vector<1x1000x64xf32>
    %get3A_3 = vector.shape_cast %get3A_2 : vector<1x1000x64xf32> to vector<1000x64xf32>
    %get3A_4 = arith.constant 0 : index
    %get3A_5 = arith.constant 0 : index
    %get3A_6 = arith.constant 0 : index
    %get3A_7 = vector.load %arg3[%get3A_4, %get3A_5, %get3A_6] : memref<1x1000x64xf32, #tpu.memory_space<vmem>>, vector<1x1000x64xf32>
    %get3A_8 = vector.shape_cast %get3A_7 : vector<1x1000x64xf32> to vector<1000x64xf32>
    %concatenate3A = tpu.concatenate %get3A_3, %get3A_8 in 1 : vector<1000x64xf32>, vector<1000x64xf32> -> vector<1000x128xf32>
    %get3A_9 = arith.constant 0 : index
    %get3A_10 = arith.constant 0 : index
    %get3A_11 = vector.load %arg1[%get3A_9, %get3A_10] : memref<1000x128xf32, #tpu.memory_space<vmem>>, vector<1000x128xf32>
    %add3A = arith.addf %get3A_11, %concatenate3A : vector<1000x128xf32>
    %get3A_12 = arith.constant 0 : index
    %get3A_13 = arith.constant 0 : index
    %get3A_14 = vector.load %arg4[%get3A_12, %get3A_13] : memref<128x128xf32, #tpu.memory_space<vmem>>, vector<128x128xf32>
    %dot_general3A = arith.constant dense<0.000000e+00> : vector<1000x128xf32>
    %dot_general3A_15 = tpu.matmul %add3A, %get3A_14, %dot_general3A {dimension_numbers = #tpu.dot_dimension_numbers<[1], [0], [0], [1], [0, 0, 1, 1], [], []>, transpose_lhs_hint = false} : vector<1000x128xf32>, vector<128x128xf32>, vector<1000x128xf32> -> vector<1000x128xf32>
    %get3A_16 = arith.constant 0 : index
    %get3A_17 = arith.constant 0 : index
    %get3A_18 = vector.load %arg5[%get3A_16, %get3A_17] : memref<1x128xf32, #tpu.memory_space<vmem>>, vector<1x128xf32>
    %add3A_19 = vector.broadcast %get3A_18 : vector<1x128xf32> to vector<1000x128xf32>
    %add3A_20 = arith.addf %dot_general3A_15, %add3A_19 : vector<1000x128xf32>
    %max3A = arith.constant 0.000000e+00 : f32
    %max3A_21 = vector.broadcast %max3A : f32 to vector<1000x128xf32>
    %max3A_22 = arith.maximumf %add3A_20, %max3A_21 : vector<1000x128xf32>
    %get3A_23 = arith.constant 0 : index
    %get3A_24 = arith.constant 0 : index
    %get3A_25 = vector.load %arg6[%get3A_23, %get3A_24] : memref<128x64xf32, #tpu.memory_space<vmem>>, vector<128x64xf32>
    %dot_general3A_26 = arith.constant dense<0.000000e+00> : vector<1000x64xf32>
    %dot_general3A_27 = tpu.matmul %max3A_22, %get3A_25, %dot_general3A_26 {dimension_numbers = #tpu.dot_dimension_numbers<[1], [0], [0], [1], [0, 0, 1, 1], [], []>, transpose_lhs_hint = false} : vector<1000x128xf32>, vector<128x64xf32>, vector<1000x64xf32> -> vector<1000x64xf32>
    %swap3A = arith.constant 0 : index
    %swap3A_28 = arith.constant 0 : index
    %swap3A_29 = vector.load %arg7[%swap3A, %swap3A_28] : memref<1000x64xf32, #tpu.memory_space<vmem>>, vector<1000x64xf32>
    tpu.vector_store %arg7[%swap3A, %swap3A_28], %dot_general3A_27 {strides = array<i32>} : memref<1000x64xf32, #tpu.memory_space<vmem>>, vector<1000x64xf32>,
    return
  }
  func.func @transform_0(%arg0: i32) -> (i32, i32) {
    %c0_i32 = arith.constant 0 : i32
    %c0_i32_0 = arith.constant 0 : i32
    return %arg0, %c0_i32 : i32, i32
  }
  func.func @transform_1(%arg0: i32) -> (i32, i32, i32) {
    %c0_i32 = arith.constant 0 : i32
    %c0_i32_0 = arith.constant 0 : i32
    %c0_i32_1 = arith.constant 0 : i32
    return %c0_i32, %arg0, %c0_i32_0 : i32, i32, i32
  }
  func.func @transform_2(%arg0: i32) -> (i32, i32, i32) {
    %c1_i32 = arith.constant 1 : i32
    %c0_i32 = arith.constant 0 : i32
    %c0_i32_0 = arith.constant 0 : i32
    return %c1_i32, %arg0, %c0_i32 : i32, i32, i32
  }
  func.func @transform_3(%arg0: i32) -> (i32, i32) {
    %c0_i32 = arith.constant 0 : i32
    %c0_i32_0 = arith.constant 0 : i32
    %c0_i32_1 = arith.constant 0 : i32
    return %c0_i32, %c0_i32_0 : i32, i32
  }
  func.func @transform_4(%arg0: i32) -> (i32, i32) {
    %c0_i32 = arith.constant 0 : i32
    %c0_i32_0 = arith.constant 0 : i32
    %c0_i32_1 = arith.constant 0 : i32
    return %c0_i32, %c0_i32_0 : i32, i32
  }
  func.func @transform_5(%arg0: i32) -> (i32, i32) {
    %c0_i32 = arith.constant 0 : i32
    %c0_i32_0 = arith.constant 0 : i32
    %c0_i32_1 = arith.constant 0 : i32
    return %c0_i32, %c0_i32_0 : i32, i32
  }
  func.func @transform_6(%arg0: i32) -> (i32, i32) {
    %c0_i32 = arith.constant 0 : i32
    %c0_i32_0 = arith.constant 0 : i32
    return %arg0, %c0_i32 : i32, i32
  }
}

module attributes {stable_mosaic.version = 14 : i64} {
  func.func @_final_body(%arg0: i32, %arg1: memref<1000x64xf32, #tpu.memory_space<vmem>>, %arg2: memref<1x1000x32xf32, #tpu.memory_space<vmem>>, %arg3: memref<1x1000x32xf32, #tpu.memory_space<vmem>>, %arg4: memref<1x40xf32, #tpu.memory_space<vmem>>, %arg5: memref<1000x40xf32, #tpu.memory_space<vmem>>) attributes {dimension_semantics = [#tpu.dimension_semantics<arbitrary>], iteration_bounds = array<i64: 10>, scalar_prefetch = 0 : i64, scratch_operands = 0 : i64, tpu.core_type = #tpu.core_type<tc>, window_params = [{transform_indices = @transform_0, window_bounds = array<i64: 1000, 64>}, {transform_indices = @transform_1, window_bounds = array<i64: 1, 1000, 32>}, {transform_indices = @transform_2, window_bounds = array<i64: 1, 1000, 32>}, {pipeline_mode = #tpu.pipeline_mode<synchronous>, transform_indices = @transform_3, window_bounds = array<i64: 1, 40>}, {transform_indices = @transform_4, window_bounds = array<i64: 1000, 40>}]} {
    %get3A = arith.constant 0 : index
    %get3A_0 = arith.constant 0 : index
    %get3A_1 = arith.constant 0 : index
    %get3A_2 = vector.load %arg2[%get3A, %get3A_0, %get3A_1] : memref<1x1000x32xf32, #tpu.memory_space<vmem>>, vector<1x1000x32xf32>
    %get3A_3 = vector.shape_cast %get3A_2 : vector<1x1000x32xf32> to vector<1000x32xf32>
    %get3A_4 = arith.constant 0 : index
    %get3A_5 = arith.constant 0 : index
    %get3A_6 = arith.constant 0 : index
    %get3A_7 = vector.load %arg3[%get3A_4, %get3A_5, %get3A_6] : memref<1x1000x32xf32, #tpu.memory_space<vmem>>, vector<1x1000x32xf32>
    %get3A_8 = vector.shape_cast %get3A_7 : vector<1x1000x32xf32> to vector<1000x32xf32>
    %slice3A = vector.extract_strided_slice %get3A_8 {offsets = [0, 0], sizes = [1000, 8], strides = [1, 1]} : vector<1000x32xf32> to vector<1000x8xf32>
    %concatenate3A = tpu.concatenate %get3A_3, %slice3A in 1 : vector<1000x32xf32>, vector<1000x8xf32> -> vector<1000x40xf32>
    %get3A_9 = arith.constant 0 : index
    %get3A_10 = arith.constant 0 : index
    %get3A_11 = vector.load %arg1[%get3A_9, %get3A_10] : memref<1000x64xf32, #tpu.memory_space<vmem>>, vector<1000x64xf32>
    %slice3A_12 = vector.extract_strided_slice %get3A_11 {offsets = [0, 0], sizes = [1000, 40], strides = [1, 1]} : vector<1000x64xf32> to vector<1000x40xf32>
    %add3A = arith.addf %slice3A_12, %concatenate3A : vector<1000x40xf32>
    %get3A_13 = arith.constant 0 : index
    %get3A_14 = arith.constant 0 : index
    %get3A_15 = vector.load %arg4[%get3A_13, %get3A_14] : memref<1x40xf32, #tpu.memory_space<vmem>>, vector<1x40xf32>
    %add3A_16 = vector.broadcast %get3A_15 : vector<1x40xf32> to vector<1000x40xf32>
    %add3A_17 = arith.addf %add3A, %add3A_16 : vector<1000x40xf32>
    %swap3A = arith.constant 0 : index
    %swap3A_18 = arith.constant 0 : index
    %swap3A_19 = vector.load %arg5[%swap3A, %swap3A_18] : memref<1000x40xf32, #tpu.memory_space<vmem>>, vector<1000x40xf32>
    tpu.vector_store %arg5[%swap3A, %swap3A_18], %add3A_17 {strides = array<i32>} : memref<1000x40xf32, #tpu.memory_space<vmem>>, vector<1000x40xf32>,
    return
  }
  func.func @transform_0(%arg0: i32) -> (i32, i32) {
    %c0_i32 = arith.constant 0 : i32
    %c0_i32_0 = arith.constant 0 : i32
    return %arg0, %c0_i32 : i32, i32
  }
  func.func @transform_1(%arg0: i32) -> (i32, i32, i32) {
    %c0_i32 = arith.constant 0 : i32
    %c0_i32_0 = arith.constant 0 : i32
    %c0_i32_1 = arith.constant 0 : i32
    return %c0_i32, %arg0, %c0_i32_0 : i32, i32, i32
  }
  func.func @transform_2(%arg0: i32) -> (i32, i32, i32) {
    %c1_i32 = arith.constant 1 : i32
    %c0_i32 = arith.constant 0 : i32
    %c0_i32_0 = arith.constant 0 : i32
    return %c1_i32, %arg0, %c0_i32 : i32, i32, i32
  }
  func.func @transform_3(%arg0: i32) -> (i32, i32) {
    %c0_i32 = arith.constant 0 : i32
    %c0_i32_0 = arith.constant 0 : i32
    %c0_i32_1 = arith.constant 0 : i32
    return %c0_i32, %c0_i32_0 : i32, i32
  }
  func.func @transform_4(%arg0: i32) -> (i32, i32) {
    %c0_i32 = arith.constant 0 : i32
    %c0_i32_0 = arith.constant 0 : i32
    return %arg0, %c0_i32 : i32, i32
  }
}

</mosaic_0001>

<sc_bundles>
// kernel: kernel.6.cloned.1.call-start
scs
__scs_entry_jumppad:
0x0: {  	(pc) =	sbr.rel $0x88, $3  }
0x1: {  	(tag) =	ssettag $0x0;
	lr =	simm.s32 $0x1  }
0x2: {  	[smem:$0x3F9B] =	sst lr;
	_ =	strace $0xD0000000  }
0x3: {  	_ = 	snop  }
0x4: {  	_ = 	snop  }
0x5: {  	_ = 	snop  }
0x6: {  	_ = 	snop  }
0x7: {  	_ = 	snop  }
__scs_overlays_trampoline_lowered:
0x8: {  	[smem:$0x3FAA] =	sst s0  }
0x9: {  	[smem:$0x3FAB] =	sst s1  }
0xa: {  	[smem:$0x3FAC] =	sst s2  }
0xb: {  	[smem:$0x3FAD] =	sst s3  }
0xc: {  	[smem:$0x3FAE] =	sst s4  }
0xd: {  	[smem:$0x3FAF] =	sst s5  }
0xe: {  	[smem:$0x3FB0] =	sst s6  }
0xf: {  	[smem:$0x3FB1] =	sst s7  }
0x10: {  	[smem:$0x3FB2] =	sst s8  }
0x11: {  	[smem:$0x3FB3] =	sst s9;
	s0 =	simm.s32 @!p0 $0x0  }
0x12: {  	s1 =	sld [smem:$0x3F99];
	s0 =	simm.s32 @p0 $0x1  }
0x13: {  	[smem:$0x3FB4] =	sst s0;
	s0 =	simm.s32 @!p1 $0x0  }
0x14: {  	s2 =	sld [smem:$0x3F98];
	s0 =	simm.s32 @p1 $0x1  }
0x15: {  	[smem:$0x3FB5] =	sst s0;
	s0 =	simm.s32 @!p2 $0x0  }
0x16: {  	s3 =	sld [smem:$0x3FDB];
	s0 =	simm.s32 @p2 $0x1  }
0x17: {  	s4 =	simm.s32 $0x1BF5;
	[smem:$0x3FB7] =	sst s0  }
0x18: {  	s0 =	sld [smem:$0x3F9A];
	_ =	swait.ge [sflag:s4], $0x0  }
0x19: {  	s7 =	sld [smem:$0x3F9B]  }
0x1a: {  	s8 =	sadd.s32 $0xFFFFE003, lr  }
0x1b: {  	s9 =	sadd.s32 $0xFFFFFEF7, lr;
	s5 =	simm.s32 $0xFFFFFFFF;
	p2 =	slt.u32 s8, $0xFFFFF086  }
0x1c: {  	p1 =	slt.u32 s9, $0xF7A;
	s5 =	simm.s32 @!p2 $0x0  }
0x1d: {  	s5 =	simm.s32 @p1 $0x1;
	p0 =	seq.s32 s7, s2  }
0x1e: {  	s7 =	smul.u32 @!p0 $0xF7A, s2;
	p2 =	seq.s32 @!p0 s5, $0x0  }
0x1f: {  	s9 =	smul.u32 $0xF7A, s1;
	s8 =	simm.s32 @!p0 $0x1BF5;
	p2 =	por !p2, p0  }
0x20: {  	[sflag:s8] =	ssyncset.s32 @!p0 $0xFFFFF086;
	s6 =	sadd.s32 @!p0 s3, s7;
	s7 =	simm.s32 @!p0 $0x108  }
0x21: {  	s3 =	sadd.s32 s3, s9;
	s6 =	sadd.s32 @!p0 $0x88, s6;
	s7 =	simm.s32 @p2 $0x1082  }
0x22: {  	[simem:s7], [sflag:s8] =	dma.local @!p0 [hbm:s6], $0xF7A  }
0x23: {  	s9 =	sor.u32 $0xD0000000, s2;
	s6 =	simm.s32 $0x108;
	_ =	swait.ge @!p0 [sflag:s8], $0x0  }
0x24: {  	s3 =	sadd.s32 $0x88, s3;
	s6 =	simm.s32 @!p1 $0x1082;
	[sflag:s4] =	ssyncset.s32 $0xFFFFF086  }
0x25: {  	[simem:s6], [sflag:s4] =	dma.local [hbm:s3], $0xF7A  }
0x26: {  	[smem:$0x3F9B] =	sst s1;
	(tag) =	ssettag s2;
	_ =	strace s9  }
0x27: {  	s1 =	sld [smem:$0x3FAB]  }
0x28: {  	s2 =	sld [smem:$0x3FAC]  }
0x29: {  	s4 =	sld [smem:$0x3FAE]  }
0x2a: {  	p0 =	seq.s32 s5, $0x0;
	s5 =	sld [smem:$0x3FAF]  }
0x2b: {  	s6 =	sld [smem:$0x3FB0]  }
0x2c: {  	s7 =	sld [smem:$0x3FB1]  }
0x2d: {  	s3 =	simm.s32 $0x108;
	s8 =	sld [smem:$0x3FB2]  }
0x2e: {  	s3 =	simm.s32 @!p0 $0x1082;
	s9 =	sld [smem:$0x3FB3]  }
0x2f: {  	lr =	sadd.s32 s0, s3;
	s0 =	sld [smem:$0x3FAA]  }
0x30: {  	s3 =	sld [smem:$0x3FAD]  }
0x31: {  	[smem:$0x3FB6] =	sst s10  }
0x32: {  	s10 =	sld [smem:$0x3FB4];
	_ =	sdelay $0x3  }
0x33: {  	p0 =	seq.s32 s10, $0x1;
	s10 =	sld [smem:$0x3FB6];
	_ =	sdelay $0x3  }
0x34: {  	[smem:$0x3FB6] =	sst s10  }
0x35: {  	s10 =	sld [smem:$0x3FB5];
	_ =	sdelay $0x3  }
0x36: {  	p1 =	seq.s32 s10, $0x1;
	s10 =	sld [smem:$0x3FB6];
	_ =	sdelay $0x3  }
0x37: {  	[smem:$0x3FB6] =	sst s10  }
0x38: {  	s10 =	sld [smem:$0x3FB7]  }
0x39: {  	_ = 	snop;
	(pc) =	sbr.ind lr, $3  }
0x3a: {  	_ = 	snop  }
0x3b: {  	_ = 	snop  }
0x3c: {  	p2 =	seq.s32 s10, $0x1;
	s10 =	sld [smem:$0x3FB6]  }
0x3d: {  	_ =	shalt  }
0x3e: {  	_ =	shalt  }
0x3f: {  	_ =	shalt  }
0x40: {  	_ =	shalt  }
0x41: {  	_ =	shalt  }
0x42: {  	_ =	shalt  }
0x43: {  	_ =	shalt  }
0x44: {  	_ =	shalt  }
0x45: {  	_ =	shalt  }
0x46: {  	_ =	shalt  }
0x47: {  	_ =	shalt  }
0x48: {  	_ =	shalt  }
0x49: {  	_ =	shalt  }
0x4a: {  	_ =	shalt  }
0x4b: {  	_ =	shalt  }
0x4c: {  	_ =	shalt  }
0x4d: {  	_ =	shalt  }
0x4e: {  	_ =	shalt  }
0x4f: {  	_ =	shalt  }
0x50: {  	_ =	shalt  }
0x51: {  	_ =	shalt  }
0x52: {  	_ =	shalt  }
0x53: {  	_ =	shalt  }
0x54: {  	_ =	shalt  }
0x55: {  	_ =	shalt  }
0x56: {  	_ =	shalt  }
0x57: {  	_ =	shalt  }
0x58: {  	_ =	shalt  }
0x59: {  	_ =	shalt  }
0x5a: {  	_ =	shalt  }
0x5b: {  	_ =	shalt  }
0x5c: {  	_ =	shalt  }
0x5d: {  	_ =	shalt  }
0x5e: {  	_ =	shalt  }
0x5f: {  	_ =	shalt  }
0x60: {  	_ =	shalt  }
0x61: {  	_ =	shalt  }
0x62: {  	_ =	shalt  }
0x63: {  	_ =	shalt  }
0x64: {  	_ =	shalt  }
0x65: {  	_ =	shalt  }
0x66: {  	_ =	shalt  }
0x67: {  	_ =	shalt  }
0x68: {  	_ =	shalt  }
0x69: {  	_ =	shalt  }
0x6a: {  	_ =	shalt  }
0x6b: {  	_ =	shalt  }
0x6c: {  	_ =	shalt  }
0x6d: {  	_ =	shalt  }
0x6e: {  	_ =	shalt  }
0x6f: {  	_ =	shalt  }
0x70: {  	_ =	shalt  }
0x71: {  	_ =	shalt  }
0x72: {  	_ =	shalt  }
0x73: {  	_ =	shalt  }
0x74: {  	_ =	shalt  }
0x75: {  	_ =	shalt  }
0x76: {  	_ =	shalt  }
0x77: {  	_ =	shalt  }
0x78: {  	_ =	shalt  }
0x79: {  	_ =	shalt  }
0x7a: {  	_ =	shalt  }
0x7b: {  	_ =	shalt  }
0x7c: {  	_ =	shalt  }
0x7d: {  	_ =	shalt  }
0x7e: {  	_ =	shalt  }
0x7f: {  	_ =	shalt  }
0x80: {  	_ =	shalt  }
0x81: {  	_ =	shalt  }
0x82: {  	_ =	shalt  }
0x83: {  	_ =	shalt  }
0x84: {  	_ =	shalt  }
0x85: {  	_ =	shalt  }
0x86: {  	_ =	shalt  }
0x87: {  	_ =	shalt  }
.Lfunc_end0:
.L_simem_size_0:
called_computation_lowered:
.L_overlay_start_0:
0x88: {  	s2 =	sld [smem:$0x3FD9]  }
0x89: {  	s3 =	sld [smem:$0x3FFE];
	_ =	sdelay $0x1  }
0x8a: {  	s1 =	srdreg.scid  }
0x8b: {  	s0 =	sand.u32 $0x1, s1  }
0x8c: {  	s17 =	sshll.u32 s0, $0xA;
	s2 =	sadd.s32 s3, s2  }
0x8d: {  	s2 =	sadd.s32 s2, s17  }
0x8e: {  	[smem:$0x3FC2] =	sst s2  }
0x8f: {  	_ = 	snop  }
0x90: {  	s2 =	sld [smem:$0x3FC9]  }
0x91: {  	s18 =	sld [smem:$0x3FD0];
	(tm) =	ssettm $0x1  }
0x92: {  	s4 =	sld [smem:$0x3FFB];
	_ =	sdelay $0x3  }
0x93: {  	_ =	strace s4  }
0x94: {  	s4 =	sld [smem:$0x3FFC];
	_ =	sdelay $0x3  }
0x95: {  	_ =	strace s4  }
0x96: {  	s4 =	sld [smem:$0x3FFD];
	_ =	sdelay $0x3  }
0x97: {  	_ =	strace s4  }
0x98: {  	_ =	strace $0x8FFFFFFF  }
0x99: {  	s19 =	sld [smem:$0x3FDB];
	_ =	sdelay $0x1  }
0x9a: {  	s5 =	simm.s32 $_scs_section_size  }
0x9b: {  	s6 =	simm.s32 $_size__tile_overlayer_lowered;
	s7 =	simm.s32 $_tile_overlayer_lowered  }
0x9c: {  	s22 =	simm.s32 $0x1BFF;
	s21 =	sshll.u32 s7, $0x1;
	s4 =	sadd.s32 s5, s19  }
0x9d: {  	s8 =	simm.s32 $0x0;
	s20 =	sshll.u32 s6, $0x1;
	s6 =	sadd.s32 s21, s4  }
0x9e: {  	[timem:s8], [sflag:s22] =	dma.local [hbm:s6], s20  }
0x9f: {  	_ =	swait.ge [sflag:s22], s20  }
0xa0: {  	s5 =	ssub.s32 $0x0, s20;
	[sflag:s22] =	ssyncset.done $0x0  }
0xa1: {  	[sflag:s22] =	ssyncadd.s32 s5;
	_ =	sdelay $0x1  }
0xa2: {  	s23 =	simm.s32 $0x1B8B  }
0xa3: {  	_ =	swait.ge [sflag:s23], $0x1  }
0xa4: {  	[sflag:s23] =	ssyncset.done $0x0  }
0xa5: {  	s25 =	simm.s32 $0x1B8E;
	s24 =	sld [smem:$0x3FFE];
	[sflag:s23] =	ssyncadd.s32 $0xFFFFFFFF  }
0xa6: {  	s26 =	simm.s32 $execute0_lowered;
	[smem:$0x3FD2] =	sst s25  }
0xa7: {  	s6 =	sshll.u32 s26, $0x1;
	_ =	strace $0x80000046;
	[dreg:$0x1] =	wrdreg $0xFFFFFFFF  }
0xa8: {  	s28 =	simm.s32 $_size_execute0_lowered;
	s4 =	sadd.s32 s4, s6;
	[dreg:$0x0] =	wrdreg $0x0  }
0xa9: {  	s6 =	sshll.u32 s28, $0x1;
	[dreg:$0x2] =	wrdreg s4  }
0xaa: {  	[dreg:$0x3] =	wrdreg s6  }
0xab: {  	[dreg:$0x4] =	wrdreg $0xC0  }
0xac: {  	_ =	task [dreg:s8], $0x5FFFF  }
0xad: {  	[dreg:$0x1] =	wrdreg $0xFFFFFFFF  }
0xae: {  	[dreg:$0x0] =	wrdreg $0x60  }
0xaf: {  	[dreg:$0x2] =	wrdreg s2  }
0xb0: {  	[dreg:$0x3] =	wrdreg s18  }
0xb1: {  	[dreg:$0x4] =	wrdreg s24  }
0xb2: {  	[dreg:$0x5] =	wrdreg $0x12C400  }
0xb3: {  	[dreg:$0x6] =	wrdreg $0x90000  }
0xb4: {  	[dreg:$0x7] =	wrdreg $0x9  }
0xb5: {  	_ =	task.clear_ibuf [dreg:s8], $0x8FFFF;
	_ =	strace $0x90000046  }
0xb6: {  	s29 =	simm.s32 $0x9;
	_ =	strace $0x8000004B  }
0xb7: {  	_ =	swait.ge [sflag:s29], $0x1  }
0xb8: {  	[sflag:s29] =	ssyncadd.s32 $0xFFFFFFFF  }
0xb9: {  	_ =	strace $0x9000004B  }
0xba: {  	_ =	sfence  }
0xbb: {  	s30 =	sld [smem:$0x0];
	_ =	sdelay $0x2  }
0xbc: {  	s31 =	sshll.u32 s1, $0xD;
	s1 =	sshrl.u32 s1, $0x2  }
0xbd: {  	s3 =	sand.u32 $0x4000, s31;
	s1 =	sadd.s32 s1, s30  }
0xbe: {  	s0 =	sor.u32 s3, s0;
	s1 =	sshll.u32 s1, $0x11  }
0xbf: {  	s0 =	sor.u32 s1, s0  }
0xc0: {  	s0 =	sadd.s32 $0x8F2B, s0  }
0xc1: {  	[sflag:s0] =	ssyncadd.remote.s32 $0x1  }
0xc2: {  	_ =	sfence.sel $0xFFFF  }
0xc3: {  	[dreg:$0x0] =	wrdreg $0xFFFFFFFF;
	(pc) =	sbr.abs _section_cstart, $3  }
0xc4: {  	[dreg:$0x1] =	wrdreg $0xFFFFFFFF  }
0xc5: {  	_ =	task.clear_ibuf [dreg:s8], $0x2FFFF;
	_ =	strace $0x9FFFFFFF  }
0xc6: {  	(tm) =	ssettm $0x7FFFFFFF  }
0xc7: {  	_ =	shalt  }
tec
execute0_lowered:
.L_overlay_start_1:
0x0: {  	(tag) =	ssettag $0x1  }
0x1: {  	s0 =	rddreg [dreg:$0x0]  }
0x2: {  	s13 =	rddreg [dreg:$0x1];
	s1 =	stileid.u32  }
0x3: {  	s5 =	rddreg [dreg:$0x2];
	s21 =	smul.u32 $0x9E00, s1  }
0x4: {  	s2 =	rddreg [dreg:$0x3];
	s10 =	smul.u32 $0x27800, s1  }
0x5: {  	s3 =	rddreg [dreg:$0x4];
	s23 =	smul.u32 $0x13880, s1  }
0x6: {  	s6 =	srdreg.scid;
	s4 =	simm.s32 $0x0;
	s12 =	smul.u32 $0x27100, s1  }
0x7: {  	s20 =	simm.s32 $0x1;
	s28 =	simm.s32 $0x4F00;
	s18 =	smul.u32 $0x5000, s1  }
0x8: {  	s29 =	simm.s32 $0x4F80;
	s9 =	sand.u32 $0x1, s6;
	s26 =	smul.u32 $0xA00, s1  }
0x9: {  	[smem:$0x7FF] =	sst s4;
	s14 =	sadd.s32 $0x1000, s5;
	s7 =	smul.u32 $0x9E000, s9  }
0xa: {  	_ =	strace $0x80000047;
	s8 =	ssub.s32 $0x2, s9;
	s17 =	sshll.u32 s9, $0x6  }
0xb: {  	s11 =	sshrl.u32 s8, $0x1;
	s22 =	sshrl.u32 s10, $0x2;
	s24 =	sor.u32 s17, s23  }
0xc: {  	s25 =	sshrl.u32 s12, $0x2;
	s30 =	sshrl.u32 s18, $0x3;
	s12 =	sadd.s32 s14, s26  }
0xd: {  	s17 =	simm.s32 $0x5000;
	s18 =	simm.s32 $0x3;
	s23 =	simm.s32 $0x2800  }
0xe: {  	s7 =	sadd.s32 s21, s7;
	s16 =	ssub.s32 s8, s11;
	s10 =	sadd.s32 s22, s2  }
0xf: {  	s19 =	sadd.s32 s25, s3;
	s31 =	sadd.s32 $0x500, s30;
	s11 =	sadd.s32 s13, s26  }
0x10: {  	s22 =	simm.s32 $0x10;
	s25 =	simm.s32 $0x7000;
	s26 =	simm.s32 $0x2  }
0x11: {  	s7 =	sshrl.u32 s7, $0x3;
	s6 =	sadd.s32 $0x2000, s10;
	s8 =	sadd.s32 $0x6000, s10  }
0x12: {  	s9 =	sadd.s32 $0x8000, s10;
	s13 =	sadd.s32 s13, s31;
	s14 =	sadd.s32 s14, s31  }
0x13: {  	s16 =	smax.u32 s16, $0x1;
	s19 =	sshrl.u32 s19, $0x3;
	s15 =	sadd.s32 s7, s5  }
0x14: {  	s5 =	sadd.s32 s21, s2;
	s7 =	sadd.s32 $0x4000, s10;
	s10 =	sshrl.u32 s24, $0x3  }
0x15: {  	v0 =	vimm.f32 $0.0e+00;
	s24 =	simm.s32 $0x80;
	s10 =	sadd.s32 s0, s10;
	s15 =	sadd.s32 $0xB000, s15  }
.LBB2_1:
0x16: {  	_ =	strace $0x80000048;
	s31 =	simm.s32 $0x100;
	s30 =	simm.s32 $0x0  }
.LBB2_2:
0x17: {  	p0 =	sne.s32 s31, $0x7F00;
	[tilespmem:s30+$0x5030] =	vst v0;
	s0 =	smov.u32 s31;
	s31 =	sadd.s32 $0x100, s31  }
.Ltmp0:
0x18: {  	[tilespmem:s30+$0x5020] =	vst v0;
	(pc) =	sbr.rel @p0 .LBB2_2-.Ltmp0, $3  }
0x19: {  	[tilespmem:s30+$0x5000] =	vst v0  }
0x1a: {  	[tilespmem:s30+$0x5010] =	vst v0;
	_ =	sdelay $0x1  }
0x1b: {  	s30 =	sshra.s32 s0, $0x2  }
0x1c: {  	[tilespmem:s30+$0x5030] =	vst v0  }
0x1d: {  	[tilespmem:s30+$0x5020] =	vst v0  }
0x1e: {  	[tilespmem:s30+$0x5000] =	vst v0  }
0x1f: {  	[tilespmem:s30+$0x5010] =	vst v0  }
0x20: {  	[spmem:s5] =	stream.linear.scatter [tilespmem:s17], [sflag:$0x3], $0x2000, $0x200038;
	[tilespmem:$0x1CA40] =	vst v63  }
0x21: {  	_ =	swait.ge [sflag:s18], $0x2000  }
0x22: {  	[sflag:s18] =	ssyncset.done $0x0  }
0x23: {  	[sflag:s18] =	ssyncadd.s32 $0xFFFFE000  }
0x24: {  	[spmem:s6] =	stream.linear.scatter [tilespmem:s17], [sflag:$0x3], $0x2000, $0x200038;
	[tilespmem:$0x1CA40] =	vst v63  }
0x25: {  	_ =	swait.ge [sflag:s18], $0x2000  }
0x26: {  	[sflag:s18] =	ssyncset.done $0x0  }
0x27: {  	[sflag:s18] =	ssyncadd.s32 $0xFFFFE000  }
0x28: {  	[spmem:s7] =	stream.linear.scatter [tilespmem:s17], [sflag:$0x3], $0x2000, $0x200038;
	[tilespmem:$0x1CA40] =	vst v63  }
0x29: {  	_ =	swait.ge [sflag:s18], $0x2000  }
0x2a: {  	[sflag:s18] =	ssyncset.done $0x0  }
0x2b: {  	[sflag:s18] =	ssyncadd.s32 $0xFFFFE000  }
0x2c: {  	[spmem:s8] =	stream.linear.scatter [tilespmem:s17], [sflag:$0x3], $0x2000, $0x200038;
	[tilespmem:$0x1CA40] =	vst v63  }
0x2d: {  	_ =	swait.ge [sflag:s18], $0x2000  }
0x2e: {  	[sflag:s18] =	ssyncset.done $0x0  }
0x2f: {  	[sflag:s18] =	ssyncadd.s32 $0xFFFFE000  }
0x30: {  	[spmem:s9] =	stream.linear.scatter [tilespmem:s17], [sflag:$0x3], $0x1E00, $0x200038;
	[tilespmem:$0x1CA40] =	vst v63  }
0x31: {  	_ =	swait.ge [sflag:s18], $0x1E00  }
0x32: {  	s0 =	sshll.u32 s1, $0x6;
	[sflag:s18] =	ssyncset.done $0x0  }
0x33: {  	s21 =	simm.s32 $0x8;
	s30 =	sor.u32 $0x1C03, s0;
	[sflag:s18] =	ssyncadd.s32 $0xFFFFE200  }
0x34: {  	[spmem:s19@s21], [sflag:s30] =	dma.strided [hbm:s10@s22], $0x1388, s20, $0x8   }
0x35: {  	_ =	swait.ge [sflag:s18], $0x1388  }
0x36: {  	[sflag:s18] =	ssyncset.done $0x0  }
0x37: {  	[sflag:s18] =	ssyncadd.s32 $0xFFFFEC78  }
0x38: {  	[bflag:$0x0] =	sbarrier.arrive $0xFFFF  }
0x39: {  	_ =	strace $0x90000048  }
0x3a: {  	s21 =	simm.s32 $0x0;
	_ =	strace $0x80000049  }
0x3b: {  	[tilespmem:s21], [sflag:$0x3] =	stream.linear.gather [hbm4b:s11+s21], $0x2800, $0x200038;
	[tilespmem:$0x1CA40] =	vst v63  }
0x3c: {  	_ =	swait.ge [sflag:s18], $0x2800  }
0x3d: {  	[sflag:s18] =	ssyncset.done $0x0  }
0x3e: {  	[sflag:s18] =	ssyncadd.s32 $0xFFFFD800  }
0x3f: {  	[tilespmem:s23], [sflag:$0x3] =	stream.linear.gather [hbm4b:s12+s21], $0x2800, $0x200038;
	[tilespmem:$0x1CA40] =	vst v63  }
0x40: {  	_ =	swait.ge [sflag:s18], $0x2800  }
0x41: {  	[sflag:s18] =	ssyncset.done $0x0  }
0x42: {  	[sflag:s18] =	ssyncadd.s32 $0xFFFFD800  }
0x43: {  	[tilespmem:s17], [sflag:$0x1] =	stream.indirect.gather [spmem:s3], $0x40, s21, s24, $0x2000b8;
	[tilespmem:$0x1CA40] =	vst v63  }
0x44: {  	_ = 	snop  }
0x45: {  	[tilespmem:s25], [sflag:$0x2] =	stream.indirect.gather [spmem:s3], $0x40, s24, s24, $0x2000b8;
	[tilespmem:$0x1CA40] =	vst v63  }
0x46: {  	_ =	swait.ge [sflag:s20], $0x2000  }
0x47: {  	[sflag:s20] =	ssyncset.done $0x0  }
0x48: {  	s21 =	simm.s32 $0x2800;
	[sflag:s20] =	ssyncadd.s32 $0xFFFFE000  }
0x49: {  	[spmem:s2] =	stream.indirect.scatter.add.f32 [tilespmem:s17], [sflag:$0x3], $0x40, s21, s24, $0x2000b8;
	[tilespmem:$0x1CA40] =	vst v63  }
0x4a: {  	_ =	swait.ge [sflag:s18], $0x2000  }
0x4b: {  	[sflag:s18] =	ssyncset.done $0x0  }
0x4c: {  	s21 =	simm.s32 $0x100;
	[sflag:s18] =	ssyncadd.s32 $0xFFFFE000  }
0x4d: {  	[tilespmem:s17], [sflag:$0x1] =	stream.indirect.gather [spmem:s3], $0x40, s21, s24, $0x2000b8;
	[tilespmem:$0x1CA40] =	vst v63  }
0x4e: {  	_ =	swait.ge [sflag:s26], $0x2000  }
0x4f: {  	[sflag:s26] =	ssyncset.done $0x0  }
0x50: {  	s21 =	simm.s32 $0x2880;
	[sflag:s26] =	ssyncadd.s32 $0xFFFFE000  }
0x51: {  	[spmem:s2] =	stream.indirect.scatter.add.f32 [tilespmem:s25], [sflag:$0x3], $0x40, s21, s24, $0x2000b8;
	[tilespmem:$0x1CA40] =	vst v63  }
0x52: {  	_ =	swait.ge [sflag:s18], $0x2000  }
0x53: {  	[sflag:s18] =	ssyncset.done $0x0  }
0x54: {  	s31 =	simm.s32 $0x400;
	s0 =	simm.s32 $0x180;
	[sflag:s18] =	ssyncadd.s32 $0xFFFFE000  }
.LBB2_4:
0x55: {  	[tilespmem:s25], [sflag:$0x2] =	stream.indirect.gather [spmem:s3], $0x40, s0, s24, $0x2000b8;
	[tilespmem:$0x1CA40] =	vst v63  }
0x56: {  	s0 =	smov.u32 s31  }
0x57: {  	p0 =	sne.s32 s31, $0x9800;
	s31 =	sadd.s32 $0x400, s31;
	_ =	swait.ge [sflag:s20], $0x2000  }
0x58: {  	s0 =	sshra.s32 s0, $0x2;
	[sflag:s20] =	ssyncset.done $0x0  }
0x59: {  	s21 =	sadd.s32 $0x2800, s0;
	[sflag:s20] =	ssyncadd.s32 $0xFFFFE000  }
0x5a: {  	[spmem:s2] =	stream.indirect.scatter.add.f32 [tilespmem:s17], [sflag:$0x3], $0x40, s21, s24, $0x2000b8;
	[tilespmem:$0x1CA40] =	vst v63  }
0x5b: {  	_ =	swait.ge [sflag:s18], $0x2000  }
0x5c: {  	[sflag:s18] =	ssyncset.done $0x0  }
0x5d: {  	s21 =	sadd.s32 $0x100, s0;
	[sflag:s18] =	ssyncadd.s32 $0xFFFFE000  }
0x5e: {  	[tilespmem:s17], [sflag:$0x1] =	stream.indirect.gather [spmem:s3], $0x40, s21, s24, $0x2000b8;
	[tilespmem:$0x1CA40] =	vst v63  }
0x5f: {  	_ =	swait.ge [sflag:s26], $0x2000  }
0x60: {  	[sflag:s26] =	ssyncset.done $0x0  }
.Ltmp1:
0x61: {  	s21 =	sadd.s32 $0x2880, s0;
	[sflag:s26] =	ssyncadd.s32 $0xFFFFE000;
	(pc) =	sbr.rel @p0 .LBB2_4-.Ltmp1, $4  }
0x62: {  	[spmem:s2] =	stream.indirect.scatter.add.f32 [tilespmem:s25], [sflag:$0x3], $0x40, s21, s24, $0x2000b8;
	[tilespmem:$0x1CA40] =	vst v63  }
0x63: {  	_ =	swait.ge [sflag:s18], $0x2000  }
0x64: {  	[sflag:s18] =	ssyncset.done $0x0  }
0x65: {  	s0 =	sadd.s32 $0x180, s0;
	[sflag:s18] =	ssyncadd.s32 $0xFFFFE000  }
0x66: {  	[tilespmem:s25], [sflag:$0x2] =	stream.indirect.gather [spmem:s3], $0x40, s0, s24, $0x2000b8;
	[tilespmem:$0x1CA40] =	vst v63  }
0x67: {  	_ =	swait.ge [sflag:s20], $0x2000  }
0x68: {  	[sflag:s20] =	ssyncset.done $0x0  }
0x69: {  	[sflag:s20] =	ssyncadd.s32 $0xFFFFE000  }
0x6a: {  	[spmem:s2] =	stream.indirect.scatter.add.f32 [tilespmem:s17], [sflag:$0x3], $0x40, s28, s24, $0x2000b8;
	[tilespmem:$0x1CA40] =	vst v63  }
0x6b: {  	_ =	swait.ge [sflag:s18], $0x2000  }
0x6c: {  	[sflag:s18] =	ssyncset.done $0x0  }
0x6d: {  	[sflag:s18] =	ssyncadd.s32 $0xFFFFE000  }
0x6e: {  	_ =	swait.ge [sflag:s26], $0x2000  }
0x6f: {  	[sflag:s26] =	ssyncset.done $0x0  }
0x70: {  	[sflag:s26] =	ssyncadd.s32 $0xFFFFE000  }
0x71: {  	[spmem:s2] =	stream.indirect.scatter.add.f32 [tilespmem:s25], [sflag:$0x3], $0x40, s29, s24, $0x2000b8;
	[tilespmem:$0x1CA40] =	vst v63  }
0x72: {  	_ =	swait.ge [sflag:s18], $0x2000  }
0x73: {  	[sflag:s18] =	ssyncset.done $0x0  }
0x74: {  	s21 =	simm.s32 $0x0;
	[sflag:s18] =	ssyncadd.s32 $0xFFFFE000  }
0x75: {  	[tilespmem:s21], [sflag:$0x3] =	stream.linear.gather [hbm4b:s13+s21], $0x2800, $0x200038;
	[tilespmem:$0x1CA40] =	vst v63  }
0x76: {  	_ =	swait.ge [sflag:s18], $0x2800  }
0x77: {  	[sflag:s18] =	ssyncset.done $0x0  }
0x78: {  	[sflag:s18] =	ssyncadd.s32 $0xFFFFD800  }
0x79: {  	[tilespmem:s23], [sflag:$0x3] =	stream.linear.gather [hbm4b:s14+s21], $0x2800, $0x200038;
	[tilespmem:$0x1CA40] =	vst v63  }
0x7a: {  	_ =	swait.ge [sflag:s18], $0x2800  }
0x7b: {  	[sflag:s18] =	ssyncset.done $0x0  }
0x7c: {  	[sflag:s18] =	ssyncadd.s32 $0xFFFFD800  }
0x7d: {  	[tilespmem:s17], [sflag:$0x1] =	stream.indirect.gather [spmem:s3], $0x40, s21, s24, $0x2000b8;
	[tilespmem:$0x1CA40] =	vst v63  }
0x7e: {  	_ = 	snop  }
0x7f: {  	[tilespmem:s25], [sflag:$0x2] =	stream.indirect.gather [spmem:s3], $0x40, s24, s24, $0x2000b8;
	[tilespmem:$0x1CA40] =	vst v63  }
0x80: {  	_ =	swait.ge [sflag:s20], $0x2000  }
0x81: {  	[sflag:s20] =	ssyncset.done $0x0  }
0x82: {  	s21 =	simm.s32 $0x2800;
	[sflag:s20] =	ssyncadd.s32 $0xFFFFE000  }
0x83: {  	[spmem:s2] =	stream.indirect.scatter.add.f32 [tilespmem:s17], [sflag:$0x3], $0x40, s21, s24, $0x2000b8;
	[tilespmem:$0x1CA40] =	vst v63  }
0x84: {  	_ =	swait.ge [sflag:s18], $0x2000  }
0x85: {  	[sflag:s18] =	ssyncset.done $0x0  }
0x86: {  	s21 =	simm.s32 $0x100;
	[sflag:s18] =	ssyncadd.s32 $0xFFFFE000  }
0x87: {  	[tilespmem:s17], [sflag:$0x1] =	stream.indirect.gather [spmem:s3], $0x40, s21, s24, $0x2000b8;
	[tilespmem:$0x1CA40] =	vst v63  }
0x88: {  	_ =	swait.ge [sflag:s26], $0x2000  }
0x89: {  	[sflag:s26] =	ssyncset.done $0x0  }
0x8a: {  	s21 =	simm.s32 $0x2880;
	[sflag:s26] =	ssyncadd.s32 $0xFFFFE000  }
0x8b: {  	[spmem:s2] =	stream.indirect.scatter.add.f32 [tilespmem:s25], [sflag:$0x3], $0x40, s21, s24, $0x2000b8;
	[tilespmem:$0x1CA40] =	vst v63  }
0x8c: {  	_ =	swait.ge [sflag:s18], $0x2000  }
0x8d: {  	[sflag:s18] =	ssyncset.done $0x0  }
0x8e: {  	s31 =	simm.s32 $0x400;
	s0 =	simm.s32 $0x180;
	[sflag:s18] =	ssyncadd.s32 $0xFFFFE000  }
.LBB2_6:
0x8f: {  	[tilespmem:s25], [sflag:$0x2] =	stream.indirect.gather [spmem:s3], $0x40, s0, s24, $0x2000b8;
	[tilespmem:$0x1CA40] =	vst v63  }
0x90: {  	s0 =	smov.u32 s31  }
0x91: {  	p0 =	sne.s32 s31, $0x9800;
	s31 =	sadd.s32 $0x400, s31;
	_ =	swait.ge [sflag:s20], $0x2000  }
0x92: {  	s0 =	sshra.s32 s0, $0x2;
	[sflag:s20] =	ssyncset.done $0x0  }
0x93: {  	s21 =	sadd.s32 $0x2800, s0;
	[sflag:s20] =	ssyncadd.s32 $0xFFFFE000  }
0x94: {  	[spmem:s2] =	stream.indirect.scatter.add.f32 [tilespmem:s17], [sflag:$0x3], $0x40, s21, s24, $0x2000b8;
	[tilespmem:$0x1CA40] =	vst v63  }
0x95: {  	_ =	swait.ge [sflag:s18], $0x2000  }
0x96: {  	[sflag:s18] =	ssyncset.done $0x0  }
0x97: {  	s21 =	sadd.s32 $0x100, s0;
	[sflag:s18] =	ssyncadd.s32 $0xFFFFE000  }
0x98: {  	[tilespmem:s17], [sflag:$0x1] =	stream.indirect.gather [spmem:s3], $0x40, s21, s24, $0x2000b8;
	[tilespmem:$0x1CA40] =	vst v63  }
0x99: {  	_ =	swait.ge [sflag:s26], $0x2000  }
0x9a: {  	[sflag:s26] =	ssyncset.done $0x0  }
.Ltmp2:
0x9b: {  	s21 =	sadd.s32 $0x2880, s0;
	[sflag:s26] =	ssyncadd.s32 $0xFFFFE000;
	(pc) =	sbr.rel @p0 .LBB2_6-.Ltmp2, $4  }
0x9c: {  	[spmem:s2] =	stream.indirect.scatter.add.f32 [tilespmem:s25], [sflag:$0x3], $0x40, s21, s24, $0x2000b8;
	[tilespmem:$0x1CA40] =	vst v63  }
0x9d: {  	_ =	swait.ge [sflag:s18], $0x2000  }
0x9e: {  	[sflag:s18] =	ssyncset.done $0x0  }
0x9f: {  	s0 =	sadd.s32 $0x180, s0;
	[sflag:s18] =	ssyncadd.s32 $0xFFFFE000  }
0xa0: {  	[tilespmem:s25], [sflag:$0x2] =	stream.indirect.gather [spmem:s3], $0x40, s0, s24, $0x2000b8;
	[tilespmem:$0x1CA40] =	vst v63  }
0xa1: {  	_ =	swait.ge [sflag:s20], $0x2000  }
0xa2: {  	[sflag:s20] =	ssyncset.done $0x0  }
0xa3: {  	[sflag:s20] =	ssyncadd.s32 $0xFFFFE000  }
0xa4: {  	[spmem:s2] =	stream.indirect.scatter.add.f32 [tilespmem:s17], [sflag:$0x3], $0x40, s28, s24, $0x2000b8;
	[tilespmem:$0x1CA40] =	vst v63  }
0xa5: {  	_ =	swait.ge [sflag:s18], $0x2000  }
0xa6: {  	[sflag:s18] =	ssyncset.done $0x0  }
0xa7: {  	[sflag:s18] =	ssyncadd.s32 $0xFFFFE000  }
0xa8: {  	_ =	swait.ge [sflag:s26], $0x2000  }
0xa9: {  	[sflag:s26] =	ssyncset.done $0x0  }
0xaa: {  	[sflag:s26] =	ssyncadd.s32 $0xFFFFE000  }
0xab: {  	[spmem:s2] =	stream.indirect.scatter.add.f32 [tilespmem:s25], [sflag:$0x3], $0x40, s29, s24, $0x2000b8;
	[tilespmem:$0x1CA40] =	vst v63  }
0xac: {  	_ =	swait.ge [sflag:s18], $0x2000  }
0xad: {  	[sflag:s18] =	ssyncset.done $0x0  }
0xae: {  	[sflag:s18] =	ssyncadd.s32 $0xFFFFE000  }
0xaf: {  	[bflag:$0x0] =	sbarrier.arrive $0xFFFF  }
0xb0: {  	s4 =	sadd.s32 $0x1, s4;
	_ =	strace $0x90000049  }
0xb1: {  	s31 =	sshrl.u32 s5, $0x3;
	p0 =	sne.s32 s4, s16;
	_ =	strace $0x8000004A  }
0xb2: {  	[hbm:s15], [sflag:s30] =	dma.local [spmem:s31], $0x13C0  }
.Ltmp3:
0xb3: {  	_ = 	snop;
	(pc) =	sbr.rel @p0 .LBB2_1-.Ltmp3, $4  }
0xb4: {  	_ =	swait.ge [sflag:s18], $0x13C0  }
0xb5: {  	[sflag:s18] =	ssyncset.done $0x0  }
0xb6: {  	[sflag:s18] =	ssyncadd.s32 $0xFFFFEC40  }
0xb7: {  	_ =	strace $0x9000004A  }
0xb8: {  	_ =	sfence.sel $0x180000  }
0xb9: {  	[bflag:$0x0] =	sbarrier.arrive $0xFFFF  }
0xba: {  	_ =	strace $0x90000047  }
0xbb: {  	[bflag:$0x2] =	sbarrier.arrive $0xFFFF  }
0xbc: {  	p0 =	sne.s32 s1, $0x0;
	s0 =	rddreg [dreg:$0x5]  }
0xbd: {  	s0 =	sadd.s32 @!p0 $0x100000, s0  }
0xbe: {  	[sflag:s0] =	ssyncadd.tile.s32 @!p0 $0x1;
	_ =	shalt  }
.Lfunc_end2:
_tile_overlayer_lowered:
.L_overlay_start_2:
0xbf: {  	(tag) =	ssettag $0x2  }
0xc0: {  	s0 =	rddreg [dreg:$0x0];
	s2 =	stileid.u32  }
0xc1: {  	s1 =	rddreg [dreg:$0x1];
	p0 =	sne.s32 s2, $0x0  }
0xc2: {  	s3 =	rddreg [dreg:$0x2];
	[bflag:$0x3] =	sbarrier.arrive $0xFFFF;
	s2 =	simm.s32 @!p0 $0x1C03  }
0xc3: {  	[timem:s3], [sflag:s2] =	dma.local @!p0 [hbm:s0], s1  }
0xc4: {  	s0 =	simm.s32 @!p0 $0x3  }
0xc5: {  	_ =	swait.ge @!p0 [sflag:s0], s1  }
0xc6: {  	s1 =	ssub.s32 @!p0 $0x0, s1;
	[sflag:s0] =	ssyncset.done @!p0 $0x0  }
0xc7: {  	[sflag:s0] =	ssyncadd.s32 @!p0 s1  }
0xc8: {  	[bflag:$0x3] =	sbarrier.arrive $0xFFFF  }
0xc9: {  	_ =	shalt  }

// kernel: kernel.9.cloned.1.call-start
scs
__scs_entry_jumppad:
0x0: {  	(pc) =	sbr.rel $0x88, $3  }
0x1: {  	(tag) =	ssettag $0x0;
	lr =	simm.s32 $0x1  }
0x2: {  	[smem:$0x3F9B] =	sst lr;
	_ =	strace $0xD0000000  }
0x3: {  	_ = 	snop  }
0x4: {  	_ = 	snop  }
0x5: {  	_ = 	snop  }
0x6: {  	_ = 	snop  }
0x7: {  	_ = 	snop  }
__scs_overlays_trampoline_lowered:
0x8: {  	[smem:$0x3FAA] =	sst s0  }
0x9: {  	[smem:$0x3FAB] =	sst s1  }
0xa: {  	[smem:$0x3FAC] =	sst s2  }
0xb: {  	[smem:$0x3FAD] =	sst s3  }
0xc: {  	[smem:$0x3FAE] =	sst s4  }
0xd: {  	[smem:$0x3FAF] =	sst s5  }
0xe: {  	[smem:$0x3FB0] =	sst s6  }
0xf: {  	[smem:$0x3FB1] =	sst s7  }
0x10: {  	[smem:$0x3FB2] =	sst s8  }
0x11: {  	[smem:$0x3FB3] =	sst s9;
	s0 =	simm.s32 @!p0 $0x0  }
0x12: {  	s1 =	sld [smem:$0x3F99];
	s0 =	simm.s32 @p0 $0x1  }
0x13: {  	[smem:$0x3FB4] =	sst s0;
	s0 =	simm.s32 @!p1 $0x0  }
0x14: {  	s2 =	sld [smem:$0x3F98];
	s0 =	simm.s32 @p1 $0x1  }
0x15: {  	[smem:$0x3FB5] =	sst s0;
	s0 =	simm.s32 @!p2 $0x0  }
0x16: {  	s3 =	sld [smem:$0x3FDB];
	s0 =	simm.s32 @p2 $0x1  }
0x17: {  	s4 =	simm.s32 $0x1BF5;
	[smem:$0x3FB7] =	sst s0  }
0x18: {  	s0 =	sld [smem:$0x3F9A];
	_ =	swait.ge [sflag:s4], $0x0  }
0x19: {  	s7 =	sld [smem:$0x3F9B]  }
0x1a: {  	s8 =	sadd.s32 $0xFFFFE003, lr  }
0x1b: {  	s9 =	sadd.s32 $0xFFFFFEF7, lr;
	s5 =	simm.s32 $0xFFFFFFFF;
	p2 =	slt.u32 s8, $0xFFFFF086  }
0x1c: {  	p1 =	slt.u32 s9, $0xF7A;
	s5 =	simm.s32 @!p2 $0x0  }
0x1d: {  	s5 =	simm.s32 @p1 $0x1;
	p0 =	seq.s32 s7, s2  }
0x1e: {  	s7 =	smul.u32 @!p0 $0xF7A, s2;
	p2 =	seq.s32 @!p0 s5, $0x0  }
0x1f: {  	s9 =	smul.u32 $0xF7A, s1;
	s8 =	simm.s32 @!p0 $0x1BF5;
	p2 =	por !p2, p0  }
0x20: {  	[sflag:s8] =	ssyncset.s32 @!p0 $0xFFFFF086;
	s6 =	sadd.s32 @!p0 s3, s7;
	s7 =	simm.s32 @!p0 $0x108  }
0x21: {  	s3 =	sadd.s32 s3, s9;
	s6 =	sadd.s32 @!p0 $0x88, s6;
	s7 =	simm.s32 @p2 $0x1082  }
0x22: {  	[simem:s7], [sflag:s8] =	dma.local @!p0 [hbm:s6], $0xF7A  }
0x23: {  	s9 =	sor.u32 $0xD0000000, s2;
	s6 =	simm.s32 $0x108;
	_ =	swait.ge @!p0 [sflag:s8], $0x0  }
0x24: {  	s3 =	sadd.s32 $0x88, s3;
	s6 =	simm.s32 @!p1 $0x1082;
	[sflag:s4] =	ssyncset.s32 $0xFFFFF086  }
0x25: {  	[simem:s6], [sflag:s4] =	dma.local [hbm:s3], $0xF7A  }
0x26: {  	[smem:$0x3F9B] =	sst s1;
	(tag) =	ssettag s2;
	_ =	strace s9  }
0x27: {  	s1 =	sld [smem:$0x3FAB]  }
0x28: {  	s2 =	sld [smem:$0x3FAC]  }
0x29: {  	s4 =	sld [smem:$0x3FAE]  }
0x2a: {  	p0 =	seq.s32 s5, $0x0;
	s5 =	sld [smem:$0x3FAF]  }
0x2b: {  	s6 =	sld [smem:$0x3FB0]  }
0x2c: {  	s7 =	sld [smem:$0x3FB1]  }
0x2d: {  	s3 =	simm.s32 $0x108;
	s8 =	sld [smem:$0x3FB2]  }
0x2e: {  	s3 =	simm.s32 @!p0 $0x1082;
	s9 =	sld [smem:$0x3FB3]  }
0x2f: {  	lr =	sadd.s32 s0, s3;
	s0 =	sld [smem:$0x3FAA]  }
0x30: {  	s3 =	sld [smem:$0x3FAD]  }
0x31: {  	[smem:$0x3FB6] =	sst s10  }
0x32: {  	s10 =	sld [smem:$0x3FB4];
	_ =	sdelay $0x3  }
0x33: {  	p0 =	seq.s32 s10, $0x1;
	s10 =	sld [smem:$0x3FB6];
	_ =	sdelay $0x3  }
0x34: {  	[smem:$0x3FB6] =	sst s10  }
0x35: {  	s10 =	sld [smem:$0x3FB5];
	_ =	sdelay $0x3  }
0x36: {  	p1 =	seq.s32 s10, $0x1;
	s10 =	sld [smem:$0x3FB6];
	_ =	sdelay $0x3  }
0x37: {  	[smem:$0x3FB6] =	sst s10  }
0x38: {  	s10 =	sld [smem:$0x3FB7]  }
0x39: {  	_ = 	snop;
	(pc) =	sbr.ind lr, $3  }
0x3a: {  	_ = 	snop  }
0x3b: {  	_ = 	snop  }
0x3c: {  	p2 =	seq.s32 s10, $0x1;
	s10 =	sld [smem:$0x3FB6]  }
0x3d: {  	_ =	shalt  }
0x3e: {  	_ =	shalt  }
0x3f: {  	_ =	shalt  }
0x40: {  	_ =	shalt  }
0x41: {  	_ =	shalt  }
0x42: {  	_ =	shalt  }
0x43: {  	_ =	shalt  }
0x44: {  	_ =	shalt  }
0x45: {  	_ =	shalt  }
0x46: {  	_ =	shalt  }
0x47: {  	_ =	shalt  }
0x48: {  	_ =	shalt  }
0x49: {  	_ =	shalt  }
0x4a: {  	_ =	shalt  }
0x4b: {  	_ =	shalt  }
0x4c: {  	_ =	shalt  }
0x4d: {  	_ =	shalt  }
0x4e: {  	_ =	shalt  }
0x4f: {  	_ =	shalt  }
0x50: {  	_ =	shalt  }
0x51: {  	_ =	shalt  }
0x52: {  	_ =	shalt  }
0x53: {  	_ =	shalt  }
0x54: {  	_ =	shalt  }
0x55: {  	_ =	shalt  }
0x56: {  	_ =	shalt  }
0x57: {  	_ =	shalt  }
0x58: {  	_ =	shalt  }
0x59: {  	_ =	shalt  }
0x5a: {  	_ =	shalt  }
0x5b: {  	_ =	shalt  }
0x5c: {  	_ =	shalt  }
0x5d: {  	_ =	shalt  }
0x5e: {  	_ =	shalt  }
0x5f: {  	_ =	shalt  }
0x60: {  	_ =	shalt  }
0x61: {  	_ =	shalt  }
0x62: {  	_ =	shalt  }
0x63: {  	_ =	shalt  }
0x64: {  	_ =	shalt  }
0x65: {  	_ =	shalt  }
0x66: {  	_ =	shalt  }
0x67: {  	_ =	shalt  }
0x68: {  	_ =	shalt  }
0x69: {  	_ =	shalt  }
0x6a: {  	_ =	shalt  }
0x6b: {  	_ =	shalt  }
0x6c: {  	_ =	shalt  }
0x6d: {  	_ =	shalt  }
0x6e: {  	_ =	shalt  }
0x6f: {  	_ =	shalt  }
0x70: {  	_ =	shalt  }
0x71: {  	_ =	shalt  }
0x72: {  	_ =	shalt  }
0x73: {  	_ =	shalt  }
0x74: {  	_ =	shalt  }
0x75: {  	_ =	shalt  }
0x76: {  	_ =	shalt  }
0x77: {  	_ =	shalt  }
0x78: {  	_ =	shalt  }
0x79: {  	_ =	shalt  }
0x7a: {  	_ =	shalt  }
0x7b: {  	_ =	shalt  }
0x7c: {  	_ =	shalt  }
0x7d: {  	_ =	shalt  }
0x7e: {  	_ =	shalt  }
0x7f: {  	_ =	shalt  }
0x80: {  	_ =	shalt  }
0x81: {  	_ =	shalt  }
0x82: {  	_ =	shalt  }
0x83: {  	_ =	shalt  }
0x84: {  	_ =	shalt  }
0x85: {  	_ =	shalt  }
0x86: {  	_ =	shalt  }
0x87: {  	_ =	shalt  }
.Lfunc_end0:
.L_simem_size_0:
called_computation.1_lowered:
.L_overlay_start_0:
0x88: {  	s2 =	sld [smem:$0x3FD9]  }
0x89: {  	s3 =	sld [smem:$0x3FFE];
	_ =	sdelay $0x1  }
0x8a: {  	s1 =	srdreg.scid  }
0x8b: {  	s0 =	sand.u32 $0x1, s1  }
0x8c: {  	s17 =	sshll.u32 s0, $0xA;
	s2 =	sadd.s32 s3, s2  }
0x8d: {  	s2 =	sadd.s32 s2, s17  }
0x8e: {  	[smem:$0x3FC2] =	sst s2  }
0x8f: {  	_ = 	snop  }
0x90: {  	s2 =	sld [smem:$0x3FD0];
	(tm) =	ssettm $0x1  }
0x91: {  	s18 =	sld [smem:$0x3FFB];
	_ =	sdelay $0x3  }
0x92: {  	_ =	strace s18  }
0x93: {  	s3 =	sld [smem:$0x3FFC];
	_ =	sdelay $0x3  }
0x94: {  	_ =	strace s3  }
0x95: {  	s3 =	sld [smem:$0x3FFD];
	_ =	sdelay $0x3  }
0x96: {  	_ =	strace s3  }
0x97: {  	_ =	strace $0x8FFFFFFF  }
0x98: {  	s19 =	sld [smem:$0x3FDB];
	_ =	sdelay $0x1  }
0x99: {  	s4 =	simm.s32 $_scs_section_size  }
0x9a: {  	s5 =	simm.s32 $_size__tile_overlayer_lowered;
	s6 =	simm.s32 $_tile_overlayer_lowered  }
0x9b: {  	s22 =	simm.s32 $0x1BFF;
	s21 =	sshll.u32 s6, $0x1;
	s3 =	sadd.s32 s4, s19  }
0x9c: {  	s7 =	simm.s32 $0x0;
	s20 =	sshll.u32 s5, $0x1;
	s5 =	sadd.s32 s21, s3  }
0x9d: {  	[timem:s7], [sflag:s22] =	dma.local [hbm:s5], s20  }
0x9e: {  	_ =	swait.ge [sflag:s22], s20  }
0x9f: {  	s4 =	ssub.s32 $0x0, s20;
	[sflag:s22] =	ssyncset.done $0x0  }
0xa0: {  	[sflag:s22] =	ssyncadd.s32 s4;
	_ =	sdelay $0x1  }
0xa1: {  	s23 =	simm.s32 $0x1B8B  }
0xa2: {  	_ =	swait.ge [sflag:s23], $0x1  }
0xa3: {  	[sflag:s23] =	ssyncset.done $0x0  }
0xa4: {  	s25 =	simm.s32 $0x1B8E;
	s24 =	sld [smem:$0x3FFE];
	[sflag:s23] =	ssyncadd.s32 $0xFFFFFFFF  }
0xa5: {  	s26 =	simm.s32 $execute0_lowered;
	[smem:$0x3FD2] =	sst s25  }
0xa6: {  	s5 =	sshll.u32 s26, $0x1;
	_ =	strace $0x8000004C;
	[dreg:$0x1] =	wrdreg $0xFFFFFFFF  }
0xa7: {  	s28 =	simm.s32 $_size_execute0_lowered;
	s3 =	sadd.s32 s3, s5;
	[dreg:$0x0] =	wrdreg $0x0  }
0xa8: {  	s5 =	sshll.u32 s28, $0x1;
	[dreg:$0x2] =	wrdreg s3  }
0xa9: {  	[dreg:$0x3] =	wrdreg s5  }
0xaa: {  	[dreg:$0x4] =	wrdreg $0xC0  }
0xab: {  	_ =	task [dreg:s7], $0x5FFFF  }
0xac: {  	[dreg:$0x1] =	wrdreg $0xFFFFFFFF  }
0xad: {  	[dreg:$0x0] =	wrdreg $0x60  }
0xae: {  	[dreg:$0x2] =	wrdreg s24  }
0xaf: {  	[dreg:$0x3] =	wrdreg s2  }
0xb0: {  	[dreg:$0x4] =	wrdreg $0x11E200  }
0xb1: {  	[dreg:$0x5] =	wrdreg $0xD0000  }
0xb2: {  	[dreg:$0x6] =	wrdreg $0x9  }
0xb3: {  	_ =	task.clear_ibuf [dreg:s7], $0x7FFFF;
	_ =	strace $0x9000004C  }
0xb4: {  	s29 =	simm.s32 $0x9;
	_ =	strace $0x80000051  }
0xb5: {  	_ =	swait.ge [sflag:s29], $0x1  }
0xb6: {  	[sflag:s29] =	ssyncadd.s32 $0xFFFFFFFF  }
0xb7: {  	_ =	strace $0x90000051  }
0xb8: {  	_ =	sfence  }
0xb9: {  	s30 =	sld [smem:$0x0];
	_ =	sdelay $0x2  }
0xba: {  	s31 =	sshll.u32 s1, $0xD;
	s1 =	sshrl.u32 s1, $0x2  }
0xbb: {  	s3 =	sand.u32 $0x4000, s31;
	s1 =	sadd.s32 s1, s30  }
0xbc: {  	s0 =	sor.u32 s3, s0;
	s1 =	sshll.u32 s1, $0x11  }
0xbd: {  	s0 =	sor.u32 s1, s0  }
0xbe: {  	s0 =	sadd.s32 $0x8F2B, s0  }
0xbf: {  	[sflag:s0] =	ssyncadd.remote.s32 $0x1  }
0xc0: {  	_ =	sfence.sel $0xFFFF  }
0xc1: {  	[dreg:$0x0] =	wrdreg $0xFFFFFFFF;
	(pc) =	sbr.abs _section_cstart, $3  }
0xc2: {  	[dreg:$0x1] =	wrdreg $0xFFFFFFFF  }
0xc3: {  	_ =	task.clear_ibuf [dreg:s7], $0x2FFFF;
	_ =	strace $0x9FFFFFFF  }
0xc4: {  	(tm) =	ssettm $0x7FFFFFFF  }
0xc5: {  	_ =	shalt  }
tec
execute0_lowered:
.L_overlay_start_1:
0x0: {  	(tag) =	ssettag $0x1  }
0x1: {  	s0 =	rddreg [dreg:$0x0]  }
0x2: {  	s1 =	rddreg [dreg:$0x1];
	s12 =	stileid.u32  }
0x3: {  	s2 =	rddreg [dreg:$0x2];
	s6 =	smul.u32 $0x9C40, s12  }
0x4: {  	s4 =	srdreg.scid;
	s25 =	smul.u32 $0x4F00, s12  }
0x5: {  	s3 =	rddreg [dreg:$0x3];
	s28 =	simm.s32 $0x7000;
	s9 =	smul.u32 $0x13C00, s12  }
0x6: {  	s30 =	simm.s32 $0x8000;
	s29 =	simm.s32 $0x4D80;
	s15 =	smul.u32 $0x13880, s12  }
0x7: {  	s31 =	simm.s32 $0x4E00;
	s5 =	sand.u32 $0x1, s4;
	s18 =	smul.u32 $0x5000, s12  }
0x8: {  	s4 =	simm.s32 $0x0;
	s10 =	sadd.s32 $0x1000, s0;
	s12 =	smul.u32 $0xA00, s12  }
0x9: {  	s7 =	sshll.u32 s5, $0x5;
	[smem:$0x7FF] =	sst s4;
	s8 =	smul.u32 $0x4F000, s5  }
0xa: {  	s5 =	ssub.s32 $0x2, s5;
	s6 =	sor.u32 s7, s6;
	_ =	strace $0x8000004D  }
0xb: {  	s11 =	sshrl.u32 s5, $0x1;
	s9 =	sshrl.u32 s9, $0x2;
	s20 =	sshrl.u32 s18, $0x3  }
0xc: {  	s21 =	sadd.s32 s1, s12;
	s23 =	sadd.s32 s10, s12;
	s18 =	simm.s32 $0x9  }
0xd: {  	s12 =	simm.s32 $0x5;
	s6 =	sshrl.u32 s6, $0x3;
	s8 =	sadd.s32 s25, s8  }
0xe: {  	s26 =	ssub.s32 s5, s11;
	s5 =	sadd.s32 s25, s2;
	s14 =	sadd.s32 s9, s2  }
0xf: {  	s9 =	sshrl.u32 s15, $0x2;
	[dreg:$0xa] =	wrdreg s21;
	s22 =	sadd.s32 $0x500, s20  }
0x10: {  	[dreg:$0xb] =	wrdreg s23;
	s20 =	simm.s32 $0x1;
	s21 =	simm.s32 $0x4  }
0x11: {  	s11 =	simm.s32 $0x2;
	s23 =	simm.s32 $0x3;
	s16 =	sadd.s32 $0x1000, s14  }
0x12: {  	s6 =	sadd.s32 s6, s0;
	s17 =	sadd.s32 $0x2000, s14;
	[dreg:$0x5] =	wrdreg s16  }
0x13: {  	s8 =	sshrl.u32 s8, $0x3;
	s13 =	sadd.s32 $0x3000, s14;
	[dreg:$0x6] =	wrdreg s17  }
0x14: {  	s7 =	sadd.s32 $0x4000, s14;
	s19 =	sadd.s32 s9, s3;
	[dreg:$0x7] =	wrdreg s13  }
0x15: {  	s1 =	sadd.s32 s1, s22;
	s24 =	sadd.s32 s10, s22;
	[dreg:$0x8] =	wrdreg s7  }
0x16: {  	s25 =	smax.u32 s26, $0x1;
	s22 =	simm.s32 $0x8;
	[dreg:$0xc] =	wrdreg s1  }
0x17: {  	s10 =	simm.s32 $0xC000;
	s14 =	simm.s32 $0x7;
	[dreg:$0xd] =	wrdreg s24  }
0x18: {  	s0 =	sadd.s32 s8, s0;
	s6 =	sadd.s32 $0xB000, s6;
	[dreg:$0xf] =	wrdreg s25  }
0x19: {  	s17 =	simm.s32 $0x5000;
	s26 =	sshrl.u32 s19, $0x3;
	s24 =	simm.s32 $0x80  }
0x1a: {  	s25 =	simm.s32 $0x6000;
	s1 =	simm.s32 $0x9000;
	s8 =	simm.s32 $0xB000  }
0x1b: {  	s13 =	simm.s32 $0x6;
	s19 =	simm.s32 $0x4E80;
	[dreg:$0x9] =	wrdreg s6  }
0x1c: {  	s7 =	simm.s32 $0x4F80;
	s0 =	sadd.s32 $0x1EA00, s0;
	[dreg:$0x10] =	wrdreg s26  }
0x1d: {  	v0 =	vimm.f32 $0.0e+00;
	s6 =	simm.s32 $0xA000;
	[dreg:$0xe] =	wrdreg s0;
	s0 =	simm.s32 $0x4F00  }
.LBB2_1:
0x1e: {  	_ =	strace $0x8000004E;
	s9 =	simm.s32 $0x80;
	s15 =	simm.s32 $0x0  }
.LBB2_2:
0x1f: {  	p0 =	sne.s32 s9, $0x3F80;
	[tilespmem:s15+$0x5000] =	vst v0;
	s26 =	smov.u32 s9;
	s9 =	sadd.s32 $0x80, s9  }
.Ltmp0:
0x20: {  	[tilespmem:s15+$0x5010] =	vst v0;
	(pc) =	sbr.rel @p0 .LBB2_2-.Ltmp0, $2  }
0x21: {  	_ =	sdelay $0x2  }
0x22: {  	s15 =	sshra.s32 s26, $0x2  }
0x23: {  	[tilespmem:s15+$0x5000] =	vst v0  }
0x24: {  	[tilespmem:s15+$0x5010] =	vst v0  }
0x25: {  	[spmem:s5] =	stream.linear.scatter [tilespmem:s17], [sflag:$0x9], $0x1000, $0x200038;
	[tilespmem:$0x16D20] =	vst v63  }
0x26: {  	_ =	swait.ge [sflag:s18], $0x1000  }
0x27: {  	[sflag:s18] =	ssyncset.done $0x0  }
0x28: {  	s9 =	rddreg [dreg:$0x5];
	[sflag:s18] =	ssyncadd.s32 $0xFFFFF000  }
0x29: {  	[spmem:s9] =	stream.linear.scatter [tilespmem:s17], [sflag:$0x9], $0x1000, $0x200038;
	[tilespmem:$0x16D20] =	vst v63  }
0x2a: {  	_ =	swait.ge [sflag:s18], $0x1000  }
0x2b: {  	[sflag:s18] =	ssyncset.done $0x0  }
0x2c: {  	s16 =	rddreg [dreg:$0x6];
	[sflag:s18] =	ssyncadd.s32 $0xFFFFF000  }
0x2d: {  	[spmem:s16] =	stream.linear.scatter [tilespmem:s17], [sflag:$0x9], $0x1000, $0x200038;
	[tilespmem:$0x16D20] =	vst v63  }
0x2e: {  	_ =	swait.ge [sflag:s18], $0x1000  }
0x2f: {  	[sflag:s18] =	ssyncset.done $0x0  }
0x30: {  	s26 =	rddreg [dreg:$0x7];
	[sflag:s18] =	ssyncadd.s32 $0xFFFFF000  }
0x31: {  	[spmem:s26] =	stream.linear.scatter [tilespmem:s17], [sflag:$0x9], $0x1000, $0x200038;
	[tilespmem:$0x16D20] =	vst v63  }
0x32: {  	_ =	swait.ge [sflag:s18], $0x1000  }
0x33: {  	[sflag:s18] =	ssyncset.done $0x0  }
0x34: {  	s15 =	rddreg [dreg:$0x8];
	[sflag:s18] =	ssyncadd.s32 $0xFFFFF000  }
0x35: {  	[spmem:s15] =	stream.linear.scatter [tilespmem:s17], [sflag:$0x9], $0xF00, $0x200038;
	[tilespmem:$0x16D20] =	vst v63  }
0x36: {  	s16 =	stileid.u32;
	_ =	swait.ge [sflag:s18], $0xF00  }
0x37: {  	s9 =	sshll.u32 s16, $0x6;
	[sflag:s18] =	ssyncset.done $0x0;
	s26 =	rddreg [dreg:$0x9]  }
0x38: {  	s9 =	sor.u32 $0x1C09, s9;
	s16 =	rddreg [dreg:$0x10];
	[sflag:s18] =	ssyncadd.s32 $0xFFFFF100  }
0x39: {  	[spmem:s16@s21], [sflag:s9] =	dma.strided [hbm:s26@s22], $0x9C4, s20, $0x4   }
0x3a: {  	_ =	swait.ge [sflag:s18], $0x9C4  }
0x3b: {  	[sflag:s18] =	ssyncset.done $0x0  }
0x3c: {  	[sflag:s18] =	ssyncadd.s32 $0xFFFFF63C  }
0x3d: {  	[bflag:$0x0] =	sbarrier.arrive $0xFFFF  }
0x3e: {  	_ =	strace $0x9000004E  }
0x3f: {  	_ =	strace $0x8000004F  }
0x40: {  	s15 =	simm.s32 $0x0;
	s26 =	rddreg [dreg:$0xa]  }
0x41: {  	[tilespmem:s15], [sflag:$0x9] =	stream.linear.gather [hbm4b:s26+s15], $0x2800, $0x200038;
	[tilespmem:$0x16D20] =	vst v63  }
0x42: {  	_ =	swait.ge [sflag:s18], $0x2800  }
0x43: {  	[sflag:s18] =	ssyncset.done $0x0  }
0x44: {  	s26 =	simm.s32 $0x2800;
	s16 =	rddreg [dreg:$0xb];
	[sflag:s18] =	ssyncadd.s32 $0xFFFFD800  }
0x45: {  	[tilespmem:s26], [sflag:$0x9] =	stream.linear.gather [hbm4b:s16+s15], $0x2800, $0x200038;
	[tilespmem:$0x16D20] =	vst v63  }
0x46: {  	_ =	swait.ge [sflag:s18], $0x2800  }
0x47: {  	[sflag:s18] =	ssyncset.done $0x0  }
0x48: {  	[sflag:s18] =	ssyncadd.s32 $0xFFFFD800  }
0x49: {  	[tilespmem:s17], [sflag:$0x1] =	stream.indirect.gather [spmem:s3], $0x20, s15, s24, $0x2000b8;
	[tilespmem:$0x16D20] =	vst v63  }
0x4a: {  	_ = 	snop  }
0x4b: {  	[tilespmem:s25], [sflag:$0x2] =	stream.indirect.gather [spmem:s3], $0x20, s24, s24, $0x2000b8;
	[tilespmem:$0x16D20] =	vst v63  }
0x4c: {  	s26 =	simm.s32 $0x100  }
0x4d: {  	[tilespmem:s28], [sflag:$0x3] =	stream.indirect.gather [spmem:s3], $0x20, s26, s24, $0x2000b8;
	[tilespmem:$0x16D20] =	vst v63  }
0x4e: {  	s16 =	simm.s32 $0x180  }
0x4f: {  	[tilespmem:s30], [sflag:$0x4] =	stream.indirect.gather [spmem:s3], $0x20, s16, s24, $0x2000b8;
	[tilespmem:$0x16D20] =	vst v63  }
0x50: {  	s26 =	simm.s32 $0x200  }
0x51: {  	[tilespmem:s1], [sflag:$0x5] =	stream.indirect.gather [spmem:s3], $0x20, s26, s24, $0x2000b8;
	[tilespmem:$0x16D20] =	vst v63  }
0x52: {  	s16 =	simm.s32 $0x280  }
0x53: {  	[tilespmem:s6], [sflag:$0x6] =	stream.indirect.gather [spmem:s3], $0x20, s16, s24, $0x2000b8;
	[tilespmem:$0x16D20] =	vst v63  }
0x54: {  	s26 =	simm.s32 $0x300  }
0x55: {  	[tilespmem:s8], [sflag:$0x7] =	stream.indirect.gather [spmem:s3], $0x20, s26, s24, $0x2000b8;
	[tilespmem:$0x16D20] =	vst v63  }
0x56: {  	s16 =	simm.s32 $0x380  }
0x57: {  	[tilespmem:s10], [sflag:$0x8] =	stream.indirect.gather [spmem:s3], $0x20, s16, s24, $0x2000b8;
	[tilespmem:$0x16D20] =	vst v63  }
0x58: {  	_ =	swait.ge [sflag:s20], $0x1000  }
0x59: {  	[sflag:s20] =	ssyncset.done $0x0  }
0x5a: {  	s26 =	simm.s32 $0x2800;
	[sflag:s20] =	ssyncadd.s32 $0xFFFFF000  }
0x5b: {  	[spmem:s2] =	stream.indirect.scatter.add.f32 [tilespmem:s17], [sflag:$0x9], $0x20, s26, s24, $0x2000b8;
	[tilespmem:$0x16D20] =	vst v63  }
0x5c: {  	_ =	swait.ge [sflag:s18], $0x1000  }
0x5d: {  	[sflag:s18] =	ssyncset.done $0x0  }
0x5e: {  	s16 =	simm.s32 $0x400;
	[sflag:s18] =	ssyncadd.s32 $0xFFFFF000  }
0x5f: {  	[tilespmem:s17], [sflag:$0x1] =	stream.indirect.gather [spmem:s3], $0x20, s16, s24, $0x2000b8;
	[tilespmem:$0x16D20] =	vst v63  }
0x60: {  	_ =	swait.ge [sflag:s11], $0x1000  }
0x61: {  	[sflag:s11] =	ssyncset.done $0x0  }
0x62: {  	s26 =	simm.s32 $0x2880;
	[sflag:s11] =	ssyncadd.s32 $0xFFFFF000  }
0x63: {  	[spmem:s2] =	stream.indirect.scatter.add.f32 [tilespmem:s25], [sflag:$0x9], $0x20, s26, s24, $0x2000b8;
	[tilespmem:$0x16D20] =	vst v63  }
0x64: {  	_ =	swait.ge [sflag:s18], $0x1000  }
0x65: {  	[sflag:s18] =	ssyncset.done $0x0  }
0x66: {  	s16 =	simm.s32 $0x480;
	[sflag:s18] =	ssyncadd.s32 $0xFFFFF000  }
0x67: {  	[tilespmem:s25], [sflag:$0x2] =	stream.indirect.gather [spmem:s3], $0x20, s16, s24, $0x2000b8;
	[tilespmem:$0x16D20] =	vst v63  }
0x68: {  	_ =	swait.ge [sflag:s23], $0x1000  }
0x69: {  	[sflag:s23] =	ssyncset.done $0x0  }
0x6a: {  	s26 =	simm.s32 $0x2900;
	[sflag:s23] =	ssyncadd.s32 $0xFFFFF000  }
0x6b: {  	[spmem:s2] =	stream.indirect.scatter.add.f32 [tilespmem:s28], [sflag:$0x9], $0x20, s26, s24, $0x2000b8;
	[tilespmem:$0x16D20] =	vst v63  }
0x6c: {  	_ =	swait.ge [sflag:s18], $0x1000  }
0x6d: {  	[sflag:s18] =	ssyncset.done $0x0  }
0x6e: {  	s16 =	simm.s32 $0x500;
	[sflag:s18] =	ssyncadd.s32 $0xFFFFF000  }
0x6f: {  	[tilespmem:s28], [sflag:$0x3] =	stream.indirect.gather [spmem:s3], $0x20, s16, s24, $0x2000b8;
	[tilespmem:$0x16D20] =	vst v63  }
0x70: {  	_ =	swait.ge [sflag:s21], $0x1000  }
0x71: {  	[sflag:s21] =	ssyncset.done $0x0  }
0x72: {  	s26 =	simm.s32 $0x2980;
	[sflag:s21] =	ssyncadd.s32 $0xFFFFF000  }
0x73: {  	[spmem:s2] =	stream.indirect.scatter.add.f32 [tilespmem:s30], [sflag:$0x9], $0x20, s26, s24, $0x2000b8;
	[tilespmem:$0x16D20] =	vst v63  }
0x74: {  	_ =	swait.ge [sflag:s18], $0x1000  }
0x75: {  	[sflag:s18] =	ssyncset.done $0x0  }
0x76: {  	s16 =	simm.s32 $0x580;
	[sflag:s18] =	ssyncadd.s32 $0xFFFFF000  }
0x77: {  	[tilespmem:s30], [sflag:$0x4] =	stream.indirect.gather [spmem:s3], $0x20, s16, s24, $0x2000b8;
	[tilespmem:$0x16D20] =	vst v63  }
0x78: {  	_ =	swait.ge [sflag:s12], $0x1000  }
0x79: {  	[sflag:s12] =	ssyncset.done $0x0  }
0x7a: {  	s26 =	simm.s32 $0x2A00;
	[sflag:s12] =	ssyncadd.s32 $0xFFFFF000  }
0x7b: {  	[spmem:s2] =	stream.indirect.scatter.add.f32 [tilespmem:s1], [sflag:$0x9], $0x20, s26, s24, $0x2000b8;
	[tilespmem:$0x16D20] =	vst v63  }
0x7c: {  	_ =	swait.ge [sflag:s18], $0x1000  }
0x7d: {  	[sflag:s18] =	ssyncset.done $0x0  }
0x7e: {  	s16 =	simm.s32 $0x600;
	[sflag:s18] =	ssyncadd.s32 $0xFFFFF000  }
0x7f: {  	[tilespmem:s1], [sflag:$0x5] =	stream.indirect.gather [spmem:s3], $0x20, s16, s24, $0x2000b8;
	[tilespmem:$0x16D20] =	vst v63  }
0x80: {  	_ =	swait.ge [sflag:s13], $0x1000  }
0x81: {  	[sflag:s13] =	ssyncset.done $0x0  }
0x82: {  	s26 =	simm.s32 $0x2A80;
	[sflag:s13] =	ssyncadd.s32 $0xFFFFF000  }
0x83: {  	[spmem:s2] =	stream.indirect.scatter.add.f32 [tilespmem:s6], [sflag:$0x9], $0x20, s26, s24, $0x2000b8;
	[tilespmem:$0x16D20] =	vst v63  }
0x84: {  	_ =	swait.ge [sflag:s18], $0x1000  }
0x85: {  	[sflag:s18] =	ssyncset.done $0x0  }
0x86: {  	s16 =	simm.s32 $0x680;
	[sflag:s18] =	ssyncadd.s32 $0xFFFFF000  }
0x87: {  	[tilespmem:s6], [sflag:$0x6] =	stream.indirect.gather [spmem:s3], $0x20, s16, s24, $0x2000b8;
	[tilespmem:$0x16D20] =	vst v63  }
0x88: {  	_ =	swait.ge [sflag:s14], $0x1000  }
0x89: {  	[sflag:s14] =	ssyncset.done $0x0  }
0x8a: {  	s26 =	simm.s32 $0x2B00;
	[sflag:s14] =	ssyncadd.s32 $0xFFFFF000  }
0x8b: {  	[spmem:s2] =	stream.indirect.scatter.add.f32 [tilespmem:s8], [sflag:$0x9], $0x20, s26, s24, $0x2000b8;
	[tilespmem:$0x16D20] =	vst v63  }
0x8c: {  	_ =	swait.ge [sflag:s18], $0x1000  }
0x8d: {  	[sflag:s18] =	ssyncset.done $0x0  }
0x8e: {  	s16 =	simm.s32 $0x700;
	[sflag:s18] =	ssyncadd.s32 $0xFFFFF000  }
0x8f: {  	[tilespmem:s8], [sflag:$0x7] =	stream.indirect.gather [spmem:s3], $0x20, s16, s24, $0x2000b8;
	[tilespmem:$0x16D20] =	vst v63  }
0x90: {  	_ =	swait.ge [sflag:s22], $0x1000  }
0x91: {  	[sflag:s22] =	ssyncset.done $0x0  }
0x92: {  	s26 =	simm.s32 $0x2B80;
	[sflag:s22] =	ssyncadd.s32 $0xFFFFF000  }
0x93: {  	[spmem:s2] =	stream.indirect.scatter.add.f32 [tilespmem:s10], [sflag:$0x9], $0x20, s26, s24, $0x2000b8;
	[tilespmem:$0x16D20] =	vst v63  }
0x94: {  	_ =	swait.ge [sflag:s18], $0x1000  }
0x95: {  	[sflag:s18] =	ssyncset.done $0x0  }
0x96: {  	s15 =	simm.s32 $0x780;
	s26 =	simm.s32 $0x1000;
	[sflag:s18] =	ssyncadd.s32 $0xFFFFF000  }
.LBB2_4:
0x97: {  	[tilespmem:s10], [sflag:$0x8] =	stream.indirect.gather [spmem:s3], $0x20, s15, s24, $0x2000b8;
	[tilespmem:$0x16D20] =	vst v63  }
0x98: {  	s15 =	smov.u32 s26  }
0x99: {  	p0 =	sne.s32 s26, $0x8000;
	s26 =	sadd.s32 $0x1000, s26;
	_ =	swait.ge [sflag:s20], $0x1000  }
0x9a: {  	s15 =	sshra.s32 s15, $0x2;
	[sflag:s20] =	ssyncset.done $0x0  }
0x9b: {  	s16 =	sadd.s32 $0x2800, s15;
	[sflag:s20] =	ssyncadd.s32 $0xFFFFF000  }
0x9c: {  	[spmem:s2] =	stream.indirect.scatter.add.f32 [tilespmem:s17], [sflag:$0x9], $0x20, s16, s24, $0x2000b8;
	[tilespmem:$0x16D20] =	vst v63  }
0x9d: {  	_ =	swait.ge [sflag:s18], $0x1000  }
0x9e: {  	[sflag:s18] =	ssyncset.done $0x0  }
0x9f: {  	s16 =	sadd.s32 $0x400, s15;
	[sflag:s18] =	ssyncadd.s32 $0xFFFFF000  }
0xa0: {  	[tilespmem:s17], [sflag:$0x1] =	stream.indirect.gather [spmem:s3], $0x20, s16, s24, $0x2000b8;
	[tilespmem:$0x16D20] =	vst v63  }
0xa1: {  	_ =	swait.ge [sflag:s11], $0x1000  }
0xa2: {  	[sflag:s11] =	ssyncset.done $0x0  }
0xa3: {  	s16 =	sadd.s32 $0x2880, s15;
	[sflag:s11] =	ssyncadd.s32 $0xFFFFF000  }
0xa4: {  	[spmem:s2] =	stream.indirect.scatter.add.f32 [tilespmem:s25], [sflag:$0x9], $0x20, s16, s24, $0x2000b8;
	[tilespmem:$0x16D20] =	vst v63  }
0xa5: {  	_ =	swait.ge [sflag:s18], $0x1000  }
0xa6: {  	[sflag:s18] =	ssyncset.done $0x0  }
0xa7: {  	s16 =	sadd.s32 $0x480, s15;
	[sflag:s18] =	ssyncadd.s32 $0xFFFFF000  }
0xa8: {  	[tilespmem:s25], [sflag:$0x2] =	stream.indirect.gather [spmem:s3], $0x20, s16, s24, $0x2000b8;
	[tilespmem:$0x16D20] =	vst v63  }
0xa9: {  	_ =	swait.ge [sflag:s23], $0x1000  }
0xaa: {  	[sflag:s23] =	ssyncset.done $0x0  }
0xab: {  	s16 =	sadd.s32 $0x2900, s15;
	[sflag:s23] =	ssyncadd.s32 $0xFFFFF000  }
0xac: {  	[spmem:s2] =	stream.indirect.scatter.add.f32 [tilespmem:s28], [sflag:$0x9], $0x20, s16, s24, $0x2000b8;
	[tilespmem:$0x16D20] =	vst v63  }
0xad: {  	_ =	swait.ge [sflag:s18], $0x1000  }
0xae: {  	[sflag:s18] =	ssyncset.done $0x0  }
0xaf: {  	s16 =	sadd.s32 $0x500, s15;
	[sflag:s18] =	ssyncadd.s32 $0xFFFFF000  }
0xb0: {  	[tilespmem:s28], [sflag:$0x3] =	stream.indirect.gather [spmem:s3], $0x20, s16, s24, $0x2000b8;
	[tilespmem:$0x16D20] =	vst v63  }
0xb1: {  	_ =	swait.ge [sflag:s21], $0x1000  }
0xb2: {  	[sflag:s21] =	ssyncset.done $0x0  }
0xb3: {  	s16 =	sadd.s32 $0x2980, s15;
	[sflag:s21] =	ssyncadd.s32 $0xFFFFF000  }
0xb4: {  	[spmem:s2] =	stream.indirect.scatter.add.f32 [tilespmem:s30], [sflag:$0x9], $0x20, s16, s24, $0x2000b8;
	[tilespmem:$0x16D20] =	vst v63  }
0xb5: {  	_ =	swait.ge [sflag:s18], $0x1000  }
0xb6: {  	[sflag:s18] =	ssyncset.done $0x0  }
0xb7: {  	s16 =	sadd.s32 $0x580, s15;
	[sflag:s18] =	ssyncadd.s32 $0xFFFFF000  }
0xb8: {  	[tilespmem:s30], [sflag:$0x4] =	stream.indirect.gather [spmem:s3], $0x20, s16, s24, $0x2000b8;
	[tilespmem:$0x16D20] =	vst v63  }
0xb9: {  	_ =	swait.ge [sflag:s12], $0x1000  }
0xba: {  	[sflag:s12] =	ssyncset.done $0x0  }
0xbb: {  	s16 =	sadd.s32 $0x2A00, s15;
	[sflag:s12] =	ssyncadd.s32 $0xFFFFF000  }
0xbc: {  	[spmem:s2] =	stream.indirect.scatter.add.f32 [tilespmem:s1], [sflag:$0x9], $0x20, s16, s24, $0x2000b8;
	[tilespmem:$0x16D20] =	vst v63  }
0xbd: {  	_ =	swait.ge [sflag:s18], $0x1000  }
0xbe: {  	[sflag:s18] =	ssyncset.done $0x0  }
0xbf: {  	s16 =	sadd.s32 $0x600, s15;
	[sflag:s18] =	ssyncadd.s32 $0xFFFFF000  }
0xc0: {  	[tilespmem:s1], [sflag:$0x5] =	stream.indirect.gather [spmem:s3], $0x20, s16, s24, $0x2000b8;
	[tilespmem:$0x16D20] =	vst v63  }
0xc1: {  	_ =	swait.ge [sflag:s13], $0x1000  }
0xc2: {  	[sflag:s13] =	ssyncset.done $0x0  }
0xc3: {  	s16 =	sadd.s32 $0x2A80, s15;
	[sflag:s13] =	ssyncadd.s32 $0xFFFFF000  }
0xc4: {  	[spmem:s2] =	stream.indirect.scatter.add.f32 [tilespmem:s6], [sflag:$0x9], $0x20, s16, s24, $0x2000b8;
	[tilespmem:$0x16D20] =	vst v63  }
0xc5: {  	_ =	swait.ge [sflag:s18], $0x1000  }
0xc6: {  	[sflag:s18] =	ssyncset.done $0x0  }
0xc7: {  	s16 =	sadd.s32 $0x680, s15;
	[sflag:s18] =	ssyncadd.s32 $0xFFFFF000  }
0xc8: {  	[tilespmem:s6], [sflag:$0x6] =	stream.indirect.gather [spmem:s3], $0x20, s16, s24, $0x2000b8;
	[tilespmem:$0x16D20] =	vst v63  }
0xc9: {  	_ =	swait.ge [sflag:s14], $0x1000  }
0xca: {  	[sflag:s14] =	ssyncset.done $0x0  }
0xcb: {  	s16 =	sadd.s32 $0x2B00, s15;
	[sflag:s14] =	ssyncadd.s32 $0xFFFFF000  }
0xcc: {  	[spmem:s2] =	stream.indirect.scatter.add.f32 [tilespmem:s8], [sflag:$0x9], $0x20, s16, s24, $0x2000b8;
	[tilespmem:$0x16D20] =	vst v63  }
0xcd: {  	_ =	swait.ge [sflag:s18], $0x1000  }
0xce: {  	[sflag:s18] =	ssyncset.done $0x0  }
0xcf: {  	s16 =	sadd.s32 $0x700, s15;
	[sflag:s18] =	ssyncadd.s32 $0xFFFFF000  }
0xd0: {  	[tilespmem:s8], [sflag:$0x7] =	stream.indirect.gather [spmem:s3], $0x20, s16, s24, $0x2000b8;
	[tilespmem:$0x16D20] =	vst v63  }
0xd1: {  	_ =	swait.ge [sflag:s22], $0x1000  }
0xd2: {  	[sflag:s22] =	ssyncset.done $0x0  }
.Ltmp1:
0xd3: {  	s16 =	sadd.s32 $0x2B80, s15;
	[sflag:s22] =	ssyncadd.s32 $0xFFFFF000;
	(pc) =	sbr.rel @p0 .LBB2_4-.Ltmp1, $4  }
0xd4: {  	[spmem:s2] =	stream.indirect.scatter.add.f32 [tilespmem:s10], [sflag:$0x9], $0x20, s16, s24, $0x2000b8;
	[tilespmem:$0x16D20] =	vst v63  }
0xd5: {  	_ =	swait.ge [sflag:s18], $0x1000  }
0xd6: {  	[sflag:s18] =	ssyncset.done $0x0  }
0xd7: {  	s15 =	sadd.s32 $0x780, s15;
	[sflag:s18] =	ssyncadd.s32 $0xFFFFF000  }
0xd8: {  	[tilespmem:s10], [sflag:$0x8] =	stream.indirect.gather [spmem:s3], $0x20, s15, s24, $0x2000b8;
	[tilespmem:$0x16D20] =	vst v63  }
0xd9: {  	_ =	swait.ge [sflag:s20], $0x1000  }
0xda: {  	[sflag:s20] =	ssyncset.done $0x0  }
0xdb: {  	s16 =	simm.s32 $0x4C00;
	[sflag:s20] =	ssyncadd.s32 $0xFFFFF000  }
0xdc: {  	[spmem:s2] =	stream.indirect.scatter.add.f32 [tilespmem:s17], [sflag:$0x9], $0x20, s16, s24, $0x2000b8;
	[tilespmem:$0x16D20] =	vst v63  }
0xdd: {  	_ =	swait.ge [sflag:s18], $0x1000  }
0xde: {  	[sflag:s18] =	ssyncset.done $0x0  }
0xdf: {  	[sflag:s18] =	ssyncadd.s32 $0xFFFFF000  }
0xe0: {  	_ =	swait.ge [sflag:s11], $0x1000  }
0xe1: {  	[sflag:s11] =	ssyncset.done $0x0  }
0xe2: {  	s26 =	simm.s32 $0x4C80;
	[sflag:s11] =	ssyncadd.s32 $0xFFFFF000  }
0xe3: {  	[spmem:s2] =	stream.indirect.scatter.add.f32 [tilespmem:s25], [sflag:$0x9], $0x20, s26, s24, $0x2000b8;
	[tilespmem:$0x16D20] =	vst v63  }
0xe4: {  	_ =	swait.ge [sflag:s18], $0x1000  }
0xe5: {  	[sflag:s18] =	ssyncset.done $0x0  }
0xe6: {  	[sflag:s18] =	ssyncadd.s32 $0xFFFFF000  }
0xe7: {  	_ =	swait.ge [sflag:s23], $0x1000  }
0xe8: {  	[sflag:s23] =	ssyncset.done $0x0  }
0xe9: {  	s16 =	simm.s32 $0x4D00;
	[sflag:s23] =	ssyncadd.s32 $0xFFFFF000  }
0xea: {  	[spmem:s2] =	stream.indirect.scatter.add.f32 [tilespmem:s28], [sflag:$0x9], $0x20, s16, s24, $0x2000b8;
	[tilespmem:$0x16D20] =	vst v63  }
0xeb: {  	_ =	swait.ge [sflag:s18], $0x1000  }
0xec: {  	[sflag:s18] =	ssyncset.done $0x0  }
0xed: {  	[sflag:s18] =	ssyncadd.s32 $0xFFFFF000  }
0xee: {  	_ =	swait.ge [sflag:s21], $0x1000  }
0xef: {  	[sflag:s21] =	ssyncset.done $0x0  }
0xf0: {  	[sflag:s21] =	ssyncadd.s32 $0xFFFFF000  }
0xf1: {  	[spmem:s2] =	stream.indirect.scatter.add.f32 [tilespmem:s30], [sflag:$0x9], $0x20, s29, s24, $0x2000b8;
	[tilespmem:$0x16D20] =	vst v63  }
0xf2: {  	_ =	swait.ge [sflag:s18], $0x1000  }
0xf3: {  	[sflag:s18] =	ssyncset.done $0x0  }
0xf4: {  	[sflag:s18] =	ssyncadd.s32 $0xFFFFF000  }
0xf5: {  	_ =	swait.ge [sflag:s12], $0x1000  }
0xf6: {  	[sflag:s12] =	ssyncset.done $0x0  }
0xf7: {  	[sflag:s12] =	ssyncadd.s32 $0xFFFFF000  }
0xf8: {  	[spmem:s2] =	stream.indirect.scatter.add.f32 [tilespmem:s1], [sflag:$0x9], $0x20, s31, s24, $0x2000b8;
	[tilespmem:$0x16D20] =	vst v63  }
0xf9: {  	_ =	swait.ge [sflag:s18], $0x1000  }
0xfa: {  	[sflag:s18] =	ssyncset.done $0x0  }
0xfb: {  	[sflag:s18] =	ssyncadd.s32 $0xFFFFF000  }
0xfc: {  	_ =	swait.ge [sflag:s13], $0x1000  }
0xfd: {  	[sflag:s13] =	ssyncset.done $0x0  }
0xfe: {  	[sflag:s13] =	ssyncadd.s32 $0xFFFFF000  }
0xff: {  	[spmem:s2] =	stream.indirect.scatter.add.f32 [tilespmem:s6], [sflag:$0x9], $0x20, s19, s24, $0x2000b8;
	[tilespmem:$0x16D20] =	vst v63  }
0x100: {  	_ =	swait.ge [sflag:s18], $0x1000  }
0x101: {  	[sflag:s18] =	ssyncset.done $0x0  }
0x102: {  	[sflag:s18] =	ssyncadd.s32 $0xFFFFF000  }
0x103: {  	_ =	swait.ge [sflag:s14], $0x1000  }
0x104: {  	[sflag:s14] =	ssyncset.done $0x0  }
0x105: {  	[sflag:s14] =	ssyncadd.s32 $0xFFFFF000  }
0x106: {  	[spmem:s2] =	stream.indirect.scatter.add.f32 [tilespmem:s8], [sflag:$0x9], $0x20, s0, s24, $0x2000b8;
	[tilespmem:$0x16D20] =	vst v63  }
0x107: {  	_ =	swait.ge [sflag:s18], $0x1000  }
0x108: {  	[sflag:s18] =	ssyncset.done $0x0  }
0x109: {  	[sflag:s18] =	ssyncadd.s32 $0xFFFFF000  }
0x10a: {  	_ =	swait.ge [sflag:s22], $0x1000  }
0x10b: {  	[sflag:s22] =	ssyncset.done $0x0  }
0x10c: {  	[sflag:s22] =	ssyncadd.s32 $0xFFFFF000  }
0x10d: {  	[spmem:s2] =	stream.indirect.scatter.add.f32 [tilespmem:s10], [sflag:$0x9], $0x20, s7, s24, $0x2000b8;
	[tilespmem:$0x16D20] =	vst v63  }
0x10e: {  	_ =	swait.ge [sflag:s18], $0x1000  }
0x10f: {  	[sflag:s18] =	ssyncset.done $0x0  }
0x110: {  	s15 =	simm.s32 $0x0;
	s16 =	rddreg [dreg:$0xc];
	[sflag:s18] =	ssyncadd.s32 $0xFFFFF000  }
0x111: {  	[tilespmem:s15], [sflag:$0x9] =	stream.linear.gather [hbm4b:s16+s15], $0x2800, $0x200038;
	[tilespmem:$0x16D20] =	vst v63  }
0x112: {  	_ =	swait.ge [sflag:s18], $0x2800  }
0x113: {  	[sflag:s18] =	ssyncset.done $0x0  }
0x114: {  	s26 =	simm.s32 $0x2800;
	s16 =	rddreg [dreg:$0xd];
	[sflag:s18] =	ssyncadd.s32 $0xFFFFD800  }
0x115: {  	[tilespmem:s26], [sflag:$0x9] =	stream.linear.gather [hbm4b:s16+s15], $0x2800, $0x200038;
	[tilespmem:$0x16D20] =	vst v63  }
0x116: {  	_ =	swait.ge [sflag:s18], $0x2800  }
0x117: {  	[sflag:s18] =	ssyncset.done $0x0  }
0x118: {  	[sflag:s18] =	ssyncadd.s32 $0xFFFFD800  }
0x119: {  	[tilespmem:s17], [sflag:$0x1] =	stream.indirect.gather [spmem:s3], $0x20, s15, s24, $0x2000b8;
	[tilespmem:$0x16D20] =	vst v63  }
0x11a: {  	_ = 	snop  }
0x11b: {  	[tilespmem:s25], [sflag:$0x2] =	stream.indirect.gather [spmem:s3], $0x20, s24, s24, $0x2000b8;
	[tilespmem:$0x16D20] =	vst v63  }
0x11c: {  	s26 =	simm.s32 $0x100  }
0x11d: {  	[tilespmem:s28], [sflag:$0x3] =	stream.indirect.gather [spmem:s3], $0x20, s26, s24, $0x2000b8;
	[tilespmem:$0x16D20] =	vst v63  }
0x11e: {  	s16 =	simm.s32 $0x180  }
0x11f: {  	[tilespmem:s30], [sflag:$0x4] =	stream.indirect.gather [spmem:s3], $0x20, s16, s24, $0x2000b8;
	[tilespmem:$0x16D20] =	vst v63  }
0x120: {  	s26 =	simm.s32 $0x200  }
0x121: {  	[tilespmem:s1], [sflag:$0x5] =	stream.indirect.gather [spmem:s3], $0x20, s26, s24, $0x2000b8;
	[tilespmem:$0x16D20] =	vst v63  }
0x122: {  	s16 =	simm.s32 $0x280  }
0x123: {  	[tilespmem:s6], [sflag:$0x6] =	stream.indirect.gather [spmem:s3], $0x20, s16, s24, $0x2000b8;
	[tilespmem:$0x16D20] =	vst v63  }
0x124: {  	s26 =	simm.s32 $0x300  }
0x125: {  	[tilespmem:s8], [sflag:$0x7] =	stream.indirect.gather [spmem:s3], $0x20, s26, s24, $0x2000b8;
	[tilespmem:$0x16D20] =	vst v63  }
0x126: {  	s16 =	simm.s32 $0x380  }
0x127: {  	[tilespmem:s10], [sflag:$0x8] =	stream.indirect.gather [spmem:s3], $0x20, s16, s24, $0x2000b8;
	[tilespmem:$0x16D20] =	vst v63  }
0x128: {  	_ =	swait.ge [sflag:s20], $0x1000  }
0x129: {  	[sflag:s20] =	ssyncset.done $0x0  }
0x12a: {  	s26 =	simm.s32 $0x2800;
	[sflag:s20] =	ssyncadd.s32 $0xFFFFF000  }
0x12b: {  	[spmem:s2] =	stream.indirect.scatter.add.f32 [tilespmem:s17], [sflag:$0x9], $0x20, s26, s24, $0x2000b8;
	[tilespmem:$0x16D20] =	vst v63  }
0x12c: {  	_ =	swait.ge [sflag:s18], $0x1000  }
0x12d: {  	[sflag:s18] =	ssyncset.done $0x0  }
0x12e: {  	s16 =	simm.s32 $0x400;
	[sflag:s18] =	ssyncadd.s32 $0xFFFFF000  }
0x12f: {  	[tilespmem:s17], [sflag:$0x1] =	stream.indirect.gather [spmem:s3], $0x20, s16, s24, $0x2000b8;
	[tilespmem:$0x16D20] =	vst v63  }
0x130: {  	_ =	swait.ge [sflag:s11], $0x1000  }
0x131: {  	[sflag:s11] =	ssyncset.done $0x0  }
0x132: {  	s26 =	simm.s32 $0x2880;
	[sflag:s11] =	ssyncadd.s32 $0xFFFFF000  }
0x133: {  	[spmem:s2] =	stream.indirect.scatter.add.f32 [tilespmem:s25], [sflag:$0x9], $0x20, s26, s24, $0x2000b8;
	[tilespmem:$0x16D20] =	vst v63  }
0x134: {  	_ =	swait.ge [sflag:s18], $0x1000  }
0x135: {  	[sflag:s18] =	ssyncset.done $0x0  }
0x136: {  	s16 =	simm.s32 $0x480;
	[sflag:s18] =	ssyncadd.s32 $0xFFFFF000  }
0x137: {  	[tilespmem:s25], [sflag:$0x2] =	stream.indirect.gather [spmem:s3], $0x20, s16, s24, $0x2000b8;
	[tilespmem:$0x16D20] =	vst v63  }
0x138: {  	_ =	swait.ge [sflag:s23], $0x1000  }
0x139: {  	[sflag:s23] =	ssyncset.done $0x0  }
0x13a: {  	s26 =	simm.s32 $0x2900;
	[sflag:s23] =	ssyncadd.s32 $0xFFFFF000  }
0x13b: {  	[spmem:s2] =	stream.indirect.scatter.add.f32 [tilespmem:s28], [sflag:$0x9], $0x20, s26, s24, $0x2000b8;
	[tilespmem:$0x16D20] =	vst v63  }
0x13c: {  	_ =	swait.ge [sflag:s18], $0x1000  }
0x13d: {  	[sflag:s18] =	ssyncset.done $0x0  }
0x13e: {  	s16 =	simm.s32 $0x500;
	[sflag:s18] =	ssyncadd.s32 $0xFFFFF000  }
0x13f: {  	[tilespmem:s28], [sflag:$0x3] =	stream.indirect.gather [spmem:s3], $0x20, s16, s24, $0x2000b8;
	[tilespmem:$0x16D20] =	vst v63  }
0x140: {  	_ =	swait.ge [sflag:s21], $0x1000  }
0x141: {  	[sflag:s21] =	ssyncset.done $0x0  }
0x142: {  	s26 =	simm.s32 $0x2980;
	[sflag:s21] =	ssyncadd.s32 $0xFFFFF000  }
0x143: {  	[spmem:s2] =	stream.indirect.scatter.add.f32 [tilespmem:s30], [sflag:$0x9], $0x20, s26, s24, $0x2000b8;
	[tilespmem:$0x16D20] =	vst v63  }
0x144: {  	_ =	swait.ge [sflag:s18], $0x1000  }
0x145: {  	[sflag:s18] =	ssyncset.done $0x0  }
0x146: {  	s16 =	simm.s32 $0x580;
	[sflag:s18] =	ssyncadd.s32 $0xFFFFF000  }
0x147: {  	[tilespmem:s30], [sflag:$0x4] =	stream.indirect.gather [spmem:s3], $0x20, s16, s24, $0x2000b8;
	[tilespmem:$0x16D20] =	vst v63  }
0x148: {  	_ =	swait.ge [sflag:s12], $0x1000  }
0x149: {  	[sflag:s12] =	ssyncset.done $0x0  }
0x14a: {  	s26 =	simm.s32 $0x2A00;
	[sflag:s12] =	ssyncadd.s32 $0xFFFFF000  }
0x14b: {  	[spmem:s2] =	stream.indirect.scatter.add.f32 [tilespmem:s1], [sflag:$0x9], $0x20, s26, s24, $0x2000b8;
	[tilespmem:$0x16D20] =	vst v63  }
0x14c: {  	_ =	swait.ge [sflag:s18], $0x1000  }
0x14d: {  	[sflag:s18] =	ssyncset.done $0x0  }
0x14e: {  	s16 =	simm.s32 $0x600;
	[sflag:s18] =	ssyncadd.s32 $0xFFFFF000  }
0x14f: {  	[tilespmem:s1], [sflag:$0x5] =	stream.indirect.gather [spmem:s3], $0x20, s16, s24, $0x2000b8;
	[tilespmem:$0x16D20] =	vst v63  }
0x150: {  	_ =	swait.ge [sflag:s13], $0x1000  }
0x151: {  	[sflag:s13] =	ssyncset.done $0x0  }
0x152: {  	s26 =	simm.s32 $0x2A80;
	[sflag:s13] =	ssyncadd.s32 $0xFFFFF000  }
0x153: {  	[spmem:s2] =	stream.indirect.scatter.add.f32 [tilespmem:s6], [sflag:$0x9], $0x20, s26, s24, $0x2000b8;
	[tilespmem:$0x16D20] =	vst v63  }
0x154: {  	_ =	swait.ge [sflag:s18], $0x1000  }
0x155: {  	[sflag:s18] =	ssyncset.done $0x0  }
0x156: {  	s16 =	simm.s32 $0x680;
	[sflag:s18] =	ssyncadd.s32 $0xFFFFF000  }
0x157: {  	[tilespmem:s6], [sflag:$0x6] =	stream.indirect.gather [spmem:s3], $0x20, s16, s24, $0x2000b8;
	[tilespmem:$0x16D20] =	vst v63  }
0x158: {  	_ =	swait.ge [sflag:s14], $0x1000  }
0x159: {  	[sflag:s14] =	ssyncset.done $0x0  }
0x15a: {  	s26 =	simm.s32 $0x2B00;
	[sflag:s14] =	ssyncadd.s32 $0xFFFFF000  }
0x15b: {  	[spmem:s2] =	stream.indirect.scatter.add.f32 [tilespmem:s8], [sflag:$0x9], $0x20, s26, s24, $0x2000b8;
	[tilespmem:$0x16D20] =	vst v63  }
0x15c: {  	_ =	swait.ge [sflag:s18], $0x1000  }
0x15d: {  	[sflag:s18] =	ssyncset.done $0x0  }
0x15e: {  	s16 =	simm.s32 $0x700;
	[sflag:s18] =	ssyncadd.s32 $0xFFFFF000  }
0x15f: {  	[tilespmem:s8], [sflag:$0x7] =	stream.indirect.gather [spmem:s3], $0x20, s16, s24, $0x2000b8;
	[tilespmem:$0x16D20] =	vst v63  }
0x160: {  	_ =	swait.ge [sflag:s22], $0x1000  }
0x161: {  	[sflag:s22] =	ssyncset.done $0x0  }
0x162: {  	s26 =	simm.s32 $0x2B80;
	[sflag:s22] =	ssyncadd.s32 $0xFFFFF000  }
0x163: {  	[spmem:s2] =	stream.indirect.scatter.add.f32 [tilespmem:s10], [sflag:$0x9], $0x20, s26, s24, $0x2000b8;
	[tilespmem:$0x16D20] =	vst v63  }
0x164: {  	_ =	swait.ge [sflag:s18], $0x1000  }
0x165: {  	[sflag:s18] =	ssyncset.done $0x0  }
0x166: {  	s15 =	simm.s32 $0x780;
	s26 =	simm.s32 $0x1000;
	[sflag:s18] =	ssyncadd.s32 $0xFFFFF000  }
.LBB2_6:
0x167: {  	[tilespmem:s10], [sflag:$0x8] =	stream.indirect.gather [spmem:s3], $0x20, s15, s24, $0x2000b8;
	[tilespmem:$0x16D20] =	vst v63  }
0x168: {  	s15 =	smov.u32 s26  }
0x169: {  	p0 =	sne.s32 s26, $0x8000;
	s26 =	sadd.s32 $0x1000, s26;
	_ =	swait.ge [sflag:s20], $0x1000  }
0x16a: {  	s15 =	sshra.s32 s15, $0x2;
	[sflag:s20] =	ssyncset.done $0x0  }
0x16b: {  	s16 =	sadd.s32 $0x2800, s15;
	[sflag:s20] =	ssyncadd.s32 $0xFFFFF000  }
0x16c: {  	[spmem:s2] =	stream.indirect.scatter.add.f32 [tilespmem:s17], [sflag:$0x9], $0x20, s16, s24, $0x2000b8;
	[tilespmem:$0x16D20] =	vst v63  }
0x16d: {  	_ =	swait.ge [sflag:s18], $0x1000  }
0x16e: {  	[sflag:s18] =	ssyncset.done $0x0  }
0x16f: {  	s16 =	sadd.s32 $0x400, s15;
	[sflag:s18] =	ssyncadd.s32 $0xFFFFF000  }
0x170: {  	[tilespmem:s17], [sflag:$0x1] =	stream.indirect.gather [spmem:s3], $0x20, s16, s24, $0x2000b8;
	[tilespmem:$0x16D20] =	vst v63  }
0x171: {  	_ =	swait.ge [sflag:s11], $0x1000  }
0x172: {  	[sflag:s11] =	ssyncset.done $0x0  }
0x173: {  	s16 =	sadd.s32 $0x2880, s15;
	[sflag:s11] =	ssyncadd.s32 $0xFFFFF000  }
0x174: {  	[spmem:s2] =	stream.indirect.scatter.add.f32 [tilespmem:s25], [sflag:$0x9], $0x20, s16, s24, $0x2000b8;
	[tilespmem:$0x16D20] =	vst v63  }
0x175: {  	_ =	swait.ge [sflag:s18], $0x1000  }
0x176: {  	[sflag:s18] =	ssyncset.done $0x0  }
0x177: {  	s16 =	sadd.s32 $0x480, s15;
	[sflag:s18] =	ssyncadd.s32 $0xFFFFF000  }
0x178: {  	[tilespmem:s25], [sflag:$0x2] =	stream.indirect.gather [spmem:s3], $0x20, s16, s24, $0x2000b8;
	[tilespmem:$0x16D20] =	vst v63  }
0x179: {  	_ =	swait.ge [sflag:s23], $0x1000  }
0x17a: {  	[sflag:s23] =	ssyncset.done $0x0  }
0x17b: {  	s16 =	sadd.s32 $0x2900, s15;
	[sflag:s23] =	ssyncadd.s32 $0xFFFFF000  }
0x17c: {  	[spmem:s2] =	stream.indirect.scatter.add.f32 [tilespmem:s28], [sflag:$0x9], $0x20, s16, s24, $0x2000b8;
	[tilespmem:$0x16D20] =	vst v63  }
0x17d: {  	_ =	swait.ge [sflag:s18], $0x1000  }
0x17e: {  	[sflag:s18] =	ssyncset.done $0x0  }
0x17f: {  	s16 =	sadd.s32 $0x500, s15;
	[sflag:s18] =	ssyncadd.s32 $0xFFFFF000  }
0x180: {  	[tilespmem:s28], [sflag:$0x3] =	stream.indirect.gather [spmem:s3], $0x20, s16, s24, $0x2000b8;
	[tilespmem:$0x16D20] =	vst v63  }
0x181: {  	_ =	swait.ge [sflag:s21], $0x1000  }
0x182: {  	[sflag:s21] =	ssyncset.done $0x0  }
0x183: {  	s16 =	sadd.s32 $0x2980, s15;
	[sflag:s21] =	ssyncadd.s32 $0xFFFFF000  }
0x184: {  	[spmem:s2] =	stream.indirect.scatter.add.f32 [tilespmem:s30], [sflag:$0x9], $0x20, s16, s24, $0x2000b8;
	[tilespmem:$0x16D20] =	vst v63  }
0x185: {  	_ =	swait.ge [sflag:s18], $0x1000  }
0x186: {  	[sflag:s18] =	ssyncset.done $0x0  }
0x187: {  	s16 =	sadd.s32 $0x580, s15;
	[sflag:s18] =	ssyncadd.s32 $0xFFFFF000  }
0x188: {  	[tilespmem:s30], [sflag:$0x4] =	stream.indirect.gather [spmem:s3], $0x20, s16, s24, $0x2000b8;
	[tilespmem:$0x16D20] =	vst v63  }
0x189: {  	_ =	swait.ge [sflag:s12], $0x1000  }
0x18a: {  	[sflag:s12] =	ssyncset.done $0x0  }
0x18b: {  	s16 =	sadd.s32 $0x2A00, s15;
	[sflag:s12] =	ssyncadd.s32 $0xFFFFF000  }
0x18c: {  	[spmem:s2] =	stream.indirect.scatter.add.f32 [tilespmem:s1], [sflag:$0x9], $0x20, s16, s24, $0x2000b8;
	[tilespmem:$0x16D20] =	vst v63  }
0x18d: {  	_ =	swait.ge [sflag:s18], $0x1000  }
0x18e: {  	[sflag:s18] =	ssyncset.done $0x0  }
0x18f: {  	s16 =	sadd.s32 $0x600, s15;
	[sflag:s18] =	ssyncadd.s32 $0xFFFFF000  }
0x190: {  	[tilespmem:s1], [sflag:$0x5] =	stream.indirect.gather [spmem:s3], $0x20, s16, s24, $0x2000b8;
	[tilespmem:$0x16D20] =	vst v63  }
0x191: {  	_ =	swait.ge [sflag:s13], $0x1000  }
0x192: {  	[sflag:s13] =	ssyncset.done $0x0  }
0x193: {  	s16 =	sadd.s32 $0x2A80, s15;
	[sflag:s13] =	ssyncadd.s32 $0xFFFFF000  }
0x194: {  	[spmem:s2] =	stream.indirect.scatter.add.f32 [tilespmem:s6], [sflag:$0x9], $0x20, s16, s24, $0x2000b8;
	[tilespmem:$0x16D20] =	vst v63  }
0x195: {  	_ =	swait.ge [sflag:s18], $0x1000  }
0x196: {  	[sflag:s18] =	ssyncset.done $0x0  }
0x197: {  	s16 =	sadd.s32 $0x680, s15;
	[sflag:s18] =	ssyncadd.s32 $0xFFFFF000  }
0x198: {  	[tilespmem:s6], [sflag:$0x6] =	stream.indirect.gather [spmem:s3], $0x20, s16, s24, $0x2000b8;
	[tilespmem:$0x16D20] =	vst v63  }
0x199: {  	_ =	swait.ge [sflag:s14], $0x1000  }
0x19a: {  	[sflag:s14] =	ssyncset.done $0x0  }
0x19b: {  	s16 =	sadd.s32 $0x2B00, s15;
	[sflag:s14] =	ssyncadd.s32 $0xFFFFF000  }
0x19c: {  	[spmem:s2] =	stream.indirect.scatter.add.f32 [tilespmem:s8], [sflag:$0x9], $0x20, s16, s24, $0x2000b8;
	[tilespmem:$0x16D20] =	vst v63  }
0x19d: {  	_ =	swait.ge [sflag:s18], $0x1000  }
0x19e: {  	[sflag:s18] =	ssyncset.done $0x0  }
0x19f: {  	s16 =	sadd.s32 $0x700, s15;
	[sflag:s18] =	ssyncadd.s32 $0xFFFFF000  }
0x1a0: {  	[tilespmem:s8], [sflag:$0x7] =	stream.indirect.gather [spmem:s3], $0x20, s16, s24, $0x2000b8;
	[tilespmem:$0x16D20] =	vst v63  }
0x1a1: {  	_ =	swait.ge [sflag:s22], $0x1000  }
0x1a2: {  	[sflag:s22] =	ssyncset.done $0x0  }
.Ltmp2:
0x1a3: {  	s16 =	sadd.s32 $0x2B80, s15;
	[sflag:s22] =	ssyncadd.s32 $0xFFFFF000;
	(pc) =	sbr.rel @p0 .LBB2_6-.Ltmp2, $4  }
0x1a4: {  	[spmem:s2] =	stream.indirect.scatter.add.f32 [tilespmem:s10], [sflag:$0x9], $0x20, s16, s24, $0x2000b8;
	[tilespmem:$0x16D20] =	vst v63  }
0x1a5: {  	_ =	swait.ge [sflag:s18], $0x1000  }
0x1a6: {  	[sflag:s18] =	ssyncset.done $0x0  }
0x1a7: {  	s15 =	sadd.s32 $0x780, s15;
	[sflag:s18] =	ssyncadd.s32 $0xFFFFF000  }
0x1a8: {  	[tilespmem:s10], [sflag:$0x8] =	stream.indirect.gather [spmem:s3], $0x20, s15, s24, $0x2000b8;
	[tilespmem:$0x16D20] =	vst v63  }
0x1a9: {  	_ =	swait.ge [sflag:s20], $0x1000  }
0x1aa: {  	[sflag:s20] =	ssyncset.done $0x0  }
0x1ab: {  	s16 =	simm.s32 $0x4C00;
	[sflag:s20] =	ssyncadd.s32 $0xFFFFF000  }
0x1ac: {  	[spmem:s2] =	stream.indirect.scatter.add.f32 [tilespmem:s17], [sflag:$0x9], $0x20, s16, s24, $0x2000b8;
	[tilespmem:$0x16D20] =	vst v63  }
0x1ad: {  	_ =	swait.ge [sflag:s18], $0x1000  }
0x1ae: {  	[sflag:s18] =	ssyncset.done $0x0  }
0x1af: {  	[sflag:s18] =	ssyncadd.s32 $0xFFFFF000  }
0x1b0: {  	_ =	swait.ge [sflag:s11], $0x1000  }
0x1b1: {  	[sflag:s11] =	ssyncset.done $0x0  }
0x1b2: {  	s26 =	simm.s32 $0x4C80;
	[sflag:s11] =	ssyncadd.s32 $0xFFFFF000  }
0x1b3: {  	[spmem:s2] =	stream.indirect.scatter.add.f32 [tilespmem:s25], [sflag:$0x9], $0x20, s26, s24, $0x2000b8;
	[tilespmem:$0x16D20] =	vst v63  }
0x1b4: {  	_ =	swait.ge [sflag:s18], $0x1000  }
0x1b5: {  	[sflag:s18] =	ssyncset.done $0x0  }
0x1b6: {  	[sflag:s18] =	ssyncadd.s32 $0xFFFFF000  }
0x1b7: {  	_ =	swait.ge [sflag:s23], $0x1000  }
0x1b8: {  	[sflag:s23] =	ssyncset.done $0x0  }
0x1b9: {  	s16 =	simm.s32 $0x4D00;
	[sflag:s23] =	ssyncadd.s32 $0xFFFFF000  }
0x1ba: {  	[spmem:s2] =	stream.indirect.scatter.add.f32 [tilespmem:s28], [sflag:$0x9], $0x20, s16, s24, $0x2000b8;
	[tilespmem:$0x16D20] =	vst v63  }
0x1bb: {  	_ =	swait.ge [sflag:s18], $0x1000  }
0x1bc: {  	[sflag:s18] =	ssyncset.done $0x0  }
0x1bd: {  	[sflag:s18] =	ssyncadd.s32 $0xFFFFF000  }
0x1be: {  	_ =	swait.ge [sflag:s21], $0x1000  }
0x1bf: {  	[sflag:s21] =	ssyncset.done $0x0  }
0x1c0: {  	[sflag:s21] =	ssyncadd.s32 $0xFFFFF000  }
0x1c1: {  	[spmem:s2] =	stream.indirect.scatter.add.f32 [tilespmem:s30], [sflag:$0x9], $0x20, s29, s24, $0x2000b8;
	[tilespmem:$0x16D20] =	vst v63  }
0x1c2: {  	_ =	swait.ge [sflag:s18], $0x1000  }
0x1c3: {  	[sflag:s18] =	ssyncset.done $0x0  }
0x1c4: {  	[sflag:s18] =	ssyncadd.s32 $0xFFFFF000  }
0x1c5: {  	_ =	swait.ge [sflag:s12], $0x1000  }
0x1c6: {  	[sflag:s12] =	ssyncset.done $0x0  }
0x1c7: {  	[sflag:s12] =	ssyncadd.s32 $0xFFFFF000  }
0x1c8: {  	[spmem:s2] =	stream.indirect.scatter.add.f32 [tilespmem:s1], [sflag:$0x9], $0x20, s31, s24, $0x2000b8;
	[tilespmem:$0x16D20] =	vst v63  }
0x1c9: {  	_ =	swait.ge [sflag:s18], $0x1000  }
0x1ca: {  	[sflag:s18] =	ssyncset.done $0x0  }
0x1cb: {  	[sflag:s18] =	ssyncadd.s32 $0xFFFFF000  }
0x1cc: {  	_ =	swait.ge [sflag:s13], $0x1000  }
0x1cd: {  	[sflag:s13] =	ssyncset.done $0x0  }
0x1ce: {  	[sflag:s13] =	ssyncadd.s32 $0xFFFFF000  }
0x1cf: {  	[spmem:s2] =	stream.indirect.scatter.add.f32 [tilespmem:s6], [sflag:$0x9], $0x20, s19, s24, $0x2000b8;
	[tilespmem:$0x16D20] =	vst v63  }
0x1d0: {  	_ =	swait.ge [sflag:s18], $0x1000  }
0x1d1: {  	[sflag:s18] =	ssyncset.done $0x0  }
0x1d2: {  	[sflag:s18] =	ssyncadd.s32 $0xFFFFF000  }
0x1d3: {  	_ =	swait.ge [sflag:s14], $0x1000  }
0x1d4: {  	[sflag:s14] =	ssyncset.done $0x0  }
0x1d5: {  	[sflag:s14] =	ssyncadd.s32 $0xFFFFF000  }
0x1d6: {  	[spmem:s2] =	stream.indirect.scatter.add.f32 [tilespmem:s8], [sflag:$0x9], $0x20, s0, s24, $0x2000b8;
	[tilespmem:$0x16D20] =	vst v63  }
0x1d7: {  	_ =	swait.ge [sflag:s18], $0x1000  }
0x1d8: {  	[sflag:s18] =	ssyncset.done $0x0  }
0x1d9: {  	[sflag:s18] =	ssyncadd.s32 $0xFFFFF000  }
0x1da: {  	_ =	swait.ge [sflag:s22], $0x1000  }
0x1db: {  	[sflag:s22] =	ssyncset.done $0x0  }
0x1dc: {  	[sflag:s22] =	ssyncadd.s32 $0xFFFFF000  }
0x1dd: {  	[spmem:s2] =	stream.indirect.scatter.add.f32 [tilespmem:s10], [sflag:$0x9], $0x20, s7, s24, $0x2000b8;
	[tilespmem:$0x16D20] =	vst v63  }
0x1de: {  	_ =	swait.ge [sflag:s18], $0x1000  }
0x1df: {  	[sflag:s18] =	ssyncset.done $0x0  }
0x1e0: {  	[sflag:s18] =	ssyncadd.s32 $0xFFFFF000  }
0x1e1: {  	[bflag:$0x0] =	sbarrier.arrive $0xFFFF  }
0x1e2: {  	_ =	strace $0x9000004F  }
0x1e3: {  	_ =	strace $0x80000050  }
0x1e4: {  	s26 =	sshrl.u32 s5, $0x3;
	s16 =	rddreg [dreg:$0xe]  }
0x1e5: {  	[hbm:s16], [sflag:s9] =	dma.local [spmem:s26], $0x9E0  }
0x1e6: {  	_ =	swait.ge [sflag:s18], $0x9E0  }
0x1e7: {  	s4 =	sadd.s32 $0x1, s4;
	s26 =	rddreg [dreg:$0xf]  }
0x1e8: {  	p0 =	sne.s32 s4, s26  }
.Ltmp3:
0x1e9: {  	_ = 	snop;
	(pc) =	sbr.rel @p0 .LBB2_1-.Ltmp3, $4  }
0x1ea: {  	_ = 	snop  }
0x1eb: {  	[sflag:s18] =	ssyncset.done $0x0  }
0x1ec: {  	[sflag:s18] =	ssyncadd.s32 $0xFFFFF620  }
0x1ed: {  	_ =	strace $0x90000050  }
0x1ee: {  	_ =	sfence.sel $0x180000  }
0x1ef: {  	[bflag:$0x0] =	sbarrier.arrive $0xFFFF  }
0x1f0: {  	_ =	strace $0x9000004D  }
0x1f1: {  	s0 =	stileid.u32;
	[bflag:$0x2] =	sbarrier.arrive $0xFFFF  }
0x1f2: {  	p0 =	sne.s32 s0, $0x0;
	s0 =	rddreg [dreg:$0x4]  }
0x1f3: {  	s0 =	sadd.s32 @!p0 $0x100000, s0  }
0x1f4: {  	[sflag:s0] =	ssyncadd.tile.s32 @!p0 $0x1;
	_ =	shalt  }
.Lfunc_end2:
_tile_overlayer_lowered:
.L_overlay_start_2:
0x1f5: {  	(tag) =	ssettag $0x2  }
0x1f6: {  	s0 =	rddreg [dreg:$0x0];
	s2 =	stileid.u32  }
0x1f7: {  	s1 =	rddreg [dreg:$0x1];
	p0 =	sne.s32 s2, $0x0  }
0x1f8: {  	s3 =	rddreg [dreg:$0x2];
	[bflag:$0x3] =	sbarrier.arrive $0xFFFF;
	s2 =	simm.s32 @!p0 $0x1C09  }
0x1f9: {  	[timem:s3], [sflag:s2] =	dma.local @!p0 [hbm:s0], s1  }
0x1fa: {  	s0 =	simm.s32 @!p0 $0x9  }
0x1fb: {  	_ =	swait.ge @!p0 [sflag:s0], s1  }
0x1fc: {  	s1 =	ssub.s32 @!p0 $0x0, s1;
	[sflag:s0] =	ssyncset.done @!p0 $0x0  }
0x1fd: {  	[sflag:s0] =	ssyncadd.s32 @!p0 s1  }
0x1fe: {  	[bflag:$0x3] =	sbarrier.arrive $0xFFFF  }
0x1ff: {  	_ =	shalt  }

</sc_bundles>
